<compile_context>
chip_gen: v7x
topology: tpu7x:2x2x1
jax: 0.10.2.dev20260603
libtpu: 0.0.44.dev20260713+nightly
codegen_flags: <defaults>
</compile_context>

<pallas_src>
import functools

import jax
import jax.numpy as jnp
from jax import lax
from jax.experimental import pallas as pl
from jax.experimental.pallas import tpu as pltpu
from jax.experimental.pallas import tpu_sc as plsc

NC = 2
NS = 16
NW = NC * NS
D = 8
CB = 16
B = CB * 128


def _edge_kernel_body(E, pos_hbm, edge_hbm, dist_hbm, vec_hbm,
                      row0, row1, col0, col1, prow0, prow1, pcol0, pcol1,
                      dist0, dist1, vout0, vout1,
                      isem0, isem1, gsem0, gsem1, osem0, osem1):
    nb_total = E // 128
    base_nb = nb_total // NW
    extra = nb_total - base_nb * NW
    wid = lax.axis_index("s") * NC + lax.axis_index("c")
    start = wid * base_nb + jnp.minimum(wid, extra)
    nb = base_nb + jnp.where(wid < extra, 1, 0)
    nch = (base_nb + CB - 1) // CB
    last_cb = start + nb - CB

    rows = (row0, row1)
    cols = (col0, col1)
    prows = (prow0, prow1)
    pcols = (pcol0, pcol1)
    dists = (dist0, dist1)
    vouts = (vout0, vout1)
    isems = (isem0, isem1)
    gsems = (gsem0, gsem1)
    osems = (osem0, osem1)

    def chunk_base(ci):
        return jnp.minimum(start + ci * CB, last_cb)

    def idx_start(ci, s):
        e0 = chunk_base(ci) * 128
        pltpu.async_copy(edge_hbm.at[0, pl.ds(e0, B)], rows[s], isems[s])
        pltpu.async_copy(edge_hbm.at[1, pl.ds(e0, B)], cols[s], isems[s])

    def idx_wait(s):
        pltpu.make_async_copy(edge_hbm.at[0, pl.ds(0, B)], rows[s], isems[s]).wait()
        pltpu.make_async_copy(edge_hbm.at[1, pl.ds(0, B)], cols[s], isems[s]).wait()

    def g_start(s):
        pltpu.async_copy(pos_hbm.at[rows[s]], prows[s], gsems[s])
        pltpu.async_copy(pos_hbm.at[cols[s]], pcols[s], gsems[s])

    def g_wait(s):
        pltpu.make_async_copy(pos_hbm.at[rows[s]], prows[s], gsems[s]).wait()
        pltpu.make_async_copy(pos_hbm.at[cols[s]], pcols[s], gsems[s]).wait()

    def out_start(ci, s):
        cb = chunk_base(ci)
        pltpu.async_copy(dists[s], dist_hbm.at[pl.ds(cb * 128, B)], osems[s])
        pltpu.async_copy(vouts[s], vec_hbm.at[pl.ds(cb, CB)], osems[s])

    def out_wait(s):
        pltpu.make_async_copy(dists[s], dist_hbm.at[pl.ds(0, B)], osems[s]).wait()
        pltpu.make_async_copy(vouts[s], vec_hbm.at[pl.ds(0, CB)], osems[s]).wait()

    def compute(s):
        rv, cv = rows[s], cols[s]
        pr, pc = prows[s], pcols[s]
        dv, vo = dists[s], vouts[s]

        def block_body(bi, carry):
            for jj in range(8):
                o = bi * 128 + jj * 16
                ci16 = jj * 16
                lid = o + lax.iota(jnp.int32, 16)
                k0 = jnp.zeros((16,), jnp.int32)
                k1 = jnp.full((16,), 1, jnp.int32)
                k2 = jnp.full((16,), 2, jnp.int32)
                rx = plsc.load_gather(pr, [lid, k0])
                ry = plsc.load_gather(pr, [lid, k1])
                rz = plsc.load_gather(pr, [lid, k2])
                cx = plsc.load_gather(pc, [lid, k0])
                cy = plsc.load_gather(pc, [lid, k1])
                cz = plsc.load_gather(pc, [lid, k2])
                dx = rx - cx
                dy = ry - cy
                dz = rz - cz
                sq = dx * dx + dy * dy + dz * dz
                r16 = rv[pl.ds(o, 16)]
                c16 = cv[pl.ds(o, 16)]
                sqs = jnp.where(r16 != c16, sq, 1.0)
                ibits = plsc.bitcast(sqs, jnp.int32)
                ibits = 0x5F3759DF - lax.shift_right_logical(ibits, 1)
                y = plsc.bitcast(ibits, jnp.float32)
                nh = sqs * -0.5
                y = y * (1.5 + nh * y * y)
                y = y * (1.5 + nh * y * y)
                dv[pl.ds(o, 16)] = sq * y
                vo[bi, 0, pl.ds(ci16, 16)] = dx * y
                vo[bi, 1, pl.ds(ci16, 16)] = dy * y
                vo[bi, 2, pl.ds(ci16, 16)] = dz * y
            return carry

        lax.fori_loop(0, CB, block_body, 0, unroll=False)

    idx_start(0, 0)
    idx_wait(0)
    g_start(0)
    idx_start(1, 1)

    @pl.loop(0, nch + 1, step=2)
    def _chunks(k):
        for s in (0, 1):
            ci = k + s

            @pl.when(ci < nch)
            def _step():
                @pl.when(ci + 1 < nch)
                def _prefetch_gather():
                    idx_wait(1 - s)
                    g_start(1 - s)

                g_wait(s)

                @pl.when(ci >= 2)
                def _drain_out():
                    out_wait(s)

                compute(s)
                out_start(ci, s)

                @pl.when(ci + 2 < nch)
                def _prefetch_idx():
                    idx_start(ci + 2, s)

    out_wait(1 - (nch - 1) % 2)
    out_wait((nch - 1) % 2)


def _edge_connect_sc(positions, edge_indices):
    E = edge_indices.shape[1]
    mesh = plsc.VectorSubcoreMesh(core_axis_name="c", subcore_axis_name="s",
                                  num_cores=NC, num_subcores=NS)
    body = functools.partial(_edge_kernel_body, E)
    return pl.kernel(
        body,
        out_type=[
            jax.ShapeDtypeStruct((E,), jnp.float32),
            jax.ShapeDtypeStruct((E // 128, 4, 128), jnp.float32),
        ],
        mesh=mesh,
        compiler_params=pltpu.CompilerParams(needs_layout_passes=False,
                                             use_tc_tiling_on_sc=False),
        scratch_types=[
            pltpu.VMEM((B,), jnp.int32),
            pltpu.VMEM((B,), jnp.int32),
            pltpu.VMEM((B,), jnp.int32),
            pltpu.VMEM((B,), jnp.int32),
            pltpu.VMEM((B, D), jnp.float32),
            pltpu.VMEM((B, D), jnp.float32),
            pltpu.VMEM((B, D), jnp.float32),
            pltpu.VMEM((B, D), jnp.float32),
            pltpu.VMEM((B,), jnp.float32),
            pltpu.VMEM((B,), jnp.float32),
            pltpu.VMEM((CB, 4, 128), jnp.float32),
            pltpu.VMEM((CB, 4, 128), jnp.float32),
            pltpu.SemaphoreType.DMA,
            pltpu.SemaphoreType.DMA,
            pltpu.SemaphoreType.DMA,
            pltpu.SemaphoreType.DMA,
            pltpu.SemaphoreType.DMA,
            pltpu.SemaphoreType.DMA,
        ],
    )(positions, edge_indices)


def kernel(positions, batch, edge_indices):
    n = positions.shape[0]
    e = edge_indices.shape[1]
    pos_pad = jnp.concatenate(
        [positions, jnp.zeros((n, D - 3), jnp.float32)], axis=1)
    dist, vec3d = _edge_connect_sc(pos_pad, edge_indices.astype(jnp.int32))
    vec = vec3d[:, :3, :].transpose(0, 2, 1).reshape(e, 3)
    return (edge_indices, dist, vec)

# --- scband reference (transcript-rebuilt; emitter-appended) ---
"""Pipeline reference for scband-edge-connect-28278064677127 (READ-ONLY COPY).

The authoritative reference and input builder live on the scoring server;
editing this copy changes nothing except your own understanding.
"""

import jax, jax.numpy as jnp
import numpy as np

N_NODES = 50000
N_EDGES = 1600000
N_MOLS = 64

def setup_inputs(seed: int = 0) -> dict:
    key = jax.random.key(seed)
    k1, k2, k3 = jax.random.split(key, 3)
    positions = jax.random.normal(k1, (N_NODES, 3), dtype=jnp.float32)
    batch = jnp.sort(jax.random.randint(k2, (N_NODES,), 0, N_MOLS, dtype=jnp.int64))
    edge_indices = jax.random.randint(k3, (2, N_EDGES), 0, N_NODES, dtype=jnp.int64)
    return {"positions": positions, "batch": batch, "edge_indices": edge_indices}

def reference(positions, batch, edge_indices):
    # edge_indices are precomputed (radius_graph branch skipped, as in torch when edge_indices is not None)
    row = edge_indices[0]
    col = edge_indices[1]
    edge_vectors = positions[row] - positions[col]
    mask = row != col
    sq = jnp.sum(edge_vectors * edge_vectors, axis=-1)
    # safe sqrt: avoid sqrt(0) on self-loop edges
    norms = jnp.sqrt(jnp.where(mask, sq, 1.0))
    edge_distances = jnp.where(mask, norms, 0.0)
    safe = jnp.where(mask, norms, 1.0)
    edge_vectors = jnp.where(mask[:, None], edge_vectors / safe[:, None], edge_vectors)
    return (edge_indices, edge_distances, edge_vectors)

if __name__ == "__main__":
    import jax
    _d = setup_inputs()
    print(jax.jit(kernel)(*tuple(_d.values())))

</pallas_src>

<mosaic_0001>
#map = affine_map<(d0, d1) -> (0, 0)>
#map1 = affine_map<(d0, d1) -> (0)>
#map2 = affine_map<(d0, d1) -> (0, 0, 0)>
module attributes {stable_mosaic.version = 14 : i64} {
  func.func @_edge_kernel_body(%arg0: i32, %arg1: i32, %arg2: memref<50000x8xf32, #tpu.memory_space<hbm>>, %arg3: memref<2x1600000xi32, #tpu.memory_space<hbm>>, %arg4: memref<1600000xf32, #tpu.memory_space<hbm>>, %arg5: memref<12500x4x128xf32, #tpu.memory_space<hbm>>, %arg6: memref<2048xi32, #tpu.memory_space<vmem>>, %arg7: memref<2048xi32, #tpu.memory_space<vmem>>, %arg8: memref<2048xi32, #tpu.memory_space<vmem>>, %arg9: memref<2048xi32, #tpu.memory_space<vmem>>, %arg10: memref<2048x8xf32, #tpu.memory_space<vmem>>, %arg11: memref<2048x8xf32, #tpu.memory_space<vmem>>, %arg12: memref<2048x8xf32, #tpu.memory_space<vmem>>, %arg13: memref<2048x8xf32, #tpu.memory_space<vmem>>, %arg14: memref<2048xf32, #tpu.memory_space<vmem>>, %arg15: memref<2048xf32, #tpu.memory_space<vmem>>, %arg16: memref<16x4x128xf32, #tpu.memory_space<vmem>>, %arg17: memref<16x4x128xf32, #tpu.memory_space<vmem>>, %arg18: memref<!tpu.dma_semaphore, #tpu.memory_space<semaphore_mem>>, %arg19: memref<!tpu.dma_semaphore, #tpu.memory_space<semaphore_mem>>, %arg20: memref<!tpu.dma_semaphore, #tpu.memory_space<semaphore_mem>>, %arg21: memref<!tpu.dma_semaphore, #tpu.memory_space<semaphore_mem>>, %arg22: memref<!tpu.dma_semaphore, #tpu.memory_space<semaphore_mem>>, %arg23: memref<!tpu.dma_semaphore, #tpu.memory_space<semaphore_mem>>) attributes {dimension_semantics = [#tpu.dimension_semantics<core_parallel>, #tpu.dimension_semantics<subcore_parallel>], iteration_bounds = array<i64: 2, 16>, scalar_prefetch = 0 : i64, scratch_operands = 18 : i64, tpu.core_type = #tpu.core_type<sc_vector_subcore>, window_params = [{transform_indices = #map}, {transform_indices = #map}, {transform_indices = #map1}, {transform_indices = #map2}]} {
    %mul3A = arith.constant 2 : i32
    %mul3A_0 = arith.muli %arg1, %mul3A : i32
    %add3A = arith.addi %mul3A_0, %arg0 : i32
    %mul3A_1 = arith.constant 390 : i32
    %mul3A_2 = arith.muli %add3A, %mul3A_1 : i32
    %min3A = arith.constant 20 : i32
    %min3A_3 = arith.minsi %add3A, %min3A : i32
    %add3A_4 = arith.addi %mul3A_2, %min3A_3 : i32
    %lt3A = arith.constant 20 : i32
    %lt3A_5 = arith.cmpi slt, %add3A, %lt3A : i32
    %jit3A = arith.constant 1 : i32
    %jit3A_6 = arith.constant 0 : i32
    %select_n3A = arith.select %lt3A_5, %jit3A, %jit3A_6 : i32
    %add3A_7 = arith.constant 390 : i32
    %add3A_8 = arith.addi %add3A_7, %select_n3A : i32
    %add3A_9 = arith.addi %add3A_4, %add3A_8 : i32
    %sub3A = arith.constant 16 : i32
    %sub3A_10 = arith.subi %add3A_9, %sub3A : i32
    %add3A_11 = arith.constant 0 : i32
    %add3A_12 = arith.addi %add3A_4, %add3A_11 : i32
    %min3A_13 = arith.minsi %add3A_12, %sub3A_10 : i32
    %mul3A_14 = arith.constant 128 : i32
    %mul3A_15 = arith.muli %min3A_13, %mul3A_14 : i32
    %dma_start3A = arith.constant 0 : i32
    %dma_start3A_16 = tpu.memref_slice %arg3[%dma_start3A, %mul3A_15] : memref<2x1600000xi32, #tpu.memory_space<hbm>> -> memref<1x2048xi32, #tpu.memory_space<hbm>>
    %dma_start3A_17 = tpu.memref_squeeze %dma_start3A_16 : memref<1x2048xi32, #tpu.memory_space<hbm>> -> memref<2048xi32, #tpu.memory_space<hbm>>
    %dma_start3A_18 = tpu.memref_slice %arg3[%dma_start3A, %mul3A_15] : memref<2x1600000xi32, #tpu.memory_space<hbm>> -> memref<1x2048xi32, #tpu.memory_space<hbm>>
    %dma_start3A_19 = tpu.memref_squeeze %dma_start3A_18 : memref<1x2048xi32, #tpu.memory_space<hbm>> -> memref<2048xi32, #tpu.memory_space<hbm>>
    tpu.enqueue_dma source(%dma_start3A_19 : memref<2048xi32, #tpu.memory_space<hbm>>) target(%arg6 : memref<2048xi32, #tpu.memory_space<vmem>>) target_semaphore(%arg18 : memref<!tpu.dma_semaphore, #tpu.memory_space<semaphore_mem>>)
    %dma_start3A_20 = arith.constant 1 : i32
    %dma_start3A_21 = tpu.memref_slice %arg3[%dma_start3A_20, %mul3A_15] : memref<2x1600000xi32, #tpu.memory_space<hbm>> -> memref<1x2048xi32, #tpu.memory_space<hbm>>
    %dma_start3A_22 = tpu.memref_squeeze %dma_start3A_21 : memref<1x2048xi32, #tpu.memory_space<hbm>> -> memref<2048xi32, #tpu.memory_space<hbm>>
    %dma_start3A_23 = tpu.memref_slice %arg3[%dma_start3A_20, %mul3A_15] : memref<2x1600000xi32, #tpu.memory_space<hbm>> -> memref<1x2048xi32, #tpu.memory_space<hbm>>
    %dma_start3A_24 = tpu.memref_squeeze %dma_start3A_23 : memref<1x2048xi32, #tpu.memory_space<hbm>> -> memref<2048xi32, #tpu.memory_space<hbm>>
    tpu.enqueue_dma source(%dma_start3A_24 : memref<2048xi32, #tpu.memory_space<hbm>>) target(%arg8 : memref<2048xi32, #tpu.memory_space<vmem>>) target_semaphore(%arg18 : memref<!tpu.dma_semaphore, #tpu.memory_space<semaphore_mem>>)
    %dma_wait3A = arith.constant 0 : i32
    %dma_wait3A_25 = arith.constant 0 : i32
    %dma_wait3A_26 = tpu.memref_slice %arg3[%dma_wait3A, %dma_wait3A_25] : memref<2x1600000xi32, #tpu.memory_space<hbm>> -> memref<1x2048xi32, #tpu.memory_space<hbm>>
    %dma_wait3A_27 = tpu.memref_squeeze %dma_wait3A_26 : memref<1x2048xi32, #tpu.memory_space<hbm>> -> memref<2048xi32, #tpu.memory_space<hbm>>
    %dma_wait3A_28 = arith.constant 0 : i32
    %dma_wait3A_29 = tpu.memref_slice %arg3[%dma_wait3A, %dma_wait3A_28] : memref<2x1600000xi32, #tpu.memory_space<hbm>> -> memref<1x2048xi32, #tpu.memory_space<hbm>>
    %dma_wait3A_30 = tpu.memref_squeeze %dma_wait3A_29 : memref<1x2048xi32, #tpu.memory_space<hbm>> -> memref<2048xi32, #tpu.memory_space<hbm>>
    tpu.wait_dma2 semaphore(%arg18 : memref<!tpu.dma_semaphore, #tpu.memory_space<semaphore_mem>>) src(%dma_wait3A_30 : memref<2048xi32, #tpu.memory_space<hbm>>) dst(%arg6 : memref<2048xi32, #tpu.memory_space<vmem>>)
    %dma_wait3A_31 = arith.constant 1 : i32
    %dma_wait3A_32 = arith.constant 0 : i32
    %dma_wait3A_33 = tpu.memref_slice %arg3[%dma_wait3A_31, %dma_wait3A_32] : memref<2x1600000xi32, #tpu.memory_space<hbm>> -> memref<1x2048xi32, #tpu.memory_space<hbm>>
    %dma_wait3A_34 = tpu.memref_squeeze %dma_wait3A_33 : memref<1x2048xi32, #tpu.memory_space<hbm>> -> memref<2048xi32, #tpu.memory_space<hbm>>
    %dma_wait3A_35 = arith.constant 0 : i32
    %dma_wait3A_36 = tpu.memref_slice %arg3[%dma_wait3A_31, %dma_wait3A_35] : memref<2x1600000xi32, #tpu.memory_space<hbm>> -> memref<1x2048xi32, #tpu.memory_space<hbm>>
    %dma_wait3A_37 = tpu.memref_squeeze %dma_wait3A_36 : memref<1x2048xi32, #tpu.memory_space<hbm>> -> memref<2048xi32, #tpu.memory_space<hbm>>
    tpu.wait_dma2 semaphore(%arg18 : memref<!tpu.dma_semaphore, #tpu.memory_space<semaphore_mem>>) src(%dma_wait3A_37 : memref<2048xi32, #tpu.memory_space<hbm>>) dst(%arg8 : memref<2048xi32, #tpu.memory_space<vmem>>)
    %dma_start3A_38 = arith.constant 0 : i32
    %dma_start3A_39 = arith.constant 0 : i32
    %dma_start3A_40 = tpu.memref_slice %arg2[%dma_start3A_38, %dma_start3A_39] : memref<50000x8xf32, #tpu.memory_space<hbm>> -> memref<50000x8xf32, #tpu.memory_space<hbm>>
    tpu.enqueue_indirect_dma source(%dma_start3A_40 : memref<50000x8xf32, #tpu.memory_space<hbm>>) target(%arg10 : memref<2048x8xf32, #tpu.memory_space<vmem>>) offsets(%arg6 : memref<2048xi32, #tpu.memory_space<vmem>>) semaphore(%arg20 : memref<!tpu.dma_semaphore, #tpu.memory_space<semaphore_mem>>)
    %dma_start3A_41 = arith.constant 0 : i32
    %dma_start3A_42 = arith.constant 0 : i32
    %dma_start3A_43 = tpu.memref_slice %arg2[%dma_start3A_41, %dma_start3A_42] : memref<50000x8xf32, #tpu.memory_space<hbm>> -> memref<50000x8xf32, #tpu.memory_space<hbm>>
    tpu.enqueue_indirect_dma source(%dma_start3A_43 : memref<50000x8xf32, #tpu.memory_space<hbm>>) target(%arg12 : memref<2048x8xf32, #tpu.memory_space<vmem>>) offsets(%arg8 : memref<2048xi32, #tpu.memory_space<vmem>>) semaphore(%arg20 : memref<!tpu.dma_semaphore, #tpu.memory_space<semaphore_mem>>)
    %add3A_44 = arith.constant 16 : i32
    %add3A_45 = arith.addi %add3A_4, %add3A_44 : i32
    %min3A_46 = arith.minsi %add3A_45, %sub3A_10 : i32
    %mul3A_47 = arith.constant 128 : i32
    %mul3A_48 = arith.muli %min3A_46, %mul3A_47 : i32
    %dma_start3A_49 = arith.constant 0 : i32
    %dma_start3A_50 = tpu.memref_slice %arg3[%dma_start3A_49, %mul3A_48] : memref<2x1600000xi32, #tpu.memory_space<hbm>> -> memref<1x2048xi32, #tpu.memory_space<hbm>>
    %dma_start3A_51 = tpu.memref_squeeze %dma_start3A_50 : memref<1x2048xi32, #tpu.memory_space<hbm>> -> memref<2048xi32, #tpu.memory_space<hbm>>
    %dma_start3A_52 = tpu.memref_slice %arg3[%dma_start3A_49, %mul3A_48] : memref<2x1600000xi32, #tpu.memory_space<hbm>> -> memref<1x2048xi32, #tpu.memory_space<hbm>>
    %dma_start3A_53 = tpu.memref_squeeze %dma_start3A_52 : memref<1x2048xi32, #tpu.memory_space<hbm>> -> memref<2048xi32, #tpu.memory_space<hbm>>
    tpu.enqueue_dma source(%dma_start3A_53 : memref<2048xi32, #tpu.memory_space<hbm>>) target(%arg7 : memref<2048xi32, #tpu.memory_space<vmem>>) target_semaphore(%arg19 : memref<!tpu.dma_semaphore, #tpu.memory_space<semaphore_mem>>)
    %dma_start3A_54 = arith.constant 1 : i32
    %dma_start3A_55 = tpu.memref_slice %arg3[%dma_start3A_54, %mul3A_48] : memref<2x1600000xi32, #tpu.memory_space<hbm>> -> memref<1x2048xi32, #tpu.memory_space<hbm>>
    %dma_start3A_56 = tpu.memref_squeeze %dma_start3A_55 : memref<1x2048xi32, #tpu.memory_space<hbm>> -> memref<2048xi32, #tpu.memory_space<hbm>>
    %dma_start3A_57 = tpu.memref_slice %arg3[%dma_start3A_54, %mul3A_48] : memref<2x1600000xi32, #tpu.memory_space<hbm>> -> memref<1x2048xi32, #tpu.memory_space<hbm>>
    %dma_start3A_58 = tpu.memref_squeeze %dma_start3A_57 : memref<1x2048xi32, #tpu.memory_space<hbm>> -> memref<2048xi32, #tpu.memory_space<hbm>>
    tpu.enqueue_dma source(%dma_start3A_58 : memref<2048xi32, #tpu.memory_space<hbm>>) target(%arg9 : memref<2048xi32, #tpu.memory_space<vmem>>) target_semaphore(%arg19 : memref<!tpu.dma_semaphore, #tpu.memory_space<semaphore_mem>>)
    %scan3A = arith.constant 0 : i32
    %scan3A_59 = arith.constant 13 : i32
    %scan3A_60 = arith.addi %scan3A, %scan3A_59 : i32
    %scan3A_61 = arith.constant 1 : i32
    scf.for %scan3A_87 = %scan3A to %scan3A_60 step %scan3A_61  : i32 {
      %mul3A_88 = arith.constant 2 : i32
      %mul3A_89 = arith.muli %scan3A_87, %mul3A_88 : i32
      %add3A_90 = arith.constant 0 : i32
      %add3A_91 = arith.addi %add3A_90, %mul3A_89 : i32
      %add3A_92 = arith.constant 0 : i32
      %add3A_93 = arith.addi %add3A_91, %add3A_92 : i32
      %lt3A_94 = arith.constant 25 : i32
      %lt3A_95 = arith.cmpi slt, %add3A_93, %lt3A_94 : i32
      %convert_element_type3A = arith.extui %lt3A_95 : i1 to i32
      %cond3A = arith.constant 0 : i32
      %cond3A_96 = arith.cmpi ne, %convert_element_type3A, %cond3A : i32
      scf.if %cond3A_96 {
        %add3A_104 = arith.constant 1 : i32
        %add3A_105 = arith.addi %add3A_93, %add3A_104 : i32
        %lt3A_106 = arith.constant 25 : i32
        %lt3A_107 = arith.cmpi slt, %add3A_105, %lt3A_106 : i32
        %convert_element_type3A_108 = arith.extui %lt3A_107 : i1 to i32
        %cond3A_109 = arith.constant 0 : i32
        %cond3A_110 = arith.cmpi ne, %convert_element_type3A_108, %cond3A_109 : i32
        scf.if %cond3A_110 {
          %dma_wait3A_148 = arith.constant 0 : i32
          %dma_wait3A_149 = arith.constant 0 : i32
          %dma_wait3A_150 = tpu.memref_slice %arg3[%dma_wait3A_148, %dma_wait3A_149] : memref<2x1600000xi32, #tpu.memory_space<hbm>> -> memref<1x2048xi32, #tpu.memory_space<hbm>>
          %dma_wait3A_151 = tpu.memref_squeeze %dma_wait3A_150 : memref<1x2048xi32, #tpu.memory_space<hbm>> -> memref<2048xi32, #tpu.memory_space<hbm>>
          %dma_wait3A_152 = arith.constant 0 : i32
          %dma_wait3A_153 = tpu.memref_slice %arg3[%dma_wait3A_148, %dma_wait3A_152] : memref<2x1600000xi32, #tpu.memory_space<hbm>> -> memref<1x2048xi32, #tpu.memory_space<hbm>>
          %dma_wait3A_154 = tpu.memref_squeeze %dma_wait3A_153 : memref<1x2048xi32, #tpu.memory_space<hbm>> -> memref<2048xi32, #tpu.memory_space<hbm>>
          tpu.wait_dma2 semaphore(%arg19 : memref<!tpu.dma_semaphore, #tpu.memory_space<semaphore_mem>>) src(%dma_wait3A_154 : memref<2048xi32, #tpu.memory_space<hbm>>) dst(%arg7 : memref<2048xi32, #tpu.memory_space<vmem>>)
          %dma_wait3A_155 = arith.constant 1 : i32
          %dma_wait3A_156 = arith.constant 0 : i32
          %dma_wait3A_157 = tpu.memref_slice %arg3[%dma_wait3A_155, %dma_wait3A_156] : memref<2x1600000xi32, #tpu.memory_space<hbm>> -> memref<1x2048xi32, #tpu.memory_space<hbm>>
          %dma_wait3A_158 = tpu.memref_squeeze %dma_wait3A_157 : memref<1x2048xi32, #tpu.memory_space<hbm>> -> memref<2048xi32, #tpu.memory_space<hbm>>
          %dma_wait3A_159 = arith.constant 0 : i32
          %dma_wait3A_160 = tpu.memref_slice %arg3[%dma_wait3A_155, %dma_wait3A_159] : memref<2x1600000xi32, #tpu.memory_space<hbm>> -> memref<1x2048xi32, #tpu.memory_space<hbm>>
          %dma_wait3A_161 = tpu.memref_squeeze %dma_wait3A_160 : memref<1x2048xi32, #tpu.memory_space<hbm>> -> memref<2048xi32, #tpu.memory_space<hbm>>
          tpu.wait_dma2 semaphore(%arg19 : memref<!tpu.dma_semaphore, #tpu.memory_space<semaphore_mem>>) src(%dma_wait3A_161 : memref<2048xi32, #tpu.memory_space<hbm>>) dst(%arg9 : memref<2048xi32, #tpu.memory_space<vmem>>)
          %dma_start3A_162 = arith.constant 0 : i32
          %dma_start3A_163 = arith.constant 0 : i32
          %dma_start3A_164 = tpu.memref_slice %arg2[%dma_start3A_162, %dma_start3A_163] : memref<50000x8xf32, #tpu.memory_space<hbm>> -> memref<50000x8xf32, #tpu.memory_space<hbm>>
          tpu.enqueue_indirect_dma source(%dma_start3A_164 : memref<50000x8xf32, #tpu.memory_space<hbm>>) target(%arg11 : memref<2048x8xf32, #tpu.memory_space<vmem>>) offsets(%arg7 : memref<2048xi32, #tpu.memory_space<vmem>>) semaphore(%arg21 : memref<!tpu.dma_semaphore, #tpu.memory_space<semaphore_mem>>)
          %dma_start3A_165 = arith.constant 0 : i32
          %dma_start3A_166 = arith.constant 0 : i32
          %dma_start3A_167 = tpu.memref_slice %arg2[%dma_start3A_165, %dma_start3A_166] : memref<50000x8xf32, #tpu.memory_space<hbm>> -> memref<50000x8xf32, #tpu.memory_space<hbm>>
          tpu.enqueue_indirect_dma source(%dma_start3A_167 : memref<50000x8xf32, #tpu.memory_space<hbm>>) target(%arg13 : memref<2048x8xf32, #tpu.memory_space<vmem>>) offsets(%arg9 : memref<2048xi32, #tpu.memory_space<vmem>>) semaphore(%arg21 : memref<!tpu.dma_semaphore, #tpu.memory_space<semaphore_mem>>)
        } else {
        }
        %dma_wait3A_111 = arith.constant 0 : i32
        %dma_wait3A_112 = arith.constant 0 : i32
        %dma_wait3A_113 = tpu.memref_slice %arg2[%dma_wait3A_111, %dma_wait3A_112] : memref<50000x8xf32, #tpu.memory_space<hbm>> -> memref<50000x8xf32, #tpu.memory_space<hbm>>
        tpu.wait_indirect_dma semaphore(%arg20 : memref<!tpu.dma_semaphore, #tpu.memory_space<semaphore_mem>>) src(%dma_wait3A_113 : memref<50000x8xf32, #tpu.memory_space<hbm>>) dst(%arg10 : memref<2048x8xf32, #tpu.memory_space<vmem>>)
        %dma_wait3A_114 = arith.constant 0 : i32
        %dma_wait3A_115 = arith.constant 0 : i32
        %dma_wait3A_116 = tpu.memref_slice %arg2[%dma_wait3A_114, %dma_wait3A_115] : memref<50000x8xf32, #tpu.memory_space<hbm>> -> memref<50000x8xf32, #tpu.memory_space<hbm>>
        tpu.wait_indirect_dma semaphore(%arg20 : memref<!tpu.dma_semaphore, #tpu.memory_space<semaphore_mem>>) src(%dma_wait3A_116 : memref<50000x8xf32, #tpu.memory_space<hbm>>) dst(%arg12 : memref<2048x8xf32, #tpu.memory_space<vmem>>)
        %ge3A = arith.constant 2 : i32
        %ge3A_117 = arith.cmpi sge, %add3A_93, %ge3A : i32
        %convert_element_type3A_118 = arith.extui %ge3A_117 : i1 to i32
        %cond3A_119 = arith.constant 0 : i32
        %cond3A_120 = arith.cmpi ne, %convert_element_type3A_118, %cond3A_119 : i32
        scf.if %cond3A_120 {
          %dma_wait3A_148 = arith.constant 0 : i32
          %dma_wait3A_149 = tpu.memref_slice %arg4[%dma_wait3A_148] : memref<1600000xf32, #tpu.memory_space<hbm>> -> memref<2048xf32, #tpu.memory_space<hbm>>
          %dma_wait3A_150 = arith.constant 0 : i32
          %dma_wait3A_151 = tpu.memref_slice %arg4[%dma_wait3A_150] : memref<1600000xf32, #tpu.memory_space<hbm>> -> memref<2048xf32, #tpu.memory_space<hbm>>
          tpu.wait_dma2 semaphore(%arg22 : memref<!tpu.dma_semaphore, #tpu.memory_space<semaphore_mem>>) src(%arg14 : memref<2048xf32, #tpu.memory_space<vmem>>) dst(%dma_wait3A_151 : memref<2048xf32, #tpu.memory_space<hbm>>)
          %dma_wait3A_152 = arith.constant 0 : i32
          %dma_wait3A_153 = arith.constant 0 : i32
          %dma_wait3A_154 = arith.constant 0 : i32
          %dma_wait3A_155 = tpu.memref_slice %arg5[%dma_wait3A_152, %dma_wait3A_153, %dma_wait3A_154] : memref<12500x4x128xf32, #tpu.memory_space<hbm>> -> memref<16x4x128xf32, #tpu.memory_space<hbm>>
          %dma_wait3A_156 = arith.constant 0 : i32
          %dma_wait3A_157 = arith.constant 0 : i32
          %dma_wait3A_158 = arith.constant 0 : i32
          %dma_wait3A_159 = tpu.memref_slice %arg5[%dma_wait3A_156, %dma_wait3A_157, %dma_wait3A_158] : memref<12500x4x128xf32, #tpu.memory_space<hbm>> -> memref<16x4x128xf32, #tpu.memory_space<hbm>>
          tpu.wait_dma2 semaphore(%arg22 : memref<!tpu.dma_semaphore, #tpu.memory_space<semaphore_mem>>) src(%arg16 : memref<16x4x128xf32, #tpu.memory_space<vmem>>) dst(%dma_wait3A_159 : memref<16x4x128xf32, #tpu.memory_space<hbm>>)
        } else {
        }
        %scan3A_121 = arith.constant 0 : i32
        %scan3A_122 = arith.constant 0 : i32
        %scan3A_123 = arith.constant 16 : i32
        %scan3A_124 = arith.addi %scan3A_122, %scan3A_123 : i32
        %scan3A_125 = arith.constant 1 : i32
        scf.for %scan3A_148 = %scan3A_122 to %scan3A_124 step %scan3A_125  : i32 {
          %mul3A_149 = arith.constant 128 : i32
          %mul3A_150 = arith.muli %scan3A_148, %mul3A_149 : i32
          %add3A_151 = arith.constant 0 : i32
          %add3A_152 = arith.addi %mul3A_150, %add3A_151 : i32
          %iota3A = tpu.iota {dimensions = array<i32: 0>} : vector<16xi32>
          %add3A_153 = vector.broadcast %add3A_152 : i32 to vector<16xi32>
          %add3A_154 = arith.addi %add3A_153, %iota3A : vector<16xi32>
          %broadcast_in_dim3A = arith.constant 0 : i32
          %broadcast_in_dim3A_155 = vector.broadcast %broadcast_in_dim3A : i32 to vector<16xi32>
          %broadcast_in_dim3A_156 = arith.constant 1 : i32
          %broadcast_in_dim3A_157 = vector.broadcast %broadcast_in_dim3A_156 : i32 to vector<16xi32>
          %broadcast_in_dim3A_158 = arith.constant 2 : i32
          %broadcast_in_dim3A_159 = vector.broadcast %broadcast_in_dim3A_158 : i32 to vector<16xi32>
          %gather3A = tpu.vector_load_idx %arg10[%add3A_154, %broadcast_in_dim3A_155] : memref<2048x8xf32, #tpu.memory_space<vmem>>[vector<16xi32>, vector<16xi32>], vector<16xf32>,
          %gather3A_160 = tpu.vector_load_idx %arg10[%add3A_154, %broadcast_in_dim3A_157] : memref<2048x8xf32, #tpu.memory_space<vmem>>[vector<16xi32>, vector<16xi32>], vector<16xf32>,
          %gather3A_161 = tpu.vector_load_idx %arg10[%add3A_154, %broadcast_in_dim3A_159] : memref<2048x8xf32, #tpu.memory_space<vmem>>[vector<16xi32>, vector<16xi32>], vector<16xf32>,
          %gather3A_162 = tpu.vector_load_idx %arg12[%add3A_154, %broadcast_in_dim3A_155] : memref<2048x8xf32, #tpu.memory_space<vmem>>[vector<16xi32>, vector<16xi32>], vector<16xf32>,
          %gather3A_163 = tpu.vector_load_idx %arg12[%add3A_154, %broadcast_in_dim3A_157] : memref<2048x8xf32, #tpu.memory_space<vmem>>[vector<16xi32>, vector<16xi32>], vector<16xf32>,
          %gather3A_164 = tpu.vector_load_idx %arg12[%add3A_154, %broadcast_in_dim3A_159] : memref<2048x8xf32, #tpu.memory_space<vmem>>[vector<16xi32>, vector<16xi32>], vector<16xf32>,
          %sub3A_165 = arith.subf %gather3A, %gather3A_162 : vector<16xf32>
          %sub3A_166 = arith.subf %gather3A_160, %gather3A_163 : vector<16xf32>
          %sub3A_167 = arith.subf %gather3A_161, %gather3A_164 : vector<16xf32>
          %mul3A_168 = arith.mulf %sub3A_165, %sub3A_165 : vector<16xf32>
          %mul3A_169 = arith.mulf %sub3A_166, %sub3A_166 : vector<16xf32>
          %add3A_170 = arith.addf %mul3A_168, %mul3A_169 : vector<16xf32>
          %mul3A_171 = arith.mulf %sub3A_167, %sub3A_167 : vector<16xf32>
          %add3A_172 = arith.addf %add3A_170, %mul3A_171 : vector<16xf32>
          %get3A = arith.index_cast %add3A_152 : i32 to index
          %get3A_173 = tpu.vector_load %arg6[%get3A] {strides = array<i32>} : memref<2048xi32, #tpu.memory_space<vmem>>, vector<16xi32>,
          %get3A_174 = arith.index_cast %add3A_152 : i32 to index
          %get3A_175 = tpu.vector_load %arg8[%get3A_174] {strides = array<i32>} : memref<2048xi32, #tpu.memory_space<vmem>>, vector<16xi32>,
          %ne3A = arith.cmpi ne, %get3A_173, %get3A_175 : vector<16xi32>
          %jit3A_176 = arith.constant 1.000000e+00 : f32
          %broadcast_in_dim3A_177 = vector.broadcast %jit3A_176 : f32 to vector<16xf32>
          %select_n3A_178 = arith.select %ne3A, %add3A_172, %broadcast_in_dim3A_177 : vector<16xi1>, vector<16xf32>
          %bitcast3A = vector.bitcast %select_n3A_178 : vector<16xf32> to vector<16xi32>
          %shift_right_logical3A = arith.constant 1 : i32
          %shift_right_logical3A_179 = vector.broadcast %shift_right_logical3A : i32 to vector<16xi32>
          %shift_right_logical3A_180 = arith.shrui %bitcast3A, %shift_right_logical3A_179 : vector<16xi32>
          %sub3A_181 = arith.constant 1597463007 : i32
          %sub3A_182 = vector.broadcast %sub3A_181 : i32 to vector<16xi32>
          %sub3A_183 = arith.subi %sub3A_182, %shift_right_logical3A_180 : vector<16xi32>
          %bitcast3A_184 = vector.bitcast %sub3A_183 : vector<16xi32> to vector<16xf32>
          %mul3A_185 = arith.constant -5.000000e-01 : f32
          %mul3A_186 = vector.broadcast %mul3A_185 : f32 to vector<16xf32>
          %mul3A_187 = arith.mulf %select_n3A_178, %mul3A_186 : vector<16xf32>
          %mul3A_188 = arith.mulf %mul3A_187, %bitcast3A_184 : vector<16xf32>
          %mul3A_189 = arith.mulf %mul3A_188, %bitcast3A_184 : vector<16xf32>
          %add3A_190 = arith.constant 1.500000e+00 : f32
          %add3A_191 = vector.broadcast %add3A_190 : f32 to vector<16xf32>
          %add3A_192 = arith.addf %add3A_191, %mul3A_189 : vector<16xf32>
          %mul3A_193 = arith.mulf %bitcast3A_184, %add3A_192 : vector<16xf32>
          %mul3A_194 = arith.mulf %mul3A_187, %mul3A_193 : vector<16xf32>
          %mul3A_195 = arith.mulf %mul3A_194, %mul3A_193 : vector<16xf32>
          %add3A_196 = arith.constant 1.500000e+00 : f32
          %add3A_197 = vector.broadcast %add3A_196 : f32 to vector<16xf32>
          %add3A_198 = arith.addf %add3A_197, %mul3A_195 : vector<16xf32>
          %mul3A_199 = arith.mulf %mul3A_193, %add3A_198 : vector<16xf32>
          %mul3A_200 = arith.mulf %add3A_172, %mul3A_199 : vector<16xf32>
          %swap3A = arith.index_cast %add3A_152 : i32 to index
          %swap3A_201 = tpu.vector_load %arg14[%swap3A] {strides = array<i32>} : memref<2048xf32, #tpu.memory_space<vmem>>, vector<16xf32>,
          tpu.vector_store %arg14[%swap3A], %mul3A_200 {strides = array<i32>} : memref<2048xf32, #tpu.memory_space<vmem>>, vector<16xf32>,
          %mul3A_202 = arith.mulf %sub3A_165, %mul3A_199 : vector<16xf32>
          %swap3A_203 = arith.constant 0 : i32
          %swap3A_204 = arith.index_cast %scan3A_148 : i32 to index
          %swap3A_205 = arith.index_cast %swap3A_203 : i32 to index
          %swap3A_206 = arith.constant 0 : index
          %swap3A_207 = tpu.vector_load %arg16[%swap3A_204, %swap3A_205, %swap3A_206] {strides = array<i32>} : memref<16x4x128xf32, #tpu.memory_space<vmem>>, vector<16xf32>,
          tpu.vector_store %arg16[%swap3A_204, %swap3A_205, %swap3A_206], %mul3A_202 {strides = array<i32>} : memref<16x4x128xf32, #tpu.memory_space<vmem>>, vector<16xf32>,
          %mul3A_208 = arith.mulf %sub3A_166, %mul3A_199 : vector<16xf32>
          %swap3A_209 = arith.constant 1 : i32
          %swap3A_210 = arith.index_cast %scan3A_148 : i32 to index
          %swap3A_211 = arith.index_cast %swap3A_209 : i32 to index
          %swap3A_212 = arith.constant 0 : index
          %swap3A_213 = tpu.vector_load %arg16[%swap3A_210, %swap3A_211, %swap3A_212] {strides = array<i32>} : memref<16x4x128xf32, #tpu.memory_space<vmem>>, vector<16xf32>,
          tpu.vector_store %arg16[%swap3A_210, %swap3A_211, %swap3A_212], %mul3A_208 {strides = array<i32>} : memref<16x4x128xf32, #tpu.memory_space<vmem>>, vector<16xf32>,
          %mul3A_214 = arith.mulf %sub3A_167, %mul3A_199 : vector<16xf32>
          %swap3A_215 = arith.constant 2 : i32
          %swap3A_216 = arith.index_cast %scan3A_148 : i32 to index
          %swap3A_217 = arith.index_cast %swap3A_215 : i32 to index
          %swap3A_218 = arith.constant 0 : index
          %swap3A_219 = tpu.vector_load %arg16[%swap3A_216, %swap3A_217, %swap3A_218] {strides = array<i32>} : memref<16x4x128xf32, #tpu.memory_space<vmem>>, vector<16xf32>,
          tpu.vector_store %arg16[%swap3A_216, %swap3A_217, %swap3A_218], %mul3A_214 {strides = array<i32>} : memref<16x4x128xf32, #tpu.memory_space<vmem>>, vector<16xf32>,
          %mul3A_220 = arith.constant 128 : i32
          %mul3A_221 = arith.muli %scan3A_148, %mul3A_220 : i32
          %add3A_222 = arith.constant 16 : i32
          %add3A_223 = arith.addi %mul3A_221, %add3A_222 : i32
          %iota3A_224 = tpu.iota {dimensions = array<i32: 0>} : vector<16xi32>
          %add3A_225 = vector.broadcast %add3A_223 : i32 to vector<16xi32>
          %add3A_226 = arith.addi %add3A_225, %iota3A_224 : vector<16xi32>
          %broadcast_in_dim3A_227 = arith.constant 0 : i32
          %broadcast_in_dim3A_228 = vector.broadcast %broadcast_in_dim3A_227 : i32 to vector<16xi32>
          %broadcast_in_dim3A_229 = arith.constant 1 : i32
          %broadcast_in_dim3A_230 = vector.broadcast %broadcast_in_dim3A_229 : i32 to vector<16xi32>
          %broadcast_in_dim3A_231 = arith.constant 2 : i32
          %broadcast_in_dim3A_232 = vector.broadcast %broadcast_in_dim3A_231 : i32 to vector<16xi32>
          %gather3A_233 = tpu.vector_load_idx %arg10[%add3A_226, %broadcast_in_dim3A_228] : memref<2048x8xf32, #tpu.memory_space<vmem>>[vector<16xi32>, vector<16xi32>], vector<16xf32>,
          %gather3A_234 = tpu.vector_load_idx %arg10[%add3A_226, %broadcast_in_dim3A_230] : memref<2048x8xf32, #tpu.memory_space<vmem>>[vector<16xi32>, vector<16xi32>], vector<16xf32>,
          %gather3A_235 = tpu.vector_load_idx %arg10[%add3A_226, %broadcast_in_dim3A_232] : memref<2048x8xf32, #tpu.memory_space<vmem>>[vector<16xi32>, vector<16xi32>], vector<16xf32>,
          %gather3A_236 = tpu.vector_load_idx %arg12[%add3A_226, %broadcast_in_dim3A_228] : memref<2048x8xf32, #tpu.memory_space<vmem>>[vector<16xi32>, vector<16xi32>], vector<16xf32>,
          %gather3A_237 = tpu.vector_load_idx %arg12[%add3A_226, %broadcast_in_dim3A_230] : memref<2048x8xf32, #tpu.memory_space<vmem>>[vector<16xi32>, vector<16xi32>], vector<16xf32>,
          %gather3A_238 = tpu.vector_load_idx %arg12[%add3A_226, %broadcast_in_dim3A_232] : memref<2048x8xf32, #tpu.memory_space<vmem>>[vector<16xi32>, vector<16xi32>], vector<16xf32>,
          %sub3A_239 = arith.subf %gather3A_233, %gather3A_236 : vector<16xf32>
          %sub3A_240 = arith.subf %gather3A_234, %gather3A_237 : vector<16xf32>
          %sub3A_241 = arith.subf %gather3A_235, %gather3A_238 : vector<16xf32>
          %mul3A_242 = arith.mulf %sub3A_239, %sub3A_239 : vector<16xf32>
          %mul3A_243 = arith.mulf %sub3A_240, %sub3A_240 : vector<16xf32>
          %add3A_244 = arith.addf %mul3A_242, %mul3A_243 : vector<16xf32>
          %mul3A_245 = arith.mulf %sub3A_241, %sub3A_241 : vector<16xf32>
          %add3A_246 = arith.addf %add3A_244, %mul3A_245 : vector<16xf32>
          %get3A_247 = arith.index_cast %add3A_223 : i32 to index
          %get3A_248 = tpu.vector_load %arg6[%get3A_247] {strides = array<i32>} : memref<2048xi32, #tpu.memory_space<vmem>>, vector<16xi32>,
          %get3A_249 = arith.index_cast %add3A_223 : i32 to index
          %get3A_250 = tpu.vector_load %arg8[%get3A_249] {strides = array<i32>} : memref<2048xi32, #tpu.memory_space<vmem>>, vector<16xi32>,
          %ne3A_251 = arith.cmpi ne, %get3A_248, %get3A_250 : vector<16xi32>
          %jit3A_252 = arith.constant 1.000000e+00 : f32
          %broadcast_in_dim3A_253 = vector.broadcast %jit3A_252 : f32 to vector<16xf32>
          %select_n3A_254 = arith.select %ne3A_251, %add3A_246, %broadcast_in_dim3A_253 : vector<16xi1>, vector<16xf32>
          %bitcast3A_255 = vector.bitcast %select_n3A_254 : vector<16xf32> to vector<16xi32>
          %shift_right_logical3A_256 = arith.constant 1 : i32
          %shift_right_logical3A_257 = vector.broadcast %shift_right_logical3A_256 : i32 to vector<16xi32>
          %shift_right_logical3A_258 = arith.shrui %bitcast3A_255, %shift_right_logical3A_257 : vector<16xi32>
          %sub3A_259 = arith.constant 1597463007 : i32
          %sub3A_260 = vector.broadcast %sub3A_259 : i32 to vector<16xi32>
          %sub3A_261 = arith.subi %sub3A_260, %shift_right_logical3A_258 : vector<16xi32>
          %bitcast3A_262 = vector.bitcast %sub3A_261 : vector<16xi32> to vector<16xf32>
          %mul3A_263 = arith.constant -5.000000e-01 : f32
          %mul3A_264 = vector.broadcast %mul3A_263 : f32 to vector<16xf32>
          %mul3A_265 = arith.mulf %select_n3A_254, %mul3A_264 : vector<16xf32>
          %mul3A_266 = arith.mulf %mul3A_265, %bitcast3A_262 : vector<16xf32>
          %mul3A_267 = arith.mulf %mul3A_266, %bitcast3A_262 : vector<16xf32>
          %add3A_268 = arith.constant 1.500000e+00 : f32
          %add3A_269 = vector.broadcast %add3A_268 : f32 to vector<16xf32>
          %add3A_270 = arith.addf %add3A_269, %mul3A_267 : vector<16xf32>
          %mul3A_271 = arith.mulf %bitcast3A_262, %add3A_270 : vector<16xf32>
          %mul3A_272 = arith.mulf %mul3A_265, %mul3A_271 : vector<16xf32>
          %mul3A_273 = arith.mulf %mul3A_272, %mul3A_271 : vector<16xf32>
          %add3A_274 = arith.constant 1.500000e+00 : f32
          %add3A_275 = vector.broadcast %add3A_274 : f32 to vector<16xf32>
          %add3A_276 = arith.addf %add3A_275, %mul3A_273 : vector<16xf32>
          %mul3A_277 = arith.mulf %mul3A_271, %add3A_276 : vector<16xf32>
          %mul3A_278 = arith.mulf %add3A_246, %mul3A_277 : vector<16xf32>
          %swap3A_279 = arith.index_cast %add3A_223 : i32 to index
          %swap3A_280 = tpu.vector_load %arg14[%swap3A_279] {strides = array<i32>} : memref<2048xf32, #tpu.memory_space<vmem>>, vector<16xf32>,
          tpu.vector_store %arg14[%swap3A_279], %mul3A_278 {strides = array<i32>} : memref<2048xf32, #tpu.memory_space<vmem>>, vector<16xf32>,
          %mul3A_281 = arith.mulf %sub3A_239, %mul3A_277 : vector<16xf32>
          %swap3A_282 = arith.constant 0 : i32
          %swap3A_283 = arith.index_cast %scan3A_148 : i32 to index
          %swap3A_284 = arith.index_cast %swap3A_282 : i32 to index
          %swap3A_285 = arith.constant 16 : index
          %swap3A_286 = tpu.vector_load %arg16[%swap3A_283, %swap3A_284, %swap3A_285] {strides = array<i32>} : memref<16x4x128xf32, #tpu.memory_space<vmem>>, vector<16xf32>,
          tpu.vector_store %arg16[%swap3A_283, %swap3A_284, %swap3A_285], %mul3A_281 {strides = array<i32>} : memref<16x4x128xf32, #tpu.memory_space<vmem>>, vector<16xf32>,
          %mul3A_287 = arith.mulf %sub3A_240, %mul3A_277 : vector<16xf32>
          %swap3A_288 = arith.constant 1 : i32
          %swap3A_289 = arith.index_cast %scan3A_148 : i32 to index
          %swap3A_290 = arith.index_cast %swap3A_288 : i32 to index
          %swap3A_291 = arith.constant 16 : index
          %swap3A_292 = tpu.vector_load %arg16[%swap3A_289, %swap3A_290, %swap3A_291] {strides = array<i32>} : memref<16x4x128xf32, #tpu.memory_space<vmem>>, vector<16xf32>,
          tpu.vector_store %arg16[%swap3A_289, %swap3A_290, %swap3A_291], %mul3A_287 {strides = array<i32>} : memref<16x4x128xf32, #tpu.memory_space<vmem>>, vector<16xf32>,
          %mul3A_293 = arith.mulf %sub3A_241, %mul3A_277 : vector<16xf32>
          %swap3A_294 = arith.constant 2 : i32
          %swap3A_295 = arith.index_cast %scan3A_148 : i32 to index
          %swap3A_296 = arith.index_cast %swap3A_294 : i32 to index
          %swap3A_297 = arith.constant 16 : index
          %swap3A_298 = tpu.vector_load %arg16[%swap3A_295, %swap3A_296, %swap3A_297] {strides = array<i32>} : memref<16x4x128xf32, #tpu.memory_space<vmem>>, vector<16xf32>,
          tpu.vector_store %arg16[%swap3A_295, %swap3A_296, %swap3A_297], %mul3A_293 {strides = array<i32>} : memref<16x4x128xf32, #tpu.memory_space<vmem>>, vector<16xf32>,
          %mul3A_299 = arith.constant 128 : i32
          %mul3A_300 = arith.muli %scan3A_148, %mul3A_299 : i32
          %add3A_301 = arith.constant 32 : i32
          %add3A_302 = arith.addi %mul3A_300, %add3A_301 : i32
          %iota3A_303 = tpu.iota {dimensions = array<i32: 0>} : vector<16xi32>
          %add3A_304 = vector.broadcast %add3A_302 : i32 to vector<16xi32>
          %add3A_305 = arith.addi %add3A_304, %iota3A_303 : vector<16xi32>
          %broadcast_in_dim3A_306 = arith.constant 0 : i32
          %broadcast_in_dim3A_307 = vector.broadcast %broadcast_in_dim3A_306 : i32 to vector<16xi32>
          %broadcast_in_dim3A_308 = arith.constant 1 : i32
          %broadcast_in_dim3A_309 = vector.broadcast %broadcast_in_dim3A_308 : i32 to vector<16xi32>
          %broadcast_in_dim3A_310 = arith.constant 2 : i32
          %broadcast_in_dim3A_311 = vector.broadcast %broadcast_in_dim3A_310 : i32 to vector<16xi32>
          %gather3A_312 = tpu.vector_load_idx %arg10[%add3A_305, %broadcast_in_dim3A_307] : memref<2048x8xf32, #tpu.memory_space<vmem>>[vector<16xi32>, vector<16xi32>], vector<16xf32>,
          %gather3A_313 = tpu.vector_load_idx %arg10[%add3A_305, %broadcast_in_dim3A_309] : memref<2048x8xf32, #tpu.memory_space<vmem>>[vector<16xi32>, vector<16xi32>], vector<16xf32>,
          %gather3A_314 = tpu.vector_load_idx %arg10[%add3A_305, %broadcast_in_dim3A_311] : memref<2048x8xf32, #tpu.memory_space<vmem>>[vector<16xi32>, vector<16xi32>], vector<16xf32>,
          %gather3A_315 = tpu.vector_load_idx %arg12[%add3A_305, %broadcast_in_dim3A_307] : memref<2048x8xf32, #tpu.memory_space<vmem>>[vector<16xi32>, vector<16xi32>], vector<16xf32>,
          %gather3A_316 = tpu.vector_load_idx %arg12[%add3A_305, %broadcast_in_dim3A_309] : memref<2048x8xf32, #tpu.memory_space<vmem>>[vector<16xi32>, vector<16xi32>], vector<16xf32>,
          %gather3A_317 = tpu.vector_load_idx %arg12[%add3A_305, %broadcast_in_dim3A_311] : memref<2048x8xf32, #tpu.memory_space<vmem>>[vector<16xi32>, vector<16xi32>], vector<16xf32>,
          %sub3A_318 = arith.subf %gather3A_312, %gather3A_315 : vector<16xf32>
          %sub3A_319 = arith.subf %gather3A_313, %gather3A_316 : vector<16xf32>
          %sub3A_320 = arith.subf %gather3A_314, %gather3A_317 : vector<16xf32>
          %mul3A_321 = arith.mulf %sub3A_318, %sub3A_318 : vector<16xf32>
          %mul3A_322 = arith.mulf %sub3A_319, %sub3A_319 : vector<16xf32>
          %add3A_323 = arith.addf %mul3A_321, %mul3A_322 : vector<16xf32>
          %mul3A_324 = arith.mulf %sub3A_320, %sub3A_320 : vector<16xf32>
          %add3A_325 = arith.addf %add3A_323, %mul3A_324 : vector<16xf32>
          %get3A_326 = arith.index_cast %add3A_302 : i32 to index
          %get3A_327 = tpu.vector_load %arg6[%get3A_326] {strides = array<i32>} : memref<2048xi32, #tpu.memory_space<vmem>>, vector<16xi32>,
          %get3A_328 = arith.index_cast %add3A_302 : i32 to index
          %get3A_329 = tpu.vector_load %arg8[%get3A_328] {strides = array<i32>} : memref<2048xi32, #tpu.memory_space<vmem>>, vector<16xi32>,
          %ne3A_330 = arith.cmpi ne, %get3A_327, %get3A_329 : vector<16xi32>
          %jit3A_331 = arith.constant 1.000000e+00 : f32
          %broadcast_in_dim3A_332 = vector.broadcast %jit3A_331 : f32 to vector<16xf32>
          %select_n3A_333 = arith.select %ne3A_330, %add3A_325, %broadcast_in_dim3A_332 : vector<16xi1>, vector<16xf32>
          %bitcast3A_334 = vector.bitcast %select_n3A_333 : vector<16xf32> to vector<16xi32>
          %shift_right_logical3A_335 = arith.constant 1 : i32
          %shift_right_logical3A_336 = vector.broadcast %shift_right_logical3A_335 : i32 to vector<16xi32>
          %shift_right_logical3A_337 = arith.shrui %bitcast3A_334, %shift_right_logical3A_336 : vector<16xi32>
          %sub3A_338 = arith.constant 1597463007 : i32
          %sub3A_339 = vector.broadcast %sub3A_338 : i32 to vector<16xi32>
          %sub3A_340 = arith.subi %sub3A_339, %shift_right_logical3A_337 : vector<16xi32>
          %bitcast3A_341 = vector.bitcast %sub3A_340 : vector<16xi32> to vector<16xf32>
          %mul3A_342 = arith.constant -5.000000e-01 : f32
          %mul3A_343 = vector.broadcast %mul3A_342 : f32 to vector<16xf32>
          %mul3A_344 = arith.mulf %select_n3A_333, %mul3A_343 : vector<16xf32>
          %mul3A_345 = arith.mulf %mul3A_344, %bitcast3A_341 : vector<16xf32>
          %mul3A_346 = arith.mulf %mul3A_345, %bitcast3A_341 : vector<16xf32>
          %add3A_347 = arith.constant 1.500000e+00 : f32
          %add3A_348 = vector.broadcast %add3A_347 : f32 to vector<16xf32>
          %add3A_349 = arith.addf %add3A_348, %mul3A_346 : vector<16xf32>
          %mul3A_350 = arith.mulf %bitcast3A_341, %add3A_349 : vector<16xf32>
          %mul3A_351 = arith.mulf %mul3A_344, %mul3A_350 : vector<16xf32>
          %mul3A_352 = arith.mulf %mul3A_351, %mul3A_350 : vector<16xf32>
          %add3A_353 = arith.constant 1.500000e+00 : f32
          %add3A_354 = vector.broadcast %add3A_353 : f32 to vector<16xf32>
          %add3A_355 = arith.addf %add3A_354, %mul3A_352 : vector<16xf32>
          %mul3A_356 = arith.mulf %mul3A_350, %add3A_355 : vector<16xf32>
          %mul3A_357 = arith.mulf %add3A_325, %mul3A_356 : vector<16xf32>
          %swap3A_358 = arith.index_cast %add3A_302 : i32 to index
          %swap3A_359 = tpu.vector_load %arg14[%swap3A_358] {strides = array<i32>} : memref<2048xf32, #tpu.memory_space<vmem>>, vector<16xf32>,
          tpu.vector_store %arg14[%swap3A_358], %mul3A_357 {strides = array<i32>} : memref<2048xf32, #tpu.memory_space<vmem>>, vector<16xf32>,
          %mul3A_360 = arith.mulf %sub3A_318, %mul3A_356 : vector<16xf32>
          %swap3A_361 = arith.constant 0 : i32
          %swap3A_362 = arith.index_cast %scan3A_148 : i32 to index
          %swap3A_363 = arith.index_cast %swap3A_361 : i32 to index
          %swap3A_364 = arith.constant 32 : index
          %swap3A_365 = tpu.vector_load %arg16[%swap3A_362, %swap3A_363, %swap3A_364] {strides = array<i32>} : memref<16x4x128xf32, #tpu.memory_space<vmem>>, vector<16xf32>,
          tpu.vector_store %arg16[%swap3A_362, %swap3A_363, %swap3A_364], %mul3A_360 {strides = array<i32>} : memref<16x4x128xf32, #tpu.memory_space<vmem>>, vector<16xf32>,
          %mul3A_366 = arith.mulf %sub3A_319, %mul3A_356 : vector<16xf32>
          %swap3A_367 = arith.constant 1 : i32
          %swap3A_368 = arith.index_cast %scan3A_148 : i32 to index
          %swap3A_369 = arith.index_cast %swap3A_367 : i32 to index
          %swap3A_370 = arith.constant 32 : index
          %swap3A_371 = tpu.vector_load %arg16[%swap3A_368, %swap3A_369, %swap3A_370] {strides = array<i32>} : memref<16x4x128xf32, #tpu.memory_space<vmem>>, vector<16xf32>,
          tpu.vector_store %arg16[%swap3A_368, %swap3A_369, %swap3A_370], %mul3A_366 {strides = array<i32>} : memref<16x4x128xf32, #tpu.memory_space<vmem>>, vector<16xf32>,
          %mul3A_372 = arith.mulf %sub3A_320, %mul3A_356 : vector<16xf32>
          %swap3A_373 = arith.constant 2 : i32
          %swap3A_374 = arith.index_cast %scan3A_148 : i32 to index
          %swap3A_375 = arith.index_cast %swap3A_373 : i32 to index
          %swap3A_376 = arith.constant 32 : index
          %swap3A_377 = tpu.vector_load %arg16[%swap3A_374, %swap3A_375, %swap3A_376] {strides = array<i32>} : memref<16x4x128xf32, #tpu.memory_space<vmem>>, vector<16xf32>,
          tpu.vector_store %arg16[%swap3A_374, %swap3A_375, %swap3A_376], %mul3A_372 {strides = array<i32>} : memref<16x4x128xf32, #tpu.memory_space<vmem>>, vector<16xf32>,
          %mul3A_378 = arith.constant 128 : i32
          %mul3A_379 = arith.muli %scan3A_148, %mul3A_378 : i32
          %add3A_380 = arith.constant 48 : i32
          %add3A_381 = arith.addi %mul3A_379, %add3A_380 : i32
          %iota3A_382 = tpu.iota {dimensions = array<i32: 0>} : vector<16xi32>
          %add3A_383 = vector.broadcast %add3A_381 : i32 to vector<16xi32>
          %add3A_384 = arith.addi %add3A_383, %iota3A_382 : vector<16xi32>
          %broadcast_in_dim3A_385 = arith.constant 0 : i32
          %broadcast_in_dim3A_386 = vector.broadcast %broadcast_in_dim3A_385 : i32 to vector<16xi32>
          %broadcast_in_dim3A_387 = arith.constant 1 : i32
          %broadcast_in_dim3A_388 = vector.broadcast %broadcast_in_dim3A_387 : i32 to vector<16xi32>
          %broadcast_in_dim3A_389 = arith.constant 2 : i32
          %broadcast_in_dim3A_390 = vector.broadcast %broadcast_in_dim3A_389 : i32 to vector<16xi32>
          %gather3A_391 = tpu.vector_load_idx %arg10[%add3A_384, %broadcast_in_dim3A_386] : memref<2048x8xf32, #tpu.memory_space<vmem>>[vector<16xi32>, vector<16xi32>], vector<16xf32>,
          %gather3A_392 = tpu.vector_load_idx %arg10[%add3A_384, %broadcast_in_dim3A_388] : memref<2048x8xf32, #tpu.memory_space<vmem>>[vector<16xi32>, vector<16xi32>], vector<16xf32>,
          %gather3A_393 = tpu.vector_load_idx %arg10[%add3A_384, %broadcast_in_dim3A_390] : memref<2048x8xf32, #tpu.memory_space<vmem>>[vector<16xi32>, vector<16xi32>], vector<16xf32>,
          %gather3A_394 = tpu.vector_load_idx %arg12[%add3A_384, %broadcast_in_dim3A_386] : memref<2048x8xf32, #tpu.memory_space<vmem>>[vector<16xi32>, vector<16xi32>], vector<16xf32>,
          %gather3A_395 = tpu.vector_load_idx %arg12[%add3A_384, %broadcast_in_dim3A_388] : memref<2048x8xf32, #tpu.memory_space<vmem>>[vector<16xi32>, vector<16xi32>], vector<16xf32>,
          %gather3A_396 = tpu.vector_load_idx %arg12[%add3A_384, %broadcast_in_dim3A_390] : memref<2048x8xf32, #tpu.memory_space<vmem>>[vector<16xi32>, vector<16xi32>], vector<16xf32>,
          %sub3A_397 = arith.subf %gather3A_391, %gather3A_394 : vector<16xf32>
          %sub3A_398 = arith.subf %gather3A_392, %gather3A_395 : vector<16xf32>
          %sub3A_399 = arith.subf %gather3A_393, %gather3A_396 : vector<16xf32>
          %mul3A_400 = arith.mulf %sub3A_397, %sub3A_397 : vector<16xf32>
          %mul3A_401 = arith.mulf %sub3A_398, %sub3A_398 : vector<16xf32>
          %add3A_402 = arith.addf %mul3A_400, %mul3A_401 : vector<16xf32>
          %mul3A_403 = arith.mulf %sub3A_399, %sub3A_399 : vector<16xf32>
          %add3A_404 = arith.addf %add3A_402, %mul3A_403 : vector<16xf32>
          %get3A_405 = arith.index_cast %add3A_381 : i32 to index
          %get3A_406 = tpu.vector_load %arg6[%get3A_405] {strides = array<i32>} : memref<2048xi32, #tpu.memory_space<vmem>>, vector<16xi32>,
          %get3A_407 = arith.index_cast %add3A_381 : i32 to index
          %get3A_408 = tpu.vector_load %arg8[%get3A_407] {strides = array<i32>} : memref<2048xi32, #tpu.memory_space<vmem>>, vector<16xi32>,
          %ne3A_409 = arith.cmpi ne, %get3A_406, %get3A_408 : vector<16xi32>
          %jit3A_410 = arith.constant 1.000000e+00 : f32
          %broadcast_in_dim3A_411 = vector.broadcast %jit3A_410 : f32 to vector<16xf32>
          %select_n3A_412 = arith.select %ne3A_409, %add3A_404, %broadcast_in_dim3A_411 : vector<16xi1>, vector<16xf32>
          %bitcast3A_413 = vector.bitcast %select_n3A_412 : vector<16xf32> to vector<16xi32>
          %shift_right_logical3A_414 = arith.constant 1 : i32
          %shift_right_logical3A_415 = vector.broadcast %shift_right_logical3A_414 : i32 to vector<16xi32>
          %shift_right_logical3A_416 = arith.shrui %bitcast3A_413, %shift_right_logical3A_415 : vector<16xi32>
          %sub3A_417 = arith.constant 1597463007 : i32
          %sub3A_418 = vector.broadcast %sub3A_417 : i32 to vector<16xi32>
          %sub3A_419 = arith.subi %sub3A_418, %shift_right_logical3A_416 : vector<16xi32>
          %bitcast3A_420 = vector.bitcast %sub3A_419 : vector<16xi32> to vector<16xf32>
          %mul3A_421 = arith.constant -5.000000e-01 : f32
          %mul3A_422 = vector.broadcast %mul3A_421 : f32 to vector<16xf32>
          %mul3A_423 = arith.mulf %select_n3A_412, %mul3A_422 : vector<16xf32>
          %mul3A_424 = arith.mulf %mul3A_423, %bitcast3A_420 : vector<16xf32>
          %mul3A_425 = arith.mulf %mul3A_424, %bitcast3A_420 : vector<16xf32>
          %add3A_426 = arith.constant 1.500000e+00 : f32
          %add3A_427 = vector.broadcast %add3A_426 : f32 to vector<16xf32>
          %add3A_428 = arith.addf %add3A_427, %mul3A_425 : vector<16xf32>
          %mul3A_429 = arith.mulf %bitcast3A_420, %add3A_428 : vector<16xf32>
          %mul3A_430 = arith.mulf %mul3A_423, %mul3A_429 : vector<16xf32>
          %mul3A_431 = arith.mulf %mul3A_430, %mul3A_429 : vector<16xf32>
          %add3A_432 = arith.constant 1.500000e+00 : f32
          %add3A_433 = vector.broadcast %add3A_432 : f32 to vector<16xf32>
          %add3A_434 = arith.addf %add3A_433, %mul3A_431 : vector<16xf32>
          %mul3A_435 = arith.mulf %mul3A_429, %add3A_434 : vector<16xf32>
          %mul3A_436 = arith.mulf %add3A_404, %mul3A_435 : vector<16xf32>
          %swap3A_437 = arith.index_cast %add3A_381 : i32 to index
          %swap3A_438 = tpu.vector_load %arg14[%swap3A_437] {strides = array<i32>} : memref<2048xf32, #tpu.memory_space<vmem>>, vector<16xf32>,
          tpu.vector_store %arg14[%swap3A_437], %mul3A_436 {strides = array<i32>} : memref<2048xf32, #tpu.memory_space<vmem>>, vector<16xf32>,
          %mul3A_439 = arith.mulf %sub3A_397, %mul3A_435 : vector<16xf32>
          %swap3A_440 = arith.constant 0 : i32
          %swap3A_441 = arith.index_cast %scan3A_148 : i32 to index
          %swap3A_442 = arith.index_cast %swap3A_440 : i32 to index
          %swap3A_443 = arith.constant 48 : index
          %swap3A_444 = tpu.vector_load %arg16[%swap3A_441, %swap3A_442, %swap3A_443] {strides = array<i32>} : memref<16x4x128xf32, #tpu.memory_space<vmem>>, vector<16xf32>,
          tpu.vector_store %arg16[%swap3A_441, %swap3A_442, %swap3A_443], %mul3A_439 {strides = array<i32>} : memref<16x4x128xf32, #tpu.memory_space<vmem>>, vector<16xf32>,
          %mul3A_445 = arith.mulf %sub3A_398, %mul3A_435 : vector<16xf32>
          %swap3A_446 = arith.constant 1 : i32
          %swap3A_447 = arith.index_cast %scan3A_148 : i32 to index
          %swap3A_448 = arith.index_cast %swap3A_446 : i32 to index
          %swap3A_449 = arith.constant 48 : index
          %swap3A_450 = tpu.vector_load %arg16[%swap3A_447, %swap3A_448, %swap3A_449] {strides = array<i32>} : memref<16x4x128xf32, #tpu.memory_space<vmem>>, vector<16xf32>,
          tpu.vector_store %arg16[%swap3A_447, %swap3A_448, %swap3A_449], %mul3A_445 {strides = array<i32>} : memref<16x4x128xf32, #tpu.memory_space<vmem>>, vector<16xf32>,
          %mul3A_451 = arith.mulf %sub3A_399, %mul3A_435 : vector<16xf32>
          %swap3A_452 = arith.constant 2 : i32
          %swap3A_453 = arith.index_cast %scan3A_148 : i32 to index
          %swap3A_454 = arith.index_cast %swap3A_452 : i32 to index
          %swap3A_455 = arith.constant 48 : index
          %swap3A_456 = tpu.vector_load %arg16[%swap3A_453, %swap3A_454, %swap3A_455] {strides = array<i32>} : memref<16x4x128xf32, #tpu.memory_space<vmem>>, vector<16xf32>,
          tpu.vector_store %arg16[%swap3A_453, %swap3A_454, %swap3A_455], %mul3A_451 {strides = array<i32>} : memref<16x4x128xf32, #tpu.memory_space<vmem>>, vector<16xf32>,
          %mul3A_457 = arith.constant 128 : i32
          %mul3A_458 = arith.muli %scan3A_148, %mul3A_457 : i32
          %add3A_459 = arith.constant 64 : i32
          %add3A_460 = arith.addi %mul3A_458, %add3A_459 : i32
          %iota3A_461 = tpu.iota {dimensions = array<i32: 0>} : vector<16xi32>
          %add3A_462 = vector.broadcast %add3A_460 : i32 to vector<16xi32>
          %add3A_463 = arith.addi %add3A_462, %iota3A_461 : vector<16xi32>
          %broadcast_in_dim3A_464 = arith.constant 0 : i32
          %broadcast_in_dim3A_465 = vector.broadcast %broadcast_in_dim3A_464 : i32 to vector<16xi32>
          %broadcast_in_dim3A_466 = arith.constant 1 : i32
          %broadcast_in_dim3A_467 = vector.broadcast %broadcast_in_dim3A_466 : i32 to vector<16xi32>
          %broadcast_in_dim3A_468 = arith.constant 2 : i32
          %broadcast_in_dim3A_469 = vector.broadcast %broadcast_in_dim3A_468 : i32 to vector<16xi32>
          %gather3A_470 = tpu.vector_load_idx %arg10[%add3A_463, %broadcast_in_dim3A_465] : memref<2048x8xf32, #tpu.memory_space<vmem>>[vector<16xi32>, vector<16xi32>], vector<16xf32>,
          %gather3A_471 = tpu.vector_load_idx %arg10[%add3A_463, %broadcast_in_dim3A_467] : memref<2048x8xf32, #tpu.memory_space<vmem>>[vector<16xi32>, vector<16xi32>], vector<16xf32>,
          %gather3A_472 = tpu.vector_load_idx %arg10[%add3A_463, %broadcast_in_dim3A_469] : memref<2048x8xf32, #tpu.memory_space<vmem>>[vector<16xi32>, vector<16xi32>], vector<16xf32>,
          %gather3A_473 = tpu.vector_load_idx %arg12[%add3A_463, %broadcast_in_dim3A_465] : memref<2048x8xf32, #tpu.memory_space<vmem>>[vector<16xi32>, vector<16xi32>], vector<16xf32>,
          %gather3A_474 = tpu.vector_load_idx %arg12[%add3A_463, %broadcast_in_dim3A_467] : memref<2048x8xf32, #tpu.memory_space<vmem>>[vector<16xi32>, vector<16xi32>], vector<16xf32>,
          %gather3A_475 = tpu.vector_load_idx %arg12[%add3A_463, %broadcast_in_dim3A_469] : memref<2048x8xf32, #tpu.memory_space<vmem>>[vector<16xi32>, vector<16xi32>], vector<16xf32>,
          %sub3A_476 = arith.subf %gather3A_470, %gather3A_473 : vector<16xf32>
          %sub3A_477 = arith.subf %gather3A_471, %gather3A_474 : vector<16xf32>
          %sub3A_478 = arith.subf %gather3A_472, %gather3A_475 : vector<16xf32>
          %mul3A_479 = arith.mulf %sub3A_476, %sub3A_476 : vector<16xf32>
          %mul3A_480 = arith.mulf %sub3A_477, %sub3A_477 : vector<16xf32>
          %add3A_481 = arith.addf %mul3A_479, %mul3A_480 : vector<16xf32>
          %mul3A_482 = arith.mulf %sub3A_478, %sub3A_478 : vector<16xf32>
          %add3A_483 = arith.addf %add3A_481, %mul3A_482 : vector<16xf32>
          %get3A_484 = arith.index_cast %add3A_460 : i32 to index
          %get3A_485 = tpu.vector_load %arg6[%get3A_484] {strides = array<i32>} : memref<2048xi32, #tpu.memory_space<vmem>>, vector<16xi32>,
          %get3A_486 = arith.index_cast %add3A_460 : i32 to index
          %get3A_487 = tpu.vector_load %arg8[%get3A_486] {strides = array<i32>} : memref<2048xi32, #tpu.memory_space<vmem>>, vector<16xi32>,
          %ne3A_488 = arith.cmpi ne, %get3A_485, %get3A_487 : vector<16xi32>
          %jit3A_489 = arith.constant 1.000000e+00 : f32
          %broadcast_in_dim3A_490 = vector.broadcast %jit3A_489 : f32 to vector<16xf32>
          %select_n3A_491 = arith.select %ne3A_488, %add3A_483, %broadcast_in_dim3A_490 : vector<16xi1>, vector<16xf32>
          %bitcast3A_492 = vector.bitcast %select_n3A_491 : vector<16xf32> to vector<16xi32>
          %shift_right_logical3A_493 = arith.constant 1 : i32
          %shift_right_logical3A_494 = vector.broadcast %shift_right_logical3A_493 : i32 to vector<16xi32>
          %shift_right_logical3A_495 = arith.shrui %bitcast3A_492, %shift_right_logical3A_494 : vector<16xi32>
          %sub3A_496 = arith.constant 1597463007 : i32
          %sub3A_497 = vector.broadcast %sub3A_496 : i32 to vector<16xi32>
          %sub3A_498 = arith.subi %sub3A_497, %shift_right_logical3A_495 : vector<16xi32>
          %bitcast3A_499 = vector.bitcast %sub3A_498 : vector<16xi32> to vector<16xf32>
          %mul3A_500 = arith.constant -5.000000e-01 : f32
          %mul3A_501 = vector.broadcast %mul3A_500 : f32 to vector<16xf32>
          %mul3A_502 = arith.mulf %select_n3A_491, %mul3A_501 : vector<16xf32>
          %mul3A_503 = arith.mulf %mul3A_502, %bitcast3A_499 : vector<16xf32>
          %mul3A_504 = arith.mulf %mul3A_503, %bitcast3A_499 : vector<16xf32>
          %add3A_505 = arith.constant 1.500000e+00 : f32
          %add3A_506 = vector.broadcast %add3A_505 : f32 to vector<16xf32>
          %add3A_507 = arith.addf %add3A_506, %mul3A_504 : vector<16xf32>
          %mul3A_508 = arith.mulf %bitcast3A_499, %add3A_507 : vector<16xf32>
          %mul3A_509 = arith.mulf %mul3A_502, %mul3A_508 : vector<16xf32>
          %mul3A_510 = arith.mulf %mul3A_509, %mul3A_508 : vector<16xf32>
          %add3A_511 = arith.constant 1.500000e+00 : f32
          %add3A_512 = vector.broadcast %add3A_511 : f32 to vector<16xf32>
          %add3A_513 = arith.addf %add3A_512, %mul3A_510 : vector<16xf32>
          %mul3A_514 = arith.mulf %mul3A_508, %add3A_513 : vector<16xf32>
          %mul3A_515 = arith.mulf %add3A_483, %mul3A_514 : vector<16xf32>
          %swap3A_516 = arith.index_cast %add3A_460 : i32 to index
          %swap3A_517 = tpu.vector_load %arg14[%swap3A_516] {strides = array<i32>} : memref<2048xf32, #tpu.memory_space<vmem>>, vector<16xf32>,
          tpu.vector_store %arg14[%swap3A_516], %mul3A_515 {strides = array<i32>} : memref<2048xf32, #tpu.memory_space<vmem>>, vector<16xf32>,
          %mul3A_518 = arith.mulf %sub3A_476, %mul3A_514 : vector<16xf32>
          %swap3A_519 = arith.constant 0 : i32
          %swap3A_520 = arith.index_cast %scan3A_148 : i32 to index
          %swap3A_521 = arith.index_cast %swap3A_519 : i32 to index
          %swap3A_522 = arith.constant 64 : index
          %swap3A_523 = tpu.vector_load %arg16[%swap3A_520, %swap3A_521, %swap3A_522] {strides = array<i32>} : memref<16x4x128xf32, #tpu.memory_space<vmem>>, vector<16xf32>,
          tpu.vector_store %arg16[%swap3A_520, %swap3A_521, %swap3A_522], %mul3A_518 {strides = array<i32>} : memref<16x4x128xf32, #tpu.memory_space<vmem>>, vector<16xf32>,
          %mul3A_524 = arith.mulf %sub3A_477, %mul3A_514 : vector<16xf32>
          %swap3A_525 = arith.constant 1 : i32
          %swap3A_526 = arith.index_cast %scan3A_148 : i32 to index
          %swap3A_527 = arith.index_cast %swap3A_525 : i32 to index
          %swap3A_528 = arith.constant 64 : index
          %swap3A_529 = tpu.vector_load %arg16[%swap3A_526, %swap3A_527, %swap3A_528] {strides = array<i32>} : memref<16x4x128xf32, #tpu.memory_space<vmem>>, vector<16xf32>,
          tpu.vector_store %arg16[%swap3A_526, %swap3A_527, %swap3A_528], %mul3A_524 {strides = array<i32>} : memref<16x4x128xf32, #tpu.memory_space<vmem>>, vector<16xf32>,
          %mul3A_530 = arith.mulf %sub3A_478, %mul3A_514 : vector<16xf32>
          %swap3A_531 = arith.constant 2 : i32
          %swap3A_532 = arith.index_cast %scan3A_148 : i32 to index
          %swap3A_533 = arith.index_cast %swap3A_531 : i32 to index
          %swap3A_534 = arith.constant 64 : index
          %swap3A_535 = tpu.vector_load %arg16[%swap3A_532, %swap3A_533, %swap3A_534] {strides = array<i32>} : memref<16x4x128xf32, #tpu.memory_space<vmem>>, vector<16xf32>,
          tpu.vector_store %arg16[%swap3A_532, %swap3A_533, %swap3A_534], %mul3A_530 {strides = array<i32>} : memref<16x4x128xf32, #tpu.memory_space<vmem>>, vector<16xf32>,
          %mul3A_536 = arith.constant 128 : i32
          %mul3A_537 = arith.muli %scan3A_148, %mul3A_536 : i32
          %add3A_538 = arith.constant 80 : i32
          %add3A_539 = arith.addi %mul3A_537, %add3A_538 : i32
          %iota3A_540 = tpu.iota {dimensions = array<i32: 0>} : vector<16xi32>
          %add3A_541 = vector.broadcast %add3A_539 : i32 to vector<16xi32>
          %add3A_542 = arith.addi %add3A_541, %iota3A_540 : vector<16xi32>
          %broadcast_in_dim3A_543 = arith.constant 0 : i32
          %broadcast_in_dim3A_544 = vector.broadcast %broadcast_in_dim3A_543 : i32 to vector<16xi32>
          %broadcast_in_dim3A_545 = arith.constant 1 : i32
          %broadcast_in_dim3A_546 = vector.broadcast %broadcast_in_dim3A_545 : i32 to vector<16xi32>
          %broadcast_in_dim3A_547 = arith.constant 2 : i32
          %broadcast_in_dim3A_548 = vector.broadcast %broadcast_in_dim3A_547 : i32 to vector<16xi32>
          %gather3A_549 = tpu.vector_load_idx %arg10[%add3A_542, %broadcast_in_dim3A_544] : memref<2048x8xf32, #tpu.memory_space<vmem>>[vector<16xi32>, vector<16xi32>], vector<16xf32>,
          %gather3A_550 = tpu.vector_load_idx %arg10[%add3A_542, %broadcast_in_dim3A_546] : memref<2048x8xf32, #tpu.memory_space<vmem>>[vector<16xi32>, vector<16xi32>], vector<16xf32>,
          %gather3A_551 = tpu.vector_load_idx %arg10[%add3A_542, %broadcast_in_dim3A_548] : memref<2048x8xf32, #tpu.memory_space<vmem>>[vector<16xi32>, vector<16xi32>], vector<16xf32>,
          %gather3A_552 = tpu.vector_load_idx %arg12[%add3A_542, %broadcast_in_dim3A_544] : memref<2048x8xf32, #tpu.memory_space<vmem>>[vector<16xi32>, vector<16xi32>], vector<16xf32>,
          %gather3A_553 = tpu.vector_load_idx %arg12[%add3A_542, %broadcast_in_dim3A_546] : memref<2048x8xf32, #tpu.memory_space<vmem>>[vector<16xi32>, vector<16xi32>], vector<16xf32>,
          %gather3A_554 = tpu.vector_load_idx %arg12[%add3A_542, %broadcast_in_dim3A_548] : memref<2048x8xf32, #tpu.memory_space<vmem>>[vector<16xi32>, vector<16xi32>], vector<16xf32>,
          %sub3A_555 = arith.subf %gather3A_549, %gather3A_552 : vector<16xf32>
          %sub3A_556 = arith.subf %gather3A_550, %gather3A_553 : vector<16xf32>
          %sub3A_557 = arith.subf %gather3A_551, %gather3A_554 : vector<16xf32>
          %mul3A_558 = arith.mulf %sub3A_555, %sub3A_555 : vector<16xf32>
          %mul3A_559 = arith.mulf %sub3A_556, %sub3A_556 : vector<16xf32>
          %add3A_560 = arith.addf %mul3A_558, %mul3A_559 : vector<16xf32>
          %mul3A_561 = arith.mulf %sub3A_557, %sub3A_557 : vector<16xf32>
          %add3A_562 = arith.addf %add3A_560, %mul3A_561 : vector<16xf32>
          %get3A_563 = arith.index_cast %add3A_539 : i32 to index
          %get3A_564 = tpu.vector_load %arg6[%get3A_563] {strides = array<i32>} : memref<2048xi32, #tpu.memory_space<vmem>>, vector<16xi32>,
          %get3A_565 = arith.index_cast %add3A_539 : i32 to index
          %get3A_566 = tpu.vector_load %arg8[%get3A_565] {strides = array<i32>} : memref<2048xi32, #tpu.memory_space<vmem>>, vector<16xi32>,
          %ne3A_567 = arith.cmpi ne, %get3A_564, %get3A_566 : vector<16xi32>
          %jit3A_568 = arith.constant 1.000000e+00 : f32
          %broadcast_in_dim3A_569 = vector.broadcast %jit3A_568 : f32 to vector<16xf32>
          %select_n3A_570 = arith.select %ne3A_567, %add3A_562, %broadcast_in_dim3A_569 : vector<16xi1>, vector<16xf32>
          %bitcast3A_571 = vector.bitcast %select_n3A_570 : vector<16xf32> to vector<16xi32>
          %shift_right_logical3A_572 = arith.constant 1 : i32
          %shift_right_logical3A_573 = vector.broadcast %shift_right_logical3A_572 : i32 to vector<16xi32>
          %shift_right_logical3A_574 = arith.shrui %bitcast3A_571, %shift_right_logical3A_573 : vector<16xi32>
          %sub3A_575 = arith.constant 1597463007 : i32
          %sub3A_576 = vector.broadcast %sub3A_575 : i32 to vector<16xi32>
          %sub3A_577 = arith.subi %sub3A_576, %shift_right_logical3A_574 : vector<16xi32>
          %bitcast3A_578 = vector.bitcast %sub3A_577 : vector<16xi32> to vector<16xf32>
          %mul3A_579 = arith.constant -5.000000e-01 : f32
          %mul3A_580 = vector.broadcast %mul3A_579 : f32 to vector<16xf32>
          %mul3A_581 = arith.mulf %select_n3A_570, %mul3A_580 : vector<16xf32>
          %mul3A_582 = arith.mulf %mul3A_581, %bitcast3A_578 : vector<16xf32>
          %mul3A_583 = arith.mulf %mul3A_582, %bitcast3A_578 : vector<16xf32>
          %add3A_584 = arith.constant 1.500000e+00 : f32
          %add3A_585 = vector.broadcast %add3A_584 : f32 to vector<16xf32>
          %add3A_586 = arith.addf %add3A_585, %mul3A_583 : vector<16xf32>
          %mul3A_587 = arith.mulf %bitcast3A_578, %add3A_586 : vector<16xf32>
          %mul3A_588 = arith.mulf %mul3A_581, %mul3A_587 : vector<16xf32>
          %mul3A_589 = arith.mulf %mul3A_588, %mul3A_587 : vector<16xf32>
          %add3A_590 = arith.constant 1.500000e+00 : f32
          %add3A_591 = vector.broadcast %add3A_590 : f32 to vector<16xf32>
          %add3A_592 = arith.addf %add3A_591, %mul3A_589 : vector<16xf32>
          %mul3A_593 = arith.mulf %mul3A_587, %add3A_592 : vector<16xf32>
          %mul3A_594 = arith.mulf %add3A_562, %mul3A_593 : vector<16xf32>
          %swap3A_595 = arith.index_cast %add3A_539 : i32 to index
          %swap3A_596 = tpu.vector_load %arg14[%swap3A_595] {strides = array<i32>} : memref<2048xf32, #tpu.memory_space<vmem>>, vector<16xf32>,
          tpu.vector_store %arg14[%swap3A_595], %mul3A_594 {strides = array<i32>} : memref<2048xf32, #tpu.memory_space<vmem>>, vector<16xf32>,
          %mul3A_597 = arith.mulf %sub3A_555, %mul3A_593 : vector<16xf32>
          %swap3A_598 = arith.constant 0 : i32
          %swap3A_599 = arith.index_cast %scan3A_148 : i32 to index
          %swap3A_600 = arith.index_cast %swap3A_598 : i32 to index
          %swap3A_601 = arith.constant 80 : index
          %swap3A_602 = tpu.vector_load %arg16[%swap3A_599, %swap3A_600, %swap3A_601] {strides = array<i32>} : memref<16x4x128xf32, #tpu.memory_space<vmem>>, vector<16xf32>,
          tpu.vector_store %arg16[%swap3A_599, %swap3A_600, %swap3A_601], %mul3A_597 {strides = array<i32>} : memref<16x4x128xf32, #tpu.memory_space<vmem>>, vector<16xf32>,
          %mul3A_603 = arith.mulf %sub3A_556, %mul3A_593 : vector<16xf32>
          %swap3A_604 = arith.constant 1 : i32
          %swap3A_605 = arith.index_cast %scan3A_148 : i32 to index
          %swap3A_606 = arith.index_cast %swap3A_604 : i32 to index
          %swap3A_607 = arith.constant 80 : index
          %swap3A_608 = tpu.vector_load %arg16[%swap3A_605, %swap3A_606, %swap3A_607] {strides = array<i32>} : memref<16x4x128xf32, #tpu.memory_space<vmem>>, vector<16xf32>,
          tpu.vector_store %arg16[%swap3A_605, %swap3A_606, %swap3A_607], %mul3A_603 {strides = array<i32>} : memref<16x4x128xf32, #tpu.memory_space<vmem>>, vector<16xf32>,
          %mul3A_609 = arith.mulf %sub3A_557, %mul3A_593 : vector<16xf32>
          %swap3A_610 = arith.constant 2 : i32
          %swap3A_611 = arith.index_cast %scan3A_148 : i32 to index
          %swap3A_612 = arith.index_cast %swap3A_610 : i32 to index
          %swap3A_613 = arith.constant 80 : index
          %swap3A_614 = tpu.vector_load %arg16[%swap3A_611, %swap3A_612, %swap3A_613] {strides = array<i32>} : memref<16x4x128xf32, #tpu.memory_space<vmem>>, vector<16xf32>,
          tpu.vector_store %arg16[%swap3A_611, %swap3A_612, %swap3A_613], %mul3A_609 {strides = array<i32>} : memref<16x4x128xf32, #tpu.memory_space<vmem>>, vector<16xf32>,
          %mul3A_615 = arith.constant 128 : i32
          %mul3A_616 = arith.muli %scan3A_148, %mul3A_615 : i32
          %add3A_617 = arith.constant 96 : i32
          %add3A_618 = arith.addi %mul3A_616, %add3A_617 : i32
          %iota3A_619 = tpu.iota {dimensions = array<i32: 0>} : vector<16xi32>
          %add3A_620 = vector.broadcast %add3A_618 : i32 to vector<16xi32>
          %add3A_621 = arith.addi %add3A_620, %iota3A_619 : vector<16xi32>
          %broadcast_in_dim3A_622 = arith.constant 0 : i32
          %broadcast_in_dim3A_623 = vector.broadcast %broadcast_in_dim3A_622 : i32 to vector<16xi32>
          %broadcast_in_dim3A_624 = arith.constant 1 : i32
          %broadcast_in_dim3A_625 = vector.broadcast %broadcast_in_dim3A_624 : i32 to vector<16xi32>
          %broadcast_in_dim3A_626 = arith.constant 2 : i32
          %broadcast_in_dim3A_627 = vector.broadcast %broadcast_in_dim3A_626 : i32 to vector<16xi32>
          %gather3A_628 = tpu.vector_load_idx %arg10[%add3A_621, %broadcast_in_dim3A_623] : memref<2048x8xf32, #tpu.memory_space<vmem>>[vector<16xi32>, vector<16xi32>], vector<16xf32>,
          %gather3A_629 = tpu.vector_load_idx %arg10[%add3A_621, %broadcast_in_dim3A_625] : memref<2048x8xf32, #tpu.memory_space<vmem>>[vector<16xi32>, vector<16xi32>], vector<16xf32>,
          %gather3A_630 = tpu.vector_load_idx %arg10[%add3A_621, %broadcast_in_dim3A_627] : memref<2048x8xf32, #tpu.memory_space<vmem>>[vector<16xi32>, vector<16xi32>], vector<16xf32>,
          %gather3A_631 = tpu.vector_load_idx %arg12[%add3A_621, %broadcast_in_dim3A_623] : memref<2048x8xf32, #tpu.memory_space<vmem>>[vector<16xi32>, vector<16xi32>], vector<16xf32>,
          %gather3A_632 = tpu.vector_load_idx %arg12[%add3A_621, %broadcast_in_dim3A_625] : memref<2048x8xf32, #tpu.memory_space<vmem>>[vector<16xi32>, vector<16xi32>], vector<16xf32>,
          %gather3A_633 = tpu.vector_load_idx %arg12[%add3A_621, %broadcast_in_dim3A_627] : memref<2048x8xf32, #tpu.memory_space<vmem>>[vector<16xi32>, vector<16xi32>], vector<16xf32>,
          %sub3A_634 = arith.subf %gather3A_628, %gather3A_631 : vector<16xf32>
          %sub3A_635 = arith.subf %gather3A_629, %gather3A_632 : vector<16xf32>
          %sub3A_636 = arith.subf %gather3A_630, %gather3A_633 : vector<16xf32>
          %mul3A_637 = arith.mulf %sub3A_634, %sub3A_634 : vector<16xf32>
          %mul3A_638 = arith.mulf %sub3A_635, %sub3A_635 : vector<16xf32>
          %add3A_639 = arith.addf %mul3A_637, %mul3A_638 : vector<16xf32>
          %mul3A_640 = arith.mulf %sub3A_636, %sub3A_636 : vector<16xf32>
          %add3A_641 = arith.addf %add3A_639, %mul3A_640 : vector<16xf32>
          %get3A_642 = arith.index_cast %add3A_618 : i32 to index
          %get3A_643 = tpu.vector_load %arg6[%get3A_642] {strides = array<i32>} : memref<2048xi32, #tpu.memory_space<vmem>>, vector<16xi32>,
          %get3A_644 = arith.index_cast %add3A_618 : i32 to index
          %get3A_645 = tpu.vector_load %arg8[%get3A_644] {strides = array<i32>} : memref<2048xi32, #tpu.memory_space<vmem>>, vector<16xi32>,
          %ne3A_646 = arith.cmpi ne, %get3A_643, %get3A_645 : vector<16xi32>
          %jit3A_647 = arith.constant 1.000000e+00 : f32
          %broadcast_in_dim3A_648 = vector.broadcast %jit3A_647 : f32 to vector<16xf32>
          %select_n3A_649 = arith.select %ne3A_646, %add3A_641, %broadcast_in_dim3A_648 : vector<16xi1>, vector<16xf32>
          %bitcast3A_650 = vector.bitcast %select_n3A_649 : vector<16xf32> to vector<16xi32>
          %shift_right_logical3A_651 = arith.constant 1 : i32
          %shift_right_logical3A_652 = vector.broadcast %shift_right_logical3A_651 : i32 to vector<16xi32>
          %shift_right_logical3A_653 = arith.shrui %bitcast3A_650, %shift_right_logical3A_652 : vector<16xi32>
          %sub3A_654 = arith.constant 1597463007 : i32
          %sub3A_655 = vector.broadcast %sub3A_654 : i32 to vector<16xi32>
          %sub3A_656 = arith.subi %sub3A_655, %shift_right_logical3A_653 : vector<16xi32>
          %bitcast3A_657 = vector.bitcast %sub3A_656 : vector<16xi32> to vector<16xf32>
          %mul3A_658 = arith.constant -5.000000e-01 : f32
          %mul3A_659 = vector.broadcast %mul3A_658 : f32 to vector<16xf32>
          %mul3A_660 = arith.mulf %select_n3A_649, %mul3A_659 : vector<16xf32>
          %mul3A_661 = arith.mulf %mul3A_660, %bitcast3A_657 : vector<16xf32>
          %mul3A_662 = arith.mulf %mul3A_661, %bitcast3A_657 : vector<16xf32>
          %add3A_663 = arith.constant 1.500000e+00 : f32
          %add3A_664 = vector.broadcast %add3A_663 : f32 to vector<16xf32>
          %add3A_665 = arith.addf %add3A_664, %mul3A_662 : vector<16xf32>
          %mul3A_666 = arith.mulf %bitcast3A_657, %add3A_665 : vector<16xf32>
          %mul3A_667 = arith.mulf %mul3A_660, %mul3A_666 : vector<16xf32>
          %mul3A_668 = arith.mulf %mul3A_667, %mul3A_666 : vector<16xf32>
          %add3A_669 = arith.constant 1.500000e+00 : f32
          %add3A_670 = vector.broadcast %add3A_669 : f32 to vector<16xf32>
          %add3A_671 = arith.addf %add3A_670, %mul3A_668 : vector<16xf32>
          %mul3A_672 = arith.mulf %mul3A_666, %add3A_671 : vector<16xf32>
          %mul3A_673 = arith.mulf %add3A_641, %mul3A_672 : vector<16xf32>
          %swap3A_674 = arith.index_cast %add3A_618 : i32 to index
          %swap3A_675 = tpu.vector_load %arg14[%swap3A_674] {strides = array<i32>} : memref<2048xf32, #tpu.memory_space<vmem>>, vector<16xf32>,
          tpu.vector_store %arg14[%swap3A_674], %mul3A_673 {strides = array<i32>} : memref<2048xf32, #tpu.memory_space<vmem>>, vector<16xf32>,
          %mul3A_676 = arith.mulf %sub3A_634, %mul3A_672 : vector<16xf32>
          %swap3A_677 = arith.constant 0 : i32
          %swap3A_678 = arith.index_cast %scan3A_148 : i32 to index
          %swap3A_679 = arith.index_cast %swap3A_677 : i32 to index
          %swap3A_680 = arith.constant 96 : index
          %swap3A_681 = tpu.vector_load %arg16[%swap3A_678, %swap3A_679, %swap3A_680] {strides = array<i32>} : memref<16x4x128xf32, #tpu.memory_space<vmem>>, vector<16xf32>,
          tpu.vector_store %arg16[%swap3A_678, %swap3A_679, %swap3A_680], %mul3A_676 {strides = array<i32>} : memref<16x4x128xf32, #tpu.memory_space<vmem>>, vector<16xf32>,
          %mul3A_682 = arith.mulf %sub3A_635, %mul3A_672 : vector<16xf32>
          %swap3A_683 = arith.constant 1 : i32
          %swap3A_684 = arith.index_cast %scan3A_148 : i32 to index
          %swap3A_685 = arith.index_cast %swap3A_683 : i32 to index
          %swap3A_686 = arith.constant 96 : index
          %swap3A_687 = tpu.vector_load %arg16[%swap3A_684, %swap3A_685, %swap3A_686] {strides = array<i32>} : memref<16x4x128xf32, #tpu.memory_space<vmem>>, vector<16xf32>,
          tpu.vector_store %arg16[%swap3A_684, %swap3A_685, %swap3A_686], %mul3A_682 {strides = array<i32>} : memref<16x4x128xf32, #tpu.memory_space<vmem>>, vector<16xf32>,
          %mul3A_688 = arith.mulf %sub3A_636, %mul3A_672 : vector<16xf32>
          %swap3A_689 = arith.constant 2 : i32
          %swap3A_690 = arith.index_cast %scan3A_148 : i32 to index
          %swap3A_691 = arith.index_cast %swap3A_689 : i32 to index
          %swap3A_692 = arith.constant 96 : index
          %swap3A_693 = tpu.vector_load %arg16[%swap3A_690, %swap3A_691, %swap3A_692] {strides = array<i32>} : memref<16x4x128xf32, #tpu.memory_space<vmem>>, vector<16xf32>,
          tpu.vector_store %arg16[%swap3A_690, %swap3A_691, %swap3A_692], %mul3A_688 {strides = array<i32>} : memref<16x4x128xf32, #tpu.memory_space<vmem>>, vector<16xf32>,
          %mul3A_694 = arith.constant 128 : i32
          %mul3A_695 = arith.muli %scan3A_148, %mul3A_694 : i32
          %add3A_696 = arith.constant 112 : i32
          %add3A_697 = arith.addi %mul3A_695, %add3A_696 : i32
          %iota3A_698 = tpu.iota {dimensions = array<i32: 0>} : vector<16xi32>
          %add3A_699 = vector.broadcast %add3A_697 : i32 to vector<16xi32>
          %add3A_700 = arith.addi %add3A_699, %iota3A_698 : vector<16xi32>
          %broadcast_in_dim3A_701 = arith.constant 0 : i32
          %broadcast_in_dim3A_702 = vector.broadcast %broadcast_in_dim3A_701 : i32 to vector<16xi32>
          %broadcast_in_dim3A_703 = arith.constant 1 : i32
          %broadcast_in_dim3A_704 = vector.broadcast %broadcast_in_dim3A_703 : i32 to vector<16xi32>
          %broadcast_in_dim3A_705 = arith.constant 2 : i32
          %broadcast_in_dim3A_706 = vector.broadcast %broadcast_in_dim3A_705 : i32 to vector<16xi32>
          %gather3A_707 = tpu.vector_load_idx %arg10[%add3A_700, %broadcast_in_dim3A_702] : memref<2048x8xf32, #tpu.memory_space<vmem>>[vector<16xi32>, vector<16xi32>], vector<16xf32>,
          %gather3A_708 = tpu.vector_load_idx %arg10[%add3A_700, %broadcast_in_dim3A_704] : memref<2048x8xf32, #tpu.memory_space<vmem>>[vector<16xi32>, vector<16xi32>], vector<16xf32>,
          %gather3A_709 = tpu.vector_load_idx %arg10[%add3A_700, %broadcast_in_dim3A_706] : memref<2048x8xf32, #tpu.memory_space<vmem>>[vector<16xi32>, vector<16xi32>], vector<16xf32>,
          %gather3A_710 = tpu.vector_load_idx %arg12[%add3A_700, %broadcast_in_dim3A_702] : memref<2048x8xf32, #tpu.memory_space<vmem>>[vector<16xi32>, vector<16xi32>], vector<16xf32>,
          %gather3A_711 = tpu.vector_load_idx %arg12[%add3A_700, %broadcast_in_dim3A_704] : memref<2048x8xf32, #tpu.memory_space<vmem>>[vector<16xi32>, vector<16xi32>], vector<16xf32>,
          %gather3A_712 = tpu.vector_load_idx %arg12[%add3A_700, %broadcast_in_dim3A_706] : memref<2048x8xf32, #tpu.memory_space<vmem>>[vector<16xi32>, vector<16xi32>], vector<16xf32>,
          %sub3A_713 = arith.subf %gather3A_707, %gather3A_710 : vector<16xf32>
          %sub3A_714 = arith.subf %gather3A_708, %gather3A_711 : vector<16xf32>
          %sub3A_715 = arith.subf %gather3A_709, %gather3A_712 : vector<16xf32>
          %mul3A_716 = arith.mulf %sub3A_713, %sub3A_713 : vector<16xf32>
          %mul3A_717 = arith.mulf %sub3A_714, %sub3A_714 : vector<16xf32>
          %add3A_718 = arith.addf %mul3A_716, %mul3A_717 : vector<16xf32>
          %mul3A_719 = arith.mulf %sub3A_715, %sub3A_715 : vector<16xf32>
          %add3A_720 = arith.addf %add3A_718, %mul3A_719 : vector<16xf32>
          %get3A_721 = arith.index_cast %add3A_697 : i32 to index
          %get3A_722 = tpu.vector_load %arg6[%get3A_721] {strides = array<i32>} : memref<2048xi32, #tpu.memory_space<vmem>>, vector<16xi32>,
          %get3A_723 = arith.index_cast %add3A_697 : i32 to index
          %get3A_724 = tpu.vector_load %arg8[%get3A_723] {strides = array<i32>} : memref<2048xi32, #tpu.memory_space<vmem>>, vector<16xi32>,
          %ne3A_725 = arith.cmpi ne, %get3A_722, %get3A_724 : vector<16xi32>
          %jit3A_726 = arith.constant 1.000000e+00 : f32
          %broadcast_in_dim3A_727 = vector.broadcast %jit3A_726 : f32 to vector<16xf32>
          %select_n3A_728 = arith.select %ne3A_725, %add3A_720, %broadcast_in_dim3A_727 : vector<16xi1>, vector<16xf32>
          %bitcast3A_729 = vector.bitcast %select_n3A_728 : vector<16xf32> to vector<16xi32>
          %shift_right_logical3A_730 = arith.constant 1 : i32
          %shift_right_logical3A_731 = vector.broadcast %shift_right_logical3A_730 : i32 to vector<16xi32>
          %shift_right_logical3A_732 = arith.shrui %bitcast3A_729, %shift_right_logical3A_731 : vector<16xi32>
          %sub3A_733 = arith.constant 1597463007 : i32
          %sub3A_734 = vector.broadcast %sub3A_733 : i32 to vector<16xi32>
          %sub3A_735 = arith.subi %sub3A_734, %shift_right_logical3A_732 : vector<16xi32>
          %bitcast3A_736 = vector.bitcast %sub3A_735 : vector<16xi32> to vector<16xf32>
          %mul3A_737 = arith.constant -5.000000e-01 : f32
          %mul3A_738 = vector.broadcast %mul3A_737 : f32 to vector<16xf32>
          %mul3A_739 = arith.mulf %select_n3A_728, %mul3A_738 : vector<16xf32>
          %mul3A_740 = arith.mulf %mul3A_739, %bitcast3A_736 : vector<16xf32>
          %mul3A_741 = arith.mulf %mul3A_740, %bitcast3A_736 : vector<16xf32>
          %add3A_742 = arith.constant 1.500000e+00 : f32
          %add3A_743 = vector.broadcast %add3A_742 : f32 to vector<16xf32>
          %add3A_744 = arith.addf %add3A_743, %mul3A_741 : vector<16xf32>
          %mul3A_745 = arith.mulf %bitcast3A_736, %add3A_744 : vector<16xf32>
          %mul3A_746 = arith.mulf %mul3A_739, %mul3A_745 : vector<16xf32>
          %mul3A_747 = arith.mulf %mul3A_746, %mul3A_745 : vector<16xf32>
          %add3A_748 = arith.constant 1.500000e+00 : f32
          %add3A_749 = vector.broadcast %add3A_748 : f32 to vector<16xf32>
          %add3A_750 = arith.addf %add3A_749, %mul3A_747 : vector<16xf32>
          %mul3A_751 = arith.mulf %mul3A_745, %add3A_750 : vector<16xf32>
          %mul3A_752 = arith.mulf %add3A_720, %mul3A_751 : vector<16xf32>
          %swap3A_753 = arith.index_cast %add3A_697 : i32 to index
          %swap3A_754 = tpu.vector_load %arg14[%swap3A_753] {strides = array<i32>} : memref<2048xf32, #tpu.memory_space<vmem>>, vector<16xf32>,
          tpu.vector_store %arg14[%swap3A_753], %mul3A_752 {strides = array<i32>} : memref<2048xf32, #tpu.memory_space<vmem>>, vector<16xf32>,
          %mul3A_755 = arith.mulf %sub3A_713, %mul3A_751 : vector<16xf32>
          %swap3A_756 = arith.constant 0 : i32
          %swap3A_757 = arith.index_cast %scan3A_148 : i32 to index
          %swap3A_758 = arith.index_cast %swap3A_756 : i32 to index
          %swap3A_759 = arith.constant 112 : index
          %swap3A_760 = tpu.vector_load %arg16[%swap3A_757, %swap3A_758, %swap3A_759] {strides = array<i32>} : memref<16x4x128xf32, #tpu.memory_space<vmem>>, vector<16xf32>,
          tpu.vector_store %arg16[%swap3A_757, %swap3A_758, %swap3A_759], %mul3A_755 {strides = array<i32>} : memref<16x4x128xf32, #tpu.memory_space<vmem>>, vector<16xf32>,
          %mul3A_761 = arith.mulf %sub3A_714, %mul3A_751 : vector<16xf32>
          %swap3A_762 = arith.constant 1 : i32
          %swap3A_763 = arith.index_cast %scan3A_148 : i32 to index
          %swap3A_764 = arith.index_cast %swap3A_762 : i32 to index
          %swap3A_765 = arith.constant 112 : index
          %swap3A_766 = tpu.vector_load %arg16[%swap3A_763, %swap3A_764, %swap3A_765] {strides = array<i32>} : memref<16x4x128xf32, #tpu.memory_space<vmem>>, vector<16xf32>,
          tpu.vector_store %arg16[%swap3A_763, %swap3A_764, %swap3A_765], %mul3A_761 {strides = array<i32>} : memref<16x4x128xf32, #tpu.memory_space<vmem>>, vector<16xf32>,
          %mul3A_767 = arith.mulf %sub3A_715, %mul3A_751 : vector<16xf32>
          %swap3A_768 = arith.constant 2 : i32
          %swap3A_769 = arith.index_cast %scan3A_148 : i32 to index
          %swap3A_770 = arith.index_cast %swap3A_768 : i32 to index
          %swap3A_771 = arith.constant 112 : index
          %swap3A_772 = tpu.vector_load %arg16[%swap3A_769, %swap3A_770, %swap3A_771] {strides = array<i32>} : memref<16x4x128xf32, #tpu.memory_space<vmem>>, vector<16xf32>,
          tpu.vector_store %arg16[%swap3A_769, %swap3A_770, %swap3A_771], %mul3A_767 {strides = array<i32>} : memref<16x4x128xf32, #tpu.memory_space<vmem>>, vector<16xf32>,
        }
        %scan3A_126 = arith.constant 16 : i32
        %mul3A_127 = arith.constant 16 : i32
        %mul3A_128 = arith.muli %add3A_93, %mul3A_127 : i32
        %add3A_129 = arith.addi %add3A_4, %mul3A_128 : i32
        %min3A_130 = arith.minsi %add3A_129, %sub3A_10 : i32
        %mul3A_131 = arith.constant 128 : i32
        %mul3A_132 = arith.muli %min3A_130, %mul3A_131 : i32
        %dma_start3A_133 = tpu.memref_slice %arg4[%mul3A_132] : memref<1600000xf32, #tpu.memory_space<hbm>> -> memref<2048xf32, #tpu.memory_space<hbm>>
        %dma_start3A_134 = tpu.memref_slice %arg4[%mul3A_132] : memref<1600000xf32, #tpu.memory_space<hbm>> -> memref<2048xf32, #tpu.memory_space<hbm>>
        tpu.enqueue_dma source(%arg14 : memref<2048xf32, #tpu.memory_space<vmem>>) target(%dma_start3A_134 : memref<2048xf32, #tpu.memory_space<hbm>>) target_semaphore(%arg22 : memref<!tpu.dma_semaphore, #tpu.memory_space<semaphore_mem>>)
        %dma_start3A_135 = arith.constant 0 : i32
        %dma_start3A_136 = arith.constant 0 : i32
        %dma_start3A_137 = tpu.memref_slice %arg5[%min3A_130, %dma_start3A_135, %dma_start3A_136] : memref<12500x4x128xf32, #tpu.memory_space<hbm>> -> memref<16x4x128xf32, #tpu.memory_space<hbm>>
        %dma_start3A_138 = arith.constant 0 : i32
        %dma_start3A_139 = arith.constant 0 : i32
        %dma_start3A_140 = tpu.memref_slice %arg5[%min3A_130, %dma_start3A_138, %dma_start3A_139] : memref<12500x4x128xf32, #tpu.memory_space<hbm>> -> memref<16x4x128xf32, #tpu.memory_space<hbm>>
        tpu.enqueue_dma source(%arg16 : memref<16x4x128xf32, #tpu.memory_space<vmem>>) target(%dma_start3A_140 : memref<16x4x128xf32, #tpu.memory_space<hbm>>) target_semaphore(%arg22 : memref<!tpu.dma_semaphore, #tpu.memory_space<semaphore_mem>>)
        %add3A_141 = arith.constant 2 : i32
        %add3A_142 = arith.addi %add3A_93, %add3A_141 : i32
        %lt3A_143 = arith.constant 25 : i32
        %lt3A_144 = arith.cmpi slt, %add3A_142, %lt3A_143 : i32
        %convert_element_type3A_145 = arith.extui %lt3A_144 : i1 to i32
        %cond3A_146 = arith.constant 0 : i32
        %cond3A_147 = arith.cmpi ne, %convert_element_type3A_145, %cond3A_146 : i32
        scf.if %cond3A_147 {
          %add3A_148 = arith.constant 2 : i32
          %add3A_149 = arith.addi %add3A_93, %add3A_148 : i32
          %mul3A_150 = arith.constant 16 : i32
          %mul3A_151 = arith.muli %add3A_149, %mul3A_150 : i32
          %add3A_152 = arith.addi %add3A_4, %mul3A_151 : i32
          %min3A_153 = arith.minsi %add3A_152, %sub3A_10 : i32
          %mul3A_154 = arith.constant 128 : i32
          %mul3A_155 = arith.muli %min3A_153, %mul3A_154 : i32
          %dma_start3A_156 = arith.constant 0 : i32
          %dma_start3A_157 = tpu.memref_slice %arg3[%dma_start3A_156, %mul3A_155] : memref<2x1600000xi32, #tpu.memory_space<hbm>> -> memref<1x2048xi32, #tpu.memory_space<hbm>>
          %dma_start3A_158 = tpu.memref_squeeze %dma_start3A_157 : memref<1x2048xi32, #tpu.memory_space<hbm>> -> memref<2048xi32, #tpu.memory_space<hbm>>
          %dma_start3A_159 = tpu.memref_slice %arg3[%dma_start3A_156, %mul3A_155] : memref<2x1600000xi32, #tpu.memory_space<hbm>> -> memref<1x2048xi32, #tpu.memory_space<hbm>>
          %dma_start3A_160 = tpu.memref_squeeze %dma_start3A_159 : memref<1x2048xi32, #tpu.memory_space<hbm>> -> memref<2048xi32, #tpu.memory_space<hbm>>
          tpu.enqueue_dma source(%dma_start3A_160 : memref<2048xi32, #tpu.memory_space<hbm>>) target(%arg6 : memref<2048xi32, #tpu.memory_space<vmem>>) target_semaphore(%arg18 : memref<!tpu.dma_semaphore, #tpu.memory_space<semaphore_mem>>)
          %dma_start3A_161 = arith.constant 1 : i32
          %dma_start3A_162 = tpu.memref_slice %arg3[%dma_start3A_161, %mul3A_155] : memref<2x1600000xi32, #tpu.memory_space<hbm>> -> memref<1x2048xi32, #tpu.memory_space<hbm>>
          %dma_start3A_163 = tpu.memref_squeeze %dma_start3A_162 : memref<1x2048xi32, #tpu.memory_space<hbm>> -> memref<2048xi32, #tpu.memory_space<hbm>>
          %dma_start3A_164 = tpu.memref_slice %arg3[%dma_start3A_161, %mul3A_155] : memref<2x1600000xi32, #tpu.memory_space<hbm>> -> memref<1x2048xi32, #tpu.memory_space<hbm>>
          %dma_start3A_165 = tpu.memref_squeeze %dma_start3A_164 : memref<1x2048xi32, #tpu.memory_space<hbm>> -> memref<2048xi32, #tpu.memory_space<hbm>>
          tpu.enqueue_dma source(%dma_start3A_165 : memref<2048xi32, #tpu.memory_space<hbm>>) target(%arg8 : memref<2048xi32, #tpu.memory_space<vmem>>) target_semaphore(%arg18 : memref<!tpu.dma_semaphore, #tpu.memory_space<semaphore_mem>>)
        } else {
        }
      } else {
      }
      %add3A_97 = arith.constant 1 : i32
      %add3A_98 = arith.addi %add3A_91, %add3A_97 : i32
      %lt3A_99 = arith.constant 25 : i32
      %lt3A_100 = arith.cmpi slt, %add3A_98, %lt3A_99 : i32
      %convert_element_type3A_101 = arith.extui %lt3A_100 : i1 to i32
      %cond3A_102 = arith.constant 0 : i32
      %cond3A_103 = arith.cmpi ne, %convert_element_type3A_101, %cond3A_102 : i32
      scf.if %cond3A_103 {
        %add3A_104 = arith.constant 1 : i32
        %add3A_105 = arith.addi %add3A_98, %add3A_104 : i32
        %lt3A_106 = arith.constant 25 : i32
        %lt3A_107 = arith.cmpi slt, %add3A_105, %lt3A_106 : i32
        %convert_element_type3A_108 = arith.extui %lt3A_107 : i1 to i32
        %cond3A_109 = arith.constant 0 : i32
        %cond3A_110 = arith.cmpi ne, %convert_element_type3A_108, %cond3A_109 : i32
        scf.if %cond3A_110 {
          %dma_wait3A_148 = arith.constant 0 : i32
          %dma_wait3A_149 = arith.constant 0 : i32
          %dma_wait3A_150 = tpu.memref_slice %arg3[%dma_wait3A_148, %dma_wait3A_149] : memref<2x1600000xi32, #tpu.memory_space<hbm>> -> memref<1x2048xi32, #tpu.memory_space<hbm>>
          %dma_wait3A_151 = tpu.memref_squeeze %dma_wait3A_150 : memref<1x2048xi32, #tpu.memory_space<hbm>> -> memref<2048xi32, #tpu.memory_space<hbm>>
          %dma_wait3A_152 = arith.constant 0 : i32
          %dma_wait3A_153 = tpu.memref_slice %arg3[%dma_wait3A_148, %dma_wait3A_152] : memref<2x1600000xi32, #tpu.memory_space<hbm>> -> memref<1x2048xi32, #tpu.memory_space<hbm>>
          %dma_wait3A_154 = tpu.memref_squeeze %dma_wait3A_153 : memref<1x2048xi32, #tpu.memory_space<hbm>> -> memref<2048xi32, #tpu.memory_space<hbm>>
          tpu.wait_dma2 semaphore(%arg18 : memref<!tpu.dma_semaphore, #tpu.memory_space<semaphore_mem>>) src(%dma_wait3A_154 : memref<2048xi32, #tpu.memory_space<hbm>>) dst(%arg6 : memref<2048xi32, #tpu.memory_space<vmem>>)
          %dma_wait3A_155 = arith.constant 1 : i32
          %dma_wait3A_156 = arith.constant 0 : i32
          %dma_wait3A_157 = tpu.memref_slice %arg3[%dma_wait3A_155, %dma_wait3A_156] : memref<2x1600000xi32, #tpu.memory_space<hbm>> -> memref<1x2048xi32, #tpu.memory_space<hbm>>
          %dma_wait3A_158 = tpu.memref_squeeze %dma_wait3A_157 : memref<1x2048xi32, #tpu.memory_space<hbm>> -> memref<2048xi32, #tpu.memory_space<hbm>>
          %dma_wait3A_159 = arith.constant 0 : i32
          %dma_wait3A_160 = tpu.memref_slice %arg3[%dma_wait3A_155, %dma_wait3A_159] : memref<2x1600000xi32, #tpu.memory_space<hbm>> -> memref<1x2048xi32, #tpu.memory_space<hbm>>
          %dma_wait3A_161 = tpu.memref_squeeze %dma_wait3A_160 : memref<1x2048xi32, #tpu.memory_space<hbm>> -> memref<2048xi32, #tpu.memory_space<hbm>>
          tpu.wait_dma2 semaphore(%arg18 : memref<!tpu.dma_semaphore, #tpu.memory_space<semaphore_mem>>) src(%dma_wait3A_161 : memref<2048xi32, #tpu.memory_space<hbm>>) dst(%arg8 : memref<2048xi32, #tpu.memory_space<vmem>>)
          %dma_start3A_162 = arith.constant 0 : i32
          %dma_start3A_163 = arith.constant 0 : i32
          %dma_start3A_164 = tpu.memref_slice %arg2[%dma_start3A_162, %dma_start3A_163] : memref<50000x8xf32, #tpu.memory_space<hbm>> -> memref<50000x8xf32, #tpu.memory_space<hbm>>
          tpu.enqueue_indirect_dma source(%dma_start3A_164 : memref<50000x8xf32, #tpu.memory_space<hbm>>) target(%arg10 : memref<2048x8xf32, #tpu.memory_space<vmem>>) offsets(%arg6 : memref<2048xi32, #tpu.memory_space<vmem>>) semaphore(%arg20 : memref<!tpu.dma_semaphore, #tpu.memory_space<semaphore_mem>>)
          %dma_start3A_165 = arith.constant 0 : i32
          %dma_start3A_166 = arith.constant 0 : i32
          %dma_start3A_167 = tpu.memref_slice %arg2[%dma_start3A_165, %dma_start3A_166] : memref<50000x8xf32, #tpu.memory_space<hbm>> -> memref<50000x8xf32, #tpu.memory_space<hbm>>
          tpu.enqueue_indirect_dma source(%dma_start3A_167 : memref<50000x8xf32, #tpu.memory_space<hbm>>) target(%arg12 : memref<2048x8xf32, #tpu.memory_space<vmem>>) offsets(%arg8 : memref<2048xi32, #tpu.memory_space<vmem>>) semaphore(%arg20 : memref<!tpu.dma_semaphore, #tpu.memory_space<semaphore_mem>>)
        } else {
        }
        %dma_wait3A_111 = arith.constant 0 : i32
        %dma_wait3A_112 = arith.constant 0 : i32
        %dma_wait3A_113 = tpu.memref_slice %arg2[%dma_wait3A_111, %dma_wait3A_112] : memref<50000x8xf32, #tpu.memory_space<hbm>> -> memref<50000x8xf32, #tpu.memory_space<hbm>>
        tpu.wait_indirect_dma semaphore(%arg21 : memref<!tpu.dma_semaphore, #tpu.memory_space<semaphore_mem>>) src(%dma_wait3A_113 : memref<50000x8xf32, #tpu.memory_space<hbm>>) dst(%arg11 : memref<2048x8xf32, #tpu.memory_space<vmem>>)
        %dma_wait3A_114 = arith.constant 0 : i32
        %dma_wait3A_115 = arith.constant 0 : i32
        %dma_wait3A_116 = tpu.memref_slice %arg2[%dma_wait3A_114, %dma_wait3A_115] : memref<50000x8xf32, #tpu.memory_space<hbm>> -> memref<50000x8xf32, #tpu.memory_space<hbm>>
        tpu.wait_indirect_dma semaphore(%arg21 : memref<!tpu.dma_semaphore, #tpu.memory_space<semaphore_mem>>) src(%dma_wait3A_116 : memref<50000x8xf32, #tpu.memory_space<hbm>>) dst(%arg13 : memref<2048x8xf32, #tpu.memory_space<vmem>>)
        %ge3A = arith.constant 2 : i32
        %ge3A_117 = arith.cmpi sge, %add3A_98, %ge3A : i32
        %convert_element_type3A_118 = arith.extui %ge3A_117 : i1 to i32
        %cond3A_119 = arith.constant 0 : i32
        %cond3A_120 = arith.cmpi ne, %convert_element_type3A_118, %cond3A_119 : i32
        scf.if %cond3A_120 {
          %dma_wait3A_148 = arith.constant 0 : i32
          %dma_wait3A_149 = tpu.memref_slice %arg4[%dma_wait3A_148] : memref<1600000xf32, #tpu.memory_space<hbm>> -> memref<2048xf32, #tpu.memory_space<hbm>>
          %dma_wait3A_150 = arith.constant 0 : i32
          %dma_wait3A_151 = tpu.memref_slice %arg4[%dma_wait3A_150] : memref<1600000xf32, #tpu.memory_space<hbm>> -> memref<2048xf32, #tpu.memory_space<hbm>>
          tpu.wait_dma2 semaphore(%arg23 : memref<!tpu.dma_semaphore, #tpu.memory_space<semaphore_mem>>) src(%arg15 : memref<2048xf32, #tpu.memory_space<vmem>>) dst(%dma_wait3A_151 : memref<2048xf32, #tpu.memory_space<hbm>>)
          %dma_wait3A_152 = arith.constant 0 : i32
          %dma_wait3A_153 = arith.constant 0 : i32
          %dma_wait3A_154 = arith.constant 0 : i32
          %dma_wait3A_155 = tpu.memref_slice %arg5[%dma_wait3A_152, %dma_wait3A_153, %dma_wait3A_154] : memref<12500x4x128xf32, #tpu.memory_space<hbm>> -> memref<16x4x128xf32, #tpu.memory_space<hbm>>
          %dma_wait3A_156 = arith.constant 0 : i32
          %dma_wait3A_157 = arith.constant 0 : i32
          %dma_wait3A_158 = arith.constant 0 : i32
          %dma_wait3A_159 = tpu.memref_slice %arg5[%dma_wait3A_156, %dma_wait3A_157, %dma_wait3A_158] : memref<12500x4x128xf32, #tpu.memory_space<hbm>> -> memref<16x4x128xf32, #tpu.memory_space<hbm>>
          tpu.wait_dma2 semaphore(%arg23 : memref<!tpu.dma_semaphore, #tpu.memory_space<semaphore_mem>>) src(%arg17 : memref<16x4x128xf32, #tpu.memory_space<vmem>>) dst(%dma_wait3A_159 : memref<16x4x128xf32, #tpu.memory_space<hbm>>)
        } else {
        }
        %scan3A_121 = arith.constant 0 : i32
        %scan3A_122 = arith.constant 0 : i32
        %scan3A_123 = arith.constant 16 : i32
        %scan3A_124 = arith.addi %scan3A_122, %scan3A_123 : i32
        %scan3A_125 = arith.constant 1 : i32
        scf.for %scan3A_148 = %scan3A_122 to %scan3A_124 step %scan3A_125  : i32 {
          %mul3A_149 = arith.constant 128 : i32
          %mul3A_150 = arith.muli %scan3A_148, %mul3A_149 : i32
          %add3A_151 = arith.constant 0 : i32
          %add3A_152 = arith.addi %mul3A_150, %add3A_151 : i32
          %iota3A = tpu.iota {dimensions = array<i32: 0>} : vector<16xi32>
          %add3A_153 = vector.broadcast %add3A_152 : i32 to vector<16xi32>
          %add3A_154 = arith.addi %add3A_153, %iota3A : vector<16xi32>
          %broadcast_in_dim3A = arith.constant 0 : i32
          %broadcast_in_dim3A_155 = vector.broadcast %broadcast_in_dim3A : i32 to vector<16xi32>
          %broadcast_in_dim3A_156 = arith.constant 1 : i32
          %broadcast_in_dim3A_157 = vector.broadcast %broadcast_in_dim3A_156 : i32 to vector<16xi32>
          %broadcast_in_dim3A_158 = arith.constant 2 : i32
          %broadcast_in_dim3A_159 = vector.broadcast %broadcast_in_dim3A_158 : i32 to vector<16xi32>
          %gather3A = tpu.vector_load_idx %arg11[%add3A_154, %broadcast_in_dim3A_155] : memref<2048x8xf32, #tpu.memory_space<vmem>>[vector<16xi32>, vector<16xi32>], vector<16xf32>,
          %gather3A_160 = tpu.vector_load_idx %arg11[%add3A_154, %broadcast_in_dim3A_157] : memref<2048x8xf32, #tpu.memory_space<vmem>>[vector<16xi32>, vector<16xi32>], vector<16xf32>,
          %gather3A_161 = tpu.vector_load_idx %arg11[%add3A_154, %broadcast_in_dim3A_159] : memref<2048x8xf32, #tpu.memory_space<vmem>>[vector<16xi32>, vector<16xi32>], vector<16xf32>,
          %gather3A_162 = tpu.vector_load_idx %arg13[%add3A_154, %broadcast_in_dim3A_155] : memref<2048x8xf32, #tpu.memory_space<vmem>>[vector<16xi32>, vector<16xi32>], vector<16xf32>,
          %gather3A_163 = tpu.vector_load_idx %arg13[%add3A_154, %broadcast_in_dim3A_157] : memref<2048x8xf32, #tpu.memory_space<vmem>>[vector<16xi32>, vector<16xi32>], vector<16xf32>,
          %gather3A_164 = tpu.vector_load_idx %arg13[%add3A_154, %broadcast_in_dim3A_159] : memref<2048x8xf32, #tpu.memory_space<vmem>>[vector<16xi32>, vector<16xi32>], vector<16xf32>,
          %sub3A_165 = arith.subf %gather3A, %gather3A_162 : vector<16xf32>
          %sub3A_166 = arith.subf %gather3A_160, %gather3A_163 : vector<16xf32>
          %sub3A_167 = arith.subf %gather3A_161, %gather3A_164 : vector<16xf32>
          %mul3A_168 = arith.mulf %sub3A_165, %sub3A_165 : vector<16xf32>
          %mul3A_169 = arith.mulf %sub3A_166, %sub3A_166 : vector<16xf32>
          %add3A_170 = arith.addf %mul3A_168, %mul3A_169 : vector<16xf32>
          %mul3A_171 = arith.mulf %sub3A_167, %sub3A_167 : vector<16xf32>
          %add3A_172 = arith.addf %add3A_170, %mul3A_171 : vector<16xf32>
          %get3A = arith.index_cast %add3A_152 : i32 to index
          %get3A_173 = tpu.vector_load %arg7[%get3A] {strides = array<i32>} : memref<2048xi32, #tpu.memory_space<vmem>>, vector<16xi32>,
          %get3A_174 = arith.index_cast %add3A_152 : i32 to index
          %get3A_175 = tpu.vector_load %arg9[%get3A_174] {strides = array<i32>} : memref<2048xi32, #tpu.memory_space<vmem>>, vector<16xi32>,
          %ne3A = arith.cmpi ne, %get3A_173, %get3A_175 : vector<16xi32>
          %jit3A_176 = arith.constant 1.000000e+00 : f32
          %broadcast_in_dim3A_177 = vector.broadcast %jit3A_176 : f32 to vector<16xf32>
          %select_n3A_178 = arith.select %ne3A, %add3A_172, %broadcast_in_dim3A_177 : vector<16xi1>, vector<16xf32>
          %bitcast3A = vector.bitcast %select_n3A_178 : vector<16xf32> to vector<16xi32>
          %shift_right_logical3A = arith.constant 1 : i32
          %shift_right_logical3A_179 = vector.broadcast %shift_right_logical3A : i32 to vector<16xi32>
          %shift_right_logical3A_180 = arith.shrui %bitcast3A, %shift_right_logical3A_179 : vector<16xi32>
          %sub3A_181 = arith.constant 1597463007 : i32
          %sub3A_182 = vector.broadcast %sub3A_181 : i32 to vector<16xi32>
          %sub3A_183 = arith.subi %sub3A_182, %shift_right_logical3A_180 : vector<16xi32>
          %bitcast3A_184 = vector.bitcast %sub3A_183 : vector<16xi32> to vector<16xf32>
          %mul3A_185 = arith.constant -5.000000e-01 : f32
          %mul3A_186 = vector.broadcast %mul3A_185 : f32 to vector<16xf32>
          %mul3A_187 = arith.mulf %select_n3A_178, %mul3A_186 : vector<16xf32>
          %mul3A_188 = arith.mulf %mul3A_187, %bitcast3A_184 : vector<16xf32>
          %mul3A_189 = arith.mulf %mul3A_188, %bitcast3A_184 : vector<16xf32>
          %add3A_190 = arith.constant 1.500000e+00 : f32
          %add3A_191 = vector.broadcast %add3A_190 : f32 to vector<16xf32>
          %add3A_192 = arith.addf %add3A_191, %mul3A_189 : vector<16xf32>
          %mul3A_193 = arith.mulf %bitcast3A_184, %add3A_192 : vector<16xf32>
          %mul3A_194 = arith.mulf %mul3A_187, %mul3A_193 : vector<16xf32>
          %mul3A_195 = arith.mulf %mul3A_194, %mul3A_193 : vector<16xf32>
          %add3A_196 = arith.constant 1.500000e+00 : f32
          %add3A_197 = vector.broadcast %add3A_196 : f32 to vector<16xf32>
          %add3A_198 = arith.addf %add3A_197, %mul3A_195 : vector<16xf32>
          %mul3A_199 = arith.mulf %mul3A_193, %add3A_198 : vector<16xf32>
          %mul3A_200 = arith.mulf %add3A_172, %mul3A_199 : vector<16xf32>
          %swap3A = arith.index_cast %add3A_152 : i32 to index
          %swap3A_201 = tpu.vector_load %arg15[%swap3A] {strides = array<i32>} : memref<2048xf32, #tpu.memory_space<vmem>>, vector<16xf32>,
          tpu.vector_store %arg15[%swap3A], %mul3A_200 {strides = array<i32>} : memref<2048xf32, #tpu.memory_space<vmem>>, vector<16xf32>,
          %mul3A_202 = arith.mulf %sub3A_165, %mul3A_199 : vector<16xf32>
          %swap3A_203 = arith.constant 0 : i32
          %swap3A_204 = arith.index_cast %scan3A_148 : i32 to index
          %swap3A_205 = arith.index_cast %swap3A_203 : i32 to index
          %swap3A_206 = arith.constant 0 : index
          %swap3A_207 = tpu.vector_load %arg17[%swap3A_204, %swap3A_205, %swap3A_206] {strides = array<i32>} : memref<16x4x128xf32, #tpu.memory_space<vmem>>, vector<16xf32>,
          tpu.vector_store %arg17[%swap3A_204, %swap3A_205, %swap3A_206], %mul3A_202 {strides = array<i32>} : memref<16x4x128xf32, #tpu.memory_space<vmem>>, vector<16xf32>,
          %mul3A_208 = arith.mulf %sub3A_166, %mul3A_199 : vector<16xf32>
          %swap3A_209 = arith.constant 1 : i32
          %swap3A_210 = arith.index_cast %scan3A_148 : i32 to index
          %swap3A_211 = arith.index_cast %swap3A_209 : i32 to index
          %swap3A_212 = arith.constant 0 : index
          %swap3A_213 = tpu.vector_load %arg17[%swap3A_210, %swap3A_211, %swap3A_212] {strides = array<i32>} : memref<16x4x128xf32, #tpu.memory_space<vmem>>, vector<16xf32>,
          tpu.vector_store %arg17[%swap3A_210, %swap3A_211, %swap3A_212], %mul3A_208 {strides = array<i32>} : memref<16x4x128xf32, #tpu.memory_space<vmem>>, vector<16xf32>,
          %mul3A_214 = arith.mulf %sub3A_167, %mul3A_199 : vector<16xf32>
          %swap3A_215 = arith.constant 2 : i32
          %swap3A_216 = arith.index_cast %scan3A_148 : i32 to index
          %swap3A_217 = arith.index_cast %swap3A_215 : i32 to index
          %swap3A_218 = arith.constant 0 : index
          %swap3A_219 = tpu.vector_load %arg17[%swap3A_216, %swap3A_217, %swap3A_218] {strides = array<i32>} : memref<16x4x128xf32, #tpu.memory_space<vmem>>, vector<16xf32>,
          tpu.vector_store %arg17[%swap3A_216, %swap3A_217, %swap3A_218], %mul3A_214 {strides = array<i32>} : memref<16x4x128xf32, #tpu.memory_space<vmem>>, vector<16xf32>,
          %mul3A_220 = arith.constant 128 : i32
          %mul3A_221 = arith.muli %scan3A_148, %mul3A_220 : i32
          %add3A_222 = arith.constant 16 : i32
          %add3A_223 = arith.addi %mul3A_221, %add3A_222 : i32
          %iota3A_224 = tpu.iota {dimensions = array<i32: 0>} : vector<16xi32>
          %add3A_225 = vector.broadcast %add3A_223 : i32 to vector<16xi32>
          %add3A_226 = arith.addi %add3A_225, %iota3A_224 : vector<16xi32>
          %broadcast_in_dim3A_227 = arith.constant 0 : i32
          %broadcast_in_dim3A_228 = vector.broadcast %broadcast_in_dim3A_227 : i32 to vector<16xi32>
          %broadcast_in_dim3A_229 = arith.constant 1 : i32
          %broadcast_in_dim3A_230 = vector.broadcast %broadcast_in_dim3A_229 : i32 to vector<16xi32>
          %broadcast_in_dim3A_231 = arith.constant 2 : i32
          %broadcast_in_dim3A_232 = vector.broadcast %broadcast_in_dim3A_231 : i32 to vector<16xi32>
          %gather3A_233 = tpu.vector_load_idx %arg11[%add3A_226, %broadcast_in_dim3A_228] : memref<2048x8xf32, #tpu.memory_space<vmem>>[vector<16xi32>, vector<16xi32>], vector<16xf32>,
          %gather3A_234 = tpu.vector_load_idx %arg11[%add3A_226, %broadcast_in_dim3A_230] : memref<2048x8xf32, #tpu.memory_space<vmem>>[vector<16xi32>, vector<16xi32>], vector<16xf32>,
          %gather3A_235 = tpu.vector_load_idx %arg11[%add3A_226, %broadcast_in_dim3A_232] : memref<2048x8xf32, #tpu.memory_space<vmem>>[vector<16xi32>, vector<16xi32>], vector<16xf32>,
          %gather3A_236 = tpu.vector_load_idx %arg13[%add3A_226, %broadcast_in_dim3A_228] : memref<2048x8xf32, #tpu.memory_space<vmem>>[vector<16xi32>, vector<16xi32>], vector<16xf32>,
          %gather3A_237 = tpu.vector_load_idx %arg13[%add3A_226, %broadcast_in_dim3A_230] : memref<2048x8xf32, #tpu.memory_space<vmem>>[vector<16xi32>, vector<16xi32>], vector<16xf32>,
          %gather3A_238 = tpu.vector_load_idx %arg13[%add3A_226, %broadcast_in_dim3A_232] : memref<2048x8xf32, #tpu.memory_space<vmem>>[vector<16xi32>, vector<16xi32>], vector<16xf32>,
          %sub3A_239 = arith.subf %gather3A_233, %gather3A_236 : vector<16xf32>
          %sub3A_240 = arith.subf %gather3A_234, %gather3A_237 : vector<16xf32>
          %sub3A_241 = arith.subf %gather3A_235, %gather3A_238 : vector<16xf32>
          %mul3A_242 = arith.mulf %sub3A_239, %sub3A_239 : vector<16xf32>
          %mul3A_243 = arith.mulf %sub3A_240, %sub3A_240 : vector<16xf32>
          %add3A_244 = arith.addf %mul3A_242, %mul3A_243 : vector<16xf32>
          %mul3A_245 = arith.mulf %sub3A_241, %sub3A_241 : vector<16xf32>
          %add3A_246 = arith.addf %add3A_244, %mul3A_245 : vector<16xf32>
          %get3A_247 = arith.index_cast %add3A_223 : i32 to index
          %get3A_248 = tpu.vector_load %arg7[%get3A_247] {strides = array<i32>} : memref<2048xi32, #tpu.memory_space<vmem>>, vector<16xi32>,
          %get3A_249 = arith.index_cast %add3A_223 : i32 to index
          %get3A_250 = tpu.vector_load %arg9[%get3A_249] {strides = array<i32>} : memref<2048xi32, #tpu.memory_space<vmem>>, vector<16xi32>,
          %ne3A_251 = arith.cmpi ne, %get3A_248, %get3A_250 : vector<16xi32>
          %jit3A_252 = arith.constant 1.000000e+00 : f32
          %broadcast_in_dim3A_253 = vector.broadcast %jit3A_252 : f32 to vector<16xf32>
          %select_n3A_254 = arith.select %ne3A_251, %add3A_246, %broadcast_in_dim3A_253 : vector<16xi1>, vector<16xf32>
          %bitcast3A_255 = vector.bitcast %select_n3A_254 : vector<16xf32> to vector<16xi32>
          %shift_right_logical3A_256 = arith.constant 1 : i32
          %shift_right_logical3A_257 = vector.broadcast %shift_right_logical3A_256 : i32 to vector<16xi32>
          %shift_right_logical3A_258 = arith.shrui %bitcast3A_255, %shift_right_logical3A_257 : vector<16xi32>
          %sub3A_259 = arith.constant 1597463007 : i32
          %sub3A_260 = vector.broadcast %sub3A_259 : i32 to vector<16xi32>
          %sub3A_261 = arith.subi %sub3A_260, %shift_right_logical3A_258 : vector<16xi32>
          %bitcast3A_262 = vector.bitcast %sub3A_261 : vector<16xi32> to vector<16xf32>
          %mul3A_263 = arith.constant -5.000000e-01 : f32
          %mul3A_264 = vector.broadcast %mul3A_263 : f32 to vector<16xf32>
          %mul3A_265 = arith.mulf %select_n3A_254, %mul3A_264 : vector<16xf32>
          %mul3A_266 = arith.mulf %mul3A_265, %bitcast3A_262 : vector<16xf32>
          %mul3A_267 = arith.mulf %mul3A_266, %bitcast3A_262 : vector<16xf32>
          %add3A_268 = arith.constant 1.500000e+00 : f32
          %add3A_269 = vector.broadcast %add3A_268 : f32 to vector<16xf32>
          %add3A_270 = arith.addf %add3A_269, %mul3A_267 : vector<16xf32>
          %mul3A_271 = arith.mulf %bitcast3A_262, %add3A_270 : vector<16xf32>
          %mul3A_272 = arith.mulf %mul3A_265, %mul3A_271 : vector<16xf32>
          %mul3A_273 = arith.mulf %mul3A_272, %mul3A_271 : vector<16xf32>
          %add3A_274 = arith.constant 1.500000e+00 : f32
          %add3A_275 = vector.broadcast %add3A_274 : f32 to vector<16xf32>
          %add3A_276 = arith.addf %add3A_275, %mul3A_273 : vector<16xf32>
          %mul3A_277 = arith.mulf %mul3A_271, %add3A_276 : vector<16xf32>
          %mul3A_278 = arith.mulf %add3A_246, %mul3A_277 : vector<16xf32>
          %swap3A_279 = arith.index_cast %add3A_223 : i32 to index
          %swap3A_280 = tpu.vector_load %arg15[%swap3A_279] {strides = array<i32>} : memref<2048xf32, #tpu.memory_space<vmem>>, vector<16xf32>,
          tpu.vector_store %arg15[%swap3A_279], %mul3A_278 {strides = array<i32>} : memref<2048xf32, #tpu.memory_space<vmem>>, vector<16xf32>,
          %mul3A_281 = arith.mulf %sub3A_239, %mul3A_277 : vector<16xf32>
          %swap3A_282 = arith.constant 0 : i32
          %swap3A_283 = arith.index_cast %scan3A_148 : i32 to index
          %swap3A_284 = arith.index_cast %swap3A_282 : i32 to index
          %swap3A_285 = arith.constant 16 : index
          %swap3A_286 = tpu.vector_load %arg17[%swap3A_283, %swap3A_284, %swap3A_285] {strides = array<i32>} : memref<16x4x128xf32, #tpu.memory_space<vmem>>, vector<16xf32>,
          tpu.vector_store %arg17[%swap3A_283, %swap3A_284, %swap3A_285], %mul3A_281 {strides = array<i32>} : memref<16x4x128xf32, #tpu.memory_space<vmem>>, vector<16xf32>,
          %mul3A_287 = arith.mulf %sub3A_240, %mul3A_277 : vector<16xf32>
          %swap3A_288 = arith.constant 1 : i32
          %swap3A_289 = arith.index_cast %scan3A_148 : i32 to index
          %swap3A_290 = arith.index_cast %swap3A_288 : i32 to index
          %swap3A_291 = arith.constant 16 : index
          %swap3A_292 = tpu.vector_load %arg17[%swap3A_289, %swap3A_290, %swap3A_291] {strides = array<i32>} : memref<16x4x128xf32, #tpu.memory_space<vmem>>, vector<16xf32>,
          tpu.vector_store %arg17[%swap3A_289, %swap3A_290, %swap3A_291], %mul3A_287 {strides = array<i32>} : memref<16x4x128xf32, #tpu.memory_space<vmem>>, vector<16xf32>,
          %mul3A_293 = arith.mulf %sub3A_241, %mul3A_277 : vector<16xf32>
          %swap3A_294 = arith.constant 2 : i32
          %swap3A_295 = arith.index_cast %scan3A_148 : i32 to index
          %swap3A_296 = arith.index_cast %swap3A_294 : i32 to index
          %swap3A_297 = arith.constant 16 : index
          %swap3A_298 = tpu.vector_load %arg17[%swap3A_295, %swap3A_296, %swap3A_297] {strides = array<i32>} : memref<16x4x128xf32, #tpu.memory_space<vmem>>, vector<16xf32>,
          tpu.vector_store %arg17[%swap3A_295, %swap3A_296, %swap3A_297], %mul3A_293 {strides = array<i32>} : memref<16x4x128xf32, #tpu.memory_space<vmem>>, vector<16xf32>,
          %mul3A_299 = arith.constant 128 : i32
          %mul3A_300 = arith.muli %scan3A_148, %mul3A_299 : i32
          %add3A_301 = arith.constant 32 : i32
          %add3A_302 = arith.addi %mul3A_300, %add3A_301 : i32
          %iota3A_303 = tpu.iota {dimensions = array<i32: 0>} : vector<16xi32>
          %add3A_304 = vector.broadcast %add3A_302 : i32 to vector<16xi32>
          %add3A_305 = arith.addi %add3A_304, %iota3A_303 : vector<16xi32>
          %broadcast_in_dim3A_306 = arith.constant 0 : i32
          %broadcast_in_dim3A_307 = vector.broadcast %broadcast_in_dim3A_306 : i32 to vector<16xi32>
          %broadcast_in_dim3A_308 = arith.constant 1 : i32
          %broadcast_in_dim3A_309 = vector.broadcast %broadcast_in_dim3A_308 : i32 to vector<16xi32>
          %broadcast_in_dim3A_310 = arith.constant 2 : i32
          %broadcast_in_dim3A_311 = vector.broadcast %broadcast_in_dim3A_310 : i32 to vector<16xi32>
          %gather3A_312 = tpu.vector_load_idx %arg11[%add3A_305, %broadcast_in_dim3A_307] : memref<2048x8xf32, #tpu.memory_space<vmem>>[vector<16xi32>, vector<16xi32>], vector<16xf32>,
          %gather3A_313 = tpu.vector_load_idx %arg11[%add3A_305, %broadcast_in_dim3A_309] : memref<2048x8xf32, #tpu.memory_space<vmem>>[vector<16xi32>, vector<16xi32>], vector<16xf32>,
          %gather3A_314 = tpu.vector_load_idx %arg11[%add3A_305, %broadcast_in_dim3A_311] : memref<2048x8xf32, #tpu.memory_space<vmem>>[vector<16xi32>, vector<16xi32>], vector<16xf32>,
          %gather3A_315 = tpu.vector_load_idx %arg13[%add3A_305, %broadcast_in_dim3A_307] : memref<2048x8xf32, #tpu.memory_space<vmem>>[vector<16xi32>, vector<16xi32>], vector<16xf32>,
          %gather3A_316 = tpu.vector_load_idx %arg13[%add3A_305, %broadcast_in_dim3A_309] : memref<2048x8xf32, #tpu.memory_space<vmem>>[vector<16xi32>, vector<16xi32>], vector<16xf32>,
          %gather3A_317 = tpu.vector_load_idx %arg13[%add3A_305, %broadcast_in_dim3A_311] : memref<2048x8xf32, #tpu.memory_space<vmem>>[vector<16xi32>, vector<16xi32>], vector<16xf32>,
          %sub3A_318 = arith.subf %gather3A_312, %gather3A_315 : vector<16xf32>
          %sub3A_319 = arith.subf %gather3A_313, %gather3A_316 : vector<16xf32>
          %sub3A_320 = arith.subf %gather3A_314, %gather3A_317 : vector<16xf32>
          %mul3A_321 = arith.mulf %sub3A_318, %sub3A_318 : vector<16xf32>
          %mul3A_322 = arith.mulf %sub3A_319, %sub3A_319 : vector<16xf32>
          %add3A_323 = arith.addf %mul3A_321, %mul3A_322 : vector<16xf32>
          %mul3A_324 = arith.mulf %sub3A_320, %sub3A_320 : vector<16xf32>
          %add3A_325 = arith.addf %add3A_323, %mul3A_324 : vector<16xf32>
          %get3A_326 = arith.index_cast %add3A_302 : i32 to index
          %get3A_327 = tpu.vector_load %arg7[%get3A_326] {strides = array<i32>} : memref<2048xi32, #tpu.memory_space<vmem>>, vector<16xi32>,
          %get3A_328 = arith.index_cast %add3A_302 : i32 to index
          %get3A_329 = tpu.vector_load %arg9[%get3A_328] {strides = array<i32>} : memref<2048xi32, #tpu.memory_space<vmem>>, vector<16xi32>,
          %ne3A_330 = arith.cmpi ne, %get3A_327, %get3A_329 : vector<16xi32>
          %jit3A_331 = arith.constant 1.000000e+00 : f32
          %broadcast_in_dim3A_332 = vector.broadcast %jit3A_331 : f32 to vector<16xf32>
          %select_n3A_333 = arith.select %ne3A_330, %add3A_325, %broadcast_in_dim3A_332 : vector<16xi1>, vector<16xf32>
          %bitcast3A_334 = vector.bitcast %select_n3A_333 : vector<16xf32> to vector<16xi32>
          %shift_right_logical3A_335 = arith.constant 1 : i32
          %shift_right_logical3A_336 = vector.broadcast %shift_right_logical3A_335 : i32 to vector<16xi32>
          %shift_right_logical3A_337 = arith.shrui %bitcast3A_334, %shift_right_logical3A_336 : vector<16xi32>
          %sub3A_338 = arith.constant 1597463007 : i32
          %sub3A_339 = vector.broadcast %sub3A_338 : i32 to vector<16xi32>
          %sub3A_340 = arith.subi %sub3A_339, %shift_right_logical3A_337 : vector<16xi32>
          %bitcast3A_341 = vector.bitcast %sub3A_340 : vector<16xi32> to vector<16xf32>
          %mul3A_342 = arith.constant -5.000000e-01 : f32
          %mul3A_343 = vector.broadcast %mul3A_342 : f32 to vector<16xf32>
          %mul3A_344 = arith.mulf %select_n3A_333, %mul3A_343 : vector<16xf32>
          %mul3A_345 = arith.mulf %mul3A_344, %bitcast3A_341 : vector<16xf32>
          %mul3A_346 = arith.mulf %mul3A_345, %bitcast3A_341 : vector<16xf32>
          %add3A_347 = arith.constant 1.500000e+00 : f32
          %add3A_348 = vector.broadcast %add3A_347 : f32 to vector<16xf32>
          %add3A_349 = arith.addf %add3A_348, %mul3A_346 : vector<16xf32>
          %mul3A_350 = arith.mulf %bitcast3A_341, %add3A_349 : vector<16xf32>
          %mul3A_351 = arith.mulf %mul3A_344, %mul3A_350 : vector<16xf32>
          %mul3A_352 = arith.mulf %mul3A_351, %mul3A_350 : vector<16xf32>
          %add3A_353 = arith.constant 1.500000e+00 : f32
          %add3A_354 = vector.broadcast %add3A_353 : f32 to vector<16xf32>
          %add3A_355 = arith.addf %add3A_354, %mul3A_352 : vector<16xf32>
          %mul3A_356 = arith.mulf %mul3A_350, %add3A_355 : vector<16xf32>
          %mul3A_357 = arith.mulf %add3A_325, %mul3A_356 : vector<16xf32>
          %swap3A_358 = arith.index_cast %add3A_302 : i32 to index
          %swap3A_359 = tpu.vector_load %arg15[%swap3A_358] {strides = array<i32>} : memref<2048xf32, #tpu.memory_space<vmem>>, vector<16xf32>,
          tpu.vector_store %arg15[%swap3A_358], %mul3A_357 {strides = array<i32>} : memref<2048xf32, #tpu.memory_space<vmem>>, vector<16xf32>,
          %mul3A_360 = arith.mulf %sub3A_318, %mul3A_356 : vector<16xf32>
          %swap3A_361 = arith.constant 0 : i32
          %swap3A_362 = arith.index_cast %scan3A_148 : i32 to index
          %swap3A_363 = arith.index_cast %swap3A_361 : i32 to index
          %swap3A_364 = arith.constant 32 : index
          %swap3A_365 = tpu.vector_load %arg17[%swap3A_362, %swap3A_363, %swap3A_364] {strides = array<i32>} : memref<16x4x128xf32, #tpu.memory_space<vmem>>, vector<16xf32>,
          tpu.vector_store %arg17[%swap3A_362, %swap3A_363, %swap3A_364], %mul3A_360 {strides = array<i32>} : memref<16x4x128xf32, #tpu.memory_space<vmem>>, vector<16xf32>,
          %mul3A_366 = arith.mulf %sub3A_319, %mul3A_356 : vector<16xf32>
          %swap3A_367 = arith.constant 1 : i32
          %swap3A_368 = arith.index_cast %scan3A_148 : i32 to index
          %swap3A_369 = arith.index_cast %swap3A_367 : i32 to index
          %swap3A_370 = arith.constant 32 : index
          %swap3A_371 = tpu.vector_load %arg17[%swap3A_368, %swap3A_369, %swap3A_370] {strides = array<i32>} : memref<16x4x128xf32, #tpu.memory_space<vmem>>, vector<16xf32>,
          tpu.vector_store %arg17[%swap3A_368, %swap3A_369, %swap3A_370], %mul3A_366 {strides = array<i32>} : memref<16x4x128xf32, #tpu.memory_space<vmem>>, vector<16xf32>,
          %mul3A_372 = arith.mulf %sub3A_320, %mul3A_356 : vector<16xf32>
          %swap3A_373 = arith.constant 2 : i32
          %swap3A_374 = arith.index_cast %scan3A_148 : i32 to index
          %swap3A_375 = arith.index_cast %swap3A_373 : i32 to index
          %swap3A_376 = arith.constant 32 : index
          %swap3A_377 = tpu.vector_load %arg17[%swap3A_374, %swap3A_375, %swap3A_376] {strides = array<i32>} : memref<16x4x128xf32, #tpu.memory_space<vmem>>, vector<16xf32>,
          tpu.vector_store %arg17[%swap3A_374, %swap3A_375, %swap3A_376], %mul3A_372 {strides = array<i32>} : memref<16x4x128xf32, #tpu.memory_space<vmem>>, vector<16xf32>,
          %mul3A_378 = arith.constant 128 : i32
          %mul3A_379 = arith.muli %scan3A_148, %mul3A_378 : i32
          %add3A_380 = arith.constant 48 : i32
          %add3A_381 = arith.addi %mul3A_379, %add3A_380 : i32
          %iota3A_382 = tpu.iota {dimensions = array<i32: 0>} : vector<16xi32>
          %add3A_383 = vector.broadcast %add3A_381 : i32 to vector<16xi32>
          %add3A_384 = arith.addi %add3A_383, %iota3A_382 : vector<16xi32>
          %broadcast_in_dim3A_385 = arith.constant 0 : i32
          %broadcast_in_dim3A_386 = vector.broadcast %broadcast_in_dim3A_385 : i32 to vector<16xi32>
          %broadcast_in_dim3A_387 = arith.constant 1 : i32
          %broadcast_in_dim3A_388 = vector.broadcast %broadcast_in_dim3A_387 : i32 to vector<16xi32>
          %broadcast_in_dim3A_389 = arith.constant 2 : i32
          %broadcast_in_dim3A_390 = vector.broadcast %broadcast_in_dim3A_389 : i32 to vector<16xi32>
          %gather3A_391 = tpu.vector_load_idx %arg11[%add3A_384, %broadcast_in_dim3A_386] : memref<2048x8xf32, #tpu.memory_space<vmem>>[vector<16xi32>, vector<16xi32>], vector<16xf32>,
          %gather3A_392 = tpu.vector_load_idx %arg11[%add3A_384, %broadcast_in_dim3A_388] : memref<2048x8xf32, #tpu.memory_space<vmem>>[vector<16xi32>, vector<16xi32>], vector<16xf32>,
          %gather3A_393 = tpu.vector_load_idx %arg11[%add3A_384, %broadcast_in_dim3A_390] : memref<2048x8xf32, #tpu.memory_space<vmem>>[vector<16xi32>, vector<16xi32>], vector<16xf32>,
          %gather3A_394 = tpu.vector_load_idx %arg13[%add3A_384, %broadcast_in_dim3A_386] : memref<2048x8xf32, #tpu.memory_space<vmem>>[vector<16xi32>, vector<16xi32>], vector<16xf32>,
          %gather3A_395 = tpu.vector_load_idx %arg13[%add3A_384, %broadcast_in_dim3A_388] : memref<2048x8xf32, #tpu.memory_space<vmem>>[vector<16xi32>, vector<16xi32>], vector<16xf32>,
          %gather3A_396 = tpu.vector_load_idx %arg13[%add3A_384, %broadcast_in_dim3A_390] : memref<2048x8xf32, #tpu.memory_space<vmem>>[vector<16xi32>, vector<16xi32>], vector<16xf32>,
          %sub3A_397 = arith.subf %gather3A_391, %gather3A_394 : vector<16xf32>
          %sub3A_398 = arith.subf %gather3A_392, %gather3A_395 : vector<16xf32>
          %sub3A_399 = arith.subf %gather3A_393, %gather3A_396 : vector<16xf32>
          %mul3A_400 = arith.mulf %sub3A_397, %sub3A_397 : vector<16xf32>
          %mul3A_401 = arith.mulf %sub3A_398, %sub3A_398 : vector<16xf32>
          %add3A_402 = arith.addf %mul3A_400, %mul3A_401 : vector<16xf32>
          %mul3A_403 = arith.mulf %sub3A_399, %sub3A_399 : vector<16xf32>
          %add3A_404 = arith.addf %add3A_402, %mul3A_403 : vector<16xf32>
          %get3A_405 = arith.index_cast %add3A_381 : i32 to index
          %get3A_406 = tpu.vector_load %arg7[%get3A_405] {strides = array<i32>} : memref<2048xi32, #tpu.memory_space<vmem>>, vector<16xi32>,
          %get3A_407 = arith.index_cast %add3A_381 : i32 to index
          %get3A_408 = tpu.vector_load %arg9[%get3A_407] {strides = array<i32>} : memref<2048xi32, #tpu.memory_space<vmem>>, vector<16xi32>,
          %ne3A_409 = arith.cmpi ne, %get3A_406, %get3A_408 : vector<16xi32>
          %jit3A_410 = arith.constant 1.000000e+00 : f32
          %broadcast_in_dim3A_411 = vector.broadcast %jit3A_410 : f32 to vector<16xf32>
          %select_n3A_412 = arith.select %ne3A_409, %add3A_404, %broadcast_in_dim3A_411 : vector<16xi1>, vector<16xf32>
          %bitcast3A_413 = vector.bitcast %select_n3A_412 : vector<16xf32> to vector<16xi32>
          %shift_right_logical3A_414 = arith.constant 1 : i32
          %shift_right_logical3A_415 = vector.broadcast %shift_right_logical3A_414 : i32 to vector<16xi32>
          %shift_right_logical3A_416 = arith.shrui %bitcast3A_413, %shift_right_logical3A_415 : vector<16xi32>
          %sub3A_417 = arith.constant 1597463007 : i32
          %sub3A_418 = vector.broadcast %sub3A_417 : i32 to vector<16xi32>
          %sub3A_419 = arith.subi %sub3A_418, %shift_right_logical3A_416 : vector<16xi32>
          %bitcast3A_420 = vector.bitcast %sub3A_419 : vector<16xi32> to vector<16xf32>
          %mul3A_421 = arith.constant -5.000000e-01 : f32
          %mul3A_422 = vector.broadcast %mul3A_421 : f32 to vector<16xf32>
          %mul3A_423 = arith.mulf %select_n3A_412, %mul3A_422 : vector<16xf32>
          %mul3A_424 = arith.mulf %mul3A_423, %bitcast3A_420 : vector<16xf32>
          %mul3A_425 = arith.mulf %mul3A_424, %bitcast3A_420 : vector<16xf32>
          %add3A_426 = arith.constant 1.500000e+00 : f32
          %add3A_427 = vector.broadcast %add3A_426 : f32 to vector<16xf32>
          %add3A_428 = arith.addf %add3A_427, %mul3A_425 : vector<16xf32>
          %mul3A_429 = arith.mulf %bitcast3A_420, %add3A_428 : vector<16xf32>
          %mul3A_430 = arith.mulf %mul3A_423, %mul3A_429 : vector<16xf32>
          %mul3A_431 = arith.mulf %mul3A_430, %mul3A_429 : vector<16xf32>
          %add3A_432 = arith.constant 1.500000e+00 : f32
          %add3A_433 = vector.broadcast %add3A_432 : f32 to vector<16xf32>
          %add3A_434 = arith.addf %add3A_433, %mul3A_431 : vector<16xf32>
          %mul3A_435 = arith.mulf %mul3A_429, %add3A_434 : vector<16xf32>
          %mul3A_436 = arith.mulf %add3A_404, %mul3A_435 : vector<16xf32>
          %swap3A_437 = arith.index_cast %add3A_381 : i32 to index
          %swap3A_438 = tpu.vector_load %arg15[%swap3A_437] {strides = array<i32>} : memref<2048xf32, #tpu.memory_space<vmem>>, vector<16xf32>,
          tpu.vector_store %arg15[%swap3A_437], %mul3A_436 {strides = array<i32>} : memref<2048xf32, #tpu.memory_space<vmem>>, vector<16xf32>,
          %mul3A_439 = arith.mulf %sub3A_397, %mul3A_435 : vector<16xf32>
          %swap3A_440 = arith.constant 0 : i32
          %swap3A_441 = arith.index_cast %scan3A_148 : i32 to index
          %swap3A_442 = arith.index_cast %swap3A_440 : i32 to index
          %swap3A_443 = arith.constant 48 : index
          %swap3A_444 = tpu.vector_load %arg17[%swap3A_441, %swap3A_442, %swap3A_443] {strides = array<i32>} : memref<16x4x128xf32, #tpu.memory_space<vmem>>, vector<16xf32>,
          tpu.vector_store %arg17[%swap3A_441, %swap3A_442, %swap3A_443], %mul3A_439 {strides = array<i32>} : memref<16x4x128xf32, #tpu.memory_space<vmem>>, vector<16xf32>,
          %mul3A_445 = arith.mulf %sub3A_398, %mul3A_435 : vector<16xf32>
          %swap3A_446 = arith.constant 1 : i32
          %swap3A_447 = arith.index_cast %scan3A_148 : i32 to index
          %swap3A_448 = arith.index_cast %swap3A_446 : i32 to index
          %swap3A_449 = arith.constant 48 : index
          %swap3A_450 = tpu.vector_load %arg17[%swap3A_447, %swap3A_448, %swap3A_449] {strides = array<i32>} : memref<16x4x128xf32, #tpu.memory_space<vmem>>, vector<16xf32>,
          tpu.vector_store %arg17[%swap3A_447, %swap3A_448, %swap3A_449], %mul3A_445 {strides = array<i32>} : memref<16x4x128xf32, #tpu.memory_space<vmem>>, vector<16xf32>,
          %mul3A_451 = arith.mulf %sub3A_399, %mul3A_435 : vector<16xf32>
          %swap3A_452 = arith.constant 2 : i32
          %swap3A_453 = arith.index_cast %scan3A_148 : i32 to index
          %swap3A_454 = arith.index_cast %swap3A_452 : i32 to index
          %swap3A_455 = arith.constant 48 : index
          %swap3A_456 = tpu.vector_load %arg17[%swap3A_453, %swap3A_454, %swap3A_455] {strides = array<i32>} : memref<16x4x128xf32, #tpu.memory_space<vmem>>, vector<16xf32>,
          tpu.vector_store %arg17[%swap3A_453, %swap3A_454, %swap3A_455], %mul3A_451 {strides = array<i32>} : memref<16x4x128xf32, #tpu.memory_space<vmem>>, vector<16xf32>,
          %mul3A_457 = arith.constant 128 : i32
          %mul3A_458 = arith.muli %scan3A_148, %mul3A_457 : i32
          %add3A_459 = arith.constant 64 : i32
          %add3A_460 = arith.addi %mul3A_458, %add3A_459 : i32
          %iota3A_461 = tpu.iota {dimensions = array<i32: 0>} : vector<16xi32>
          %add3A_462 = vector.broadcast %add3A_460 : i32 to vector<16xi32>
          %add3A_463 = arith.addi %add3A_462, %iota3A_461 : vector<16xi32>
          %broadcast_in_dim3A_464 = arith.constant 0 : i32
          %broadcast_in_dim3A_465 = vector.broadcast %broadcast_in_dim3A_464 : i32 to vector<16xi32>
          %broadcast_in_dim3A_466 = arith.constant 1 : i32
          %broadcast_in_dim3A_467 = vector.broadcast %broadcast_in_dim3A_466 : i32 to vector<16xi32>
          %broadcast_in_dim3A_468 = arith.constant 2 : i32
          %broadcast_in_dim3A_469 = vector.broadcast %broadcast_in_dim3A_468 : i32 to vector<16xi32>
          %gather3A_470 = tpu.vector_load_idx %arg11[%add3A_463, %broadcast_in_dim3A_465] : memref<2048x8xf32, #tpu.memory_space<vmem>>[vector<16xi32>, vector<16xi32>], vector<16xf32>,
          %gather3A_471 = tpu.vector_load_idx %arg11[%add3A_463, %broadcast_in_dim3A_467] : memref<2048x8xf32, #tpu.memory_space<vmem>>[vector<16xi32>, vector<16xi32>], vector<16xf32>,
          %gather3A_472 = tpu.vector_load_idx %arg11[%add3A_463, %broadcast_in_dim3A_469] : memref<2048x8xf32, #tpu.memory_space<vmem>>[vector<16xi32>, vector<16xi32>], vector<16xf32>,
          %gather3A_473 = tpu.vector_load_idx %arg13[%add3A_463, %broadcast_in_dim3A_465] : memref<2048x8xf32, #tpu.memory_space<vmem>>[vector<16xi32>, vector<16xi32>], vector<16xf32>,
          %gather3A_474 = tpu.vector_load_idx %arg13[%add3A_463, %broadcast_in_dim3A_467] : memref<2048x8xf32, #tpu.memory_space<vmem>>[vector<16xi32>, vector<16xi32>], vector<16xf32>,
          %gather3A_475 = tpu.vector_load_idx %arg13[%add3A_463, %broadcast_in_dim3A_469] : memref<2048x8xf32, #tpu.memory_space<vmem>>[vector<16xi32>, vector<16xi32>], vector<16xf32>,
          %sub3A_476 = arith.subf %gather3A_470, %gather3A_473 : vector<16xf32>
          %sub3A_477 = arith.subf %gather3A_471, %gather3A_474 : vector<16xf32>
          %sub3A_478 = arith.subf %gather3A_472, %gather3A_475 : vector<16xf32>
          %mul3A_479 = arith.mulf %sub3A_476, %sub3A_476 : vector<16xf32>
          %mul3A_480 = arith.mulf %sub3A_477, %sub3A_477 : vector<16xf32>
          %add3A_481 = arith.addf %mul3A_479, %mul3A_480 : vector<16xf32>
          %mul3A_482 = arith.mulf %sub3A_478, %sub3A_478 : vector<16xf32>
          %add3A_483 = arith.addf %add3A_481, %mul3A_482 : vector<16xf32>
          %get3A_484 = arith.index_cast %add3A_460 : i32 to index
          %get3A_485 = tpu.vector_load %arg7[%get3A_484] {strides = array<i32>} : memref<2048xi32, #tpu.memory_space<vmem>>, vector<16xi32>,
          %get3A_486 = arith.index_cast %add3A_460 : i32 to index
          %get3A_487 = tpu.vector_load %arg9[%get3A_486] {strides = array<i32>} : memref<2048xi32, #tpu.memory_space<vmem>>, vector<16xi32>,
          %ne3A_488 = arith.cmpi ne, %get3A_485, %get3A_487 : vector<16xi32>
          %jit3A_489 = arith.constant 1.000000e+00 : f32
          %broadcast_in_dim3A_490 = vector.broadcast %jit3A_489 : f32 to vector<16xf32>
          %select_n3A_491 = arith.select %ne3A_488, %add3A_483, %broadcast_in_dim3A_490 : vector<16xi1>, vector<16xf32>
          %bitcast3A_492 = vector.bitcast %select_n3A_491 : vector<16xf32> to vector<16xi32>
          %shift_right_logical3A_493 = arith.constant 1 : i32
          %shift_right_logical3A_494 = vector.broadcast %shift_right_logical3A_493 : i32 to vector<16xi32>
          %shift_right_logical3A_495 = arith.shrui %bitcast3A_492, %shift_right_logical3A_494 : vector<16xi32>
          %sub3A_496 = arith.constant 1597463007 : i32
          %sub3A_497 = vector.broadcast %sub3A_496 : i32 to vector<16xi32>
          %sub3A_498 = arith.subi %sub3A_497, %shift_right_logical3A_495 : vector<16xi32>
          %bitcast3A_499 = vector.bitcast %sub3A_498 : vector<16xi32> to vector<16xf32>
          %mul3A_500 = arith.constant -5.000000e-01 : f32
          %mul3A_501 = vector.broadcast %mul3A_500 : f32 to vector<16xf32>
          %mul3A_502 = arith.mulf %select_n3A_491, %mul3A_501 : vector<16xf32>
          %mul3A_503 = arith.mulf %mul3A_502, %bitcast3A_499 : vector<16xf32>
          %mul3A_504 = arith.mulf %mul3A_503, %bitcast3A_499 : vector<16xf32>
          %add3A_505 = arith.constant 1.500000e+00 : f32
          %add3A_506 = vector.broadcast %add3A_505 : f32 to vector<16xf32>
          %add3A_507 = arith.addf %add3A_506, %mul3A_504 : vector<16xf32>
          %mul3A_508 = arith.mulf %bitcast3A_499, %add3A_507 : vector<16xf32>
          %mul3A_509 = arith.mulf %mul3A_502, %mul3A_508 : vector<16xf32>
          %mul3A_510 = arith.mulf %mul3A_509, %mul3A_508 : vector<16xf32>
          %add3A_511 = arith.constant 1.500000e+00 : f32
          %add3A_512 = vector.broadcast %add3A_511 : f32 to vector<16xf32>
          %add3A_513 = arith.addf %add3A_512, %mul3A_510 : vector<16xf32>
          %mul3A_514 = arith.mulf %mul3A_508, %add3A_513 : vector<16xf32>
          %mul3A_515 = arith.mulf %add3A_483, %mul3A_514 : vector<16xf32>
          %swap3A_516 = arith.index_cast %add3A_460 : i32 to index
          %swap3A_517 = tpu.vector_load %arg15[%swap3A_516] {strides = array<i32>} : memref<2048xf32, #tpu.memory_space<vmem>>, vector<16xf32>,
          tpu.vector_store %arg15[%swap3A_516], %mul3A_515 {strides = array<i32>} : memref<2048xf32, #tpu.memory_space<vmem>>, vector<16xf32>,
          %mul3A_518 = arith.mulf %sub3A_476, %mul3A_514 : vector<16xf32>
          %swap3A_519 = arith.constant 0 : i32
          %swap3A_520 = arith.index_cast %scan3A_148 : i32 to index
          %swap3A_521 = arith.index_cast %swap3A_519 : i32 to index
          %swap3A_522 = arith.constant 64 : index
          %swap3A_523 = tpu.vector_load %arg17[%swap3A_520, %swap3A_521, %swap3A_522] {strides = array<i32>} : memref<16x4x128xf32, #tpu.memory_space<vmem>>, vector<16xf32>,
          tpu.vector_store %arg17[%swap3A_520, %swap3A_521, %swap3A_522], %mul3A_518 {strides = array<i32>} : memref<16x4x128xf32, #tpu.memory_space<vmem>>, vector<16xf32>,
          %mul3A_524 = arith.mulf %sub3A_477, %mul3A_514 : vector<16xf32>
          %swap3A_525 = arith.constant 1 : i32
          %swap3A_526 = arith.index_cast %scan3A_148 : i32 to index
          %swap3A_527 = arith.index_cast %swap3A_525 : i32 to index
          %swap3A_528 = arith.constant 64 : index
          %swap3A_529 = tpu.vector_load %arg17[%swap3A_526, %swap3A_527, %swap3A_528] {strides = array<i32>} : memref<16x4x128xf32, #tpu.memory_space<vmem>>, vector<16xf32>,
          tpu.vector_store %arg17[%swap3A_526, %swap3A_527, %swap3A_528], %mul3A_524 {strides = array<i32>} : memref<16x4x128xf32, #tpu.memory_space<vmem>>, vector<16xf32>,
          %mul3A_530 = arith.mulf %sub3A_478, %mul3A_514 : vector<16xf32>
          %swap3A_531 = arith.constant 2 : i32
          %swap3A_532 = arith.index_cast %scan3A_148 : i32 to index
          %swap3A_533 = arith.index_cast %swap3A_531 : i32 to index
          %swap3A_534 = arith.constant 64 : index
          %swap3A_535 = tpu.vector_load %arg17[%swap3A_532, %swap3A_533, %swap3A_534] {strides = array<i32>} : memref<16x4x128xf32, #tpu.memory_space<vmem>>, vector<16xf32>,
          tpu.vector_store %arg17[%swap3A_532, %swap3A_533, %swap3A_534], %mul3A_530 {strides = array<i32>} : memref<16x4x128xf32, #tpu.memory_space<vmem>>, vector<16xf32>,
          %mul3A_536 = arith.constant 128 : i32
          %mul3A_537 = arith.muli %scan3A_148, %mul3A_536 : i32
          %add3A_538 = arith.constant 80 : i32
          %add3A_539 = arith.addi %mul3A_537, %add3A_538 : i32
          %iota3A_540 = tpu.iota {dimensions = array<i32: 0>} : vector<16xi32>
          %add3A_541 = vector.broadcast %add3A_539 : i32 to vector<16xi32>
          %add3A_542 = arith.addi %add3A_541, %iota3A_540 : vector<16xi32>
          %broadcast_in_dim3A_543 = arith.constant 0 : i32
          %broadcast_in_dim3A_544 = vector.broadcast %broadcast_in_dim3A_543 : i32 to vector<16xi32>
          %broadcast_in_dim3A_545 = arith.constant 1 : i32
          %broadcast_in_dim3A_546 = vector.broadcast %broadcast_in_dim3A_545 : i32 to vector<16xi32>
          %broadcast_in_dim3A_547 = arith.constant 2 : i32
          %broadcast_in_dim3A_548 = vector.broadcast %broadcast_in_dim3A_547 : i32 to vector<16xi32>
          %gather3A_549 = tpu.vector_load_idx %arg11[%add3A_542, %broadcast_in_dim3A_544] : memref<2048x8xf32, #tpu.memory_space<vmem>>[vector<16xi32>, vector<16xi32>], vector<16xf32>,
          %gather3A_550 = tpu.vector_load_idx %arg11[%add3A_542, %broadcast_in_dim3A_546] : memref<2048x8xf32, #tpu.memory_space<vmem>>[vector<16xi32>, vector<16xi32>], vector<16xf32>,
          %gather3A_551 = tpu.vector_load_idx %arg11[%add3A_542, %broadcast_in_dim3A_548] : memref<2048x8xf32, #tpu.memory_space<vmem>>[vector<16xi32>, vector<16xi32>], vector<16xf32>,
          %gather3A_552 = tpu.vector_load_idx %arg13[%add3A_542, %broadcast_in_dim3A_544] : memref<2048x8xf32, #tpu.memory_space<vmem>>[vector<16xi32>, vector<16xi32>], vector<16xf32>,
          %gather3A_553 = tpu.vector_load_idx %arg13[%add3A_542, %broadcast_in_dim3A_546] : memref<2048x8xf32, #tpu.memory_space<vmem>>[vector<16xi32>, vector<16xi32>], vector<16xf32>,
          %gather3A_554 = tpu.vector_load_idx %arg13[%add3A_542, %broadcast_in_dim3A_548] : memref<2048x8xf32, #tpu.memory_space<vmem>>[vector<16xi32>, vector<16xi32>], vector<16xf32>,
          %sub3A_555 = arith.subf %gather3A_549, %gather3A_552 : vector<16xf32>
          %sub3A_556 = arith.subf %gather3A_550, %gather3A_553 : vector<16xf32>
          %sub3A_557 = arith.subf %gather3A_551, %gather3A_554 : vector<16xf32>
          %mul3A_558 = arith.mulf %sub3A_555, %sub3A_555 : vector<16xf32>
          %mul3A_559 = arith.mulf %sub3A_556, %sub3A_556 : vector<16xf32>
          %add3A_560 = arith.addf %mul3A_558, %mul3A_559 : vector<16xf32>
          %mul3A_561 = arith.mulf %sub3A_557, %sub3A_557 : vector<16xf32>
          %add3A_562 = arith.addf %add3A_560, %mul3A_561 : vector<16xf32>
          %get3A_563 = arith.index_cast %add3A_539 : i32 to index
          %get3A_564 = tpu.vector_load %arg7[%get3A_563] {strides = array<i32>} : memref<2048xi32, #tpu.memory_space<vmem>>, vector<16xi32>,
          %get3A_565 = arith.index_cast %add3A_539 : i32 to index
          %get3A_566 = tpu.vector_load %arg9[%get3A_565] {strides = array<i32>} : memref<2048xi32, #tpu.memory_space<vmem>>, vector<16xi32>,
          %ne3A_567 = arith.cmpi ne, %get3A_564, %get3A_566 : vector<16xi32>
          %jit3A_568 = arith.constant 1.000000e+00 : f32
          %broadcast_in_dim3A_569 = vector.broadcast %jit3A_568 : f32 to vector<16xf32>
          %select_n3A_570 = arith.select %ne3A_567, %add3A_562, %broadcast_in_dim3A_569 : vector<16xi1>, vector<16xf32>
          %bitcast3A_571 = vector.bitcast %select_n3A_570 : vector<16xf32> to vector<16xi32>
          %shift_right_logical3A_572 = arith.constant 1 : i32
          %shift_right_logical3A_573 = vector.broadcast %shift_right_logical3A_572 : i32 to vector<16xi32>
          %shift_right_logical3A_574 = arith.shrui %bitcast3A_571, %shift_right_logical3A_573 : vector<16xi32>
          %sub3A_575 = arith.constant 1597463007 : i32
          %sub3A_576 = vector.broadcast %sub3A_575 : i32 to vector<16xi32>
          %sub3A_577 = arith.subi %sub3A_576, %shift_right_logical3A_574 : vector<16xi32>
          %bitcast3A_578 = vector.bitcast %sub3A_577 : vector<16xi32> to vector<16xf32>
          %mul3A_579 = arith.constant -5.000000e-01 : f32
          %mul3A_580 = vector.broadcast %mul3A_579 : f32 to vector<16xf32>
          %mul3A_581 = arith.mulf %select_n3A_570, %mul3A_580 : vector<16xf32>
          %mul3A_582 = arith.mulf %mul3A_581, %bitcast3A_578 : vector<16xf32>
          %mul3A_583 = arith.mulf %mul3A_582, %bitcast3A_578 : vector<16xf32>
          %add3A_584 = arith.constant 1.500000e+00 : f32
          %add3A_585 = vector.broadcast %add3A_584 : f32 to vector<16xf32>
          %add3A_586 = arith.addf %add3A_585, %mul3A_583 : vector<16xf32>
          %mul3A_587 = arith.mulf %bitcast3A_578, %add3A_586 : vector<16xf32>
          %mul3A_588 = arith.mulf %mul3A_581, %mul3A_587 : vector<16xf32>
          %mul3A_589 = arith.mulf %mul3A_588, %mul3A_587 : vector<16xf32>
          %add3A_590 = arith.constant 1.500000e+00 : f32
          %add3A_591 = vector.broadcast %add3A_590 : f32 to vector<16xf32>
          %add3A_592 = arith.addf %add3A_591, %mul3A_589 : vector<16xf32>
          %mul3A_593 = arith.mulf %mul3A_587, %add3A_592 : vector<16xf32>
          %mul3A_594 = arith.mulf %add3A_562, %mul3A_593 : vector<16xf32>
          %swap3A_595 = arith.index_cast %add3A_539 : i32 to index
          %swap3A_596 = tpu.vector_load %arg15[%swap3A_595] {strides = array<i32>} : memref<2048xf32, #tpu.memory_space<vmem>>, vector<16xf32>,
          tpu.vector_store %arg15[%swap3A_595], %mul3A_594 {strides = array<i32>} : memref<2048xf32, #tpu.memory_space<vmem>>, vector<16xf32>,
          %mul3A_597 = arith.mulf %sub3A_555, %mul3A_593 : vector<16xf32>
          %swap3A_598 = arith.constant 0 : i32
          %swap3A_599 = arith.index_cast %scan3A_148 : i32 to index
          %swap3A_600 = arith.index_cast %swap3A_598 : i32 to index
          %swap3A_601 = arith.constant 80 : index
          %swap3A_602 = tpu.vector_load %arg17[%swap3A_599, %swap3A_600, %swap3A_601] {strides = array<i32>} : memref<16x4x128xf32, #tpu.memory_space<vmem>>, vector<16xf32>,
          tpu.vector_store %arg17[%swap3A_599, %swap3A_600, %swap3A_601], %mul3A_597 {strides = array<i32>} : memref<16x4x128xf32, #tpu.memory_space<vmem>>, vector<16xf32>,
          %mul3A_603 = arith.mulf %sub3A_556, %mul3A_593 : vector<16xf32>
          %swap3A_604 = arith.constant 1 : i32
          %swap3A_605 = arith.index_cast %scan3A_148 : i32 to index
          %swap3A_606 = arith.index_cast %swap3A_604 : i32 to index
          %swap3A_607 = arith.constant 80 : index
          %swap3A_608 = tpu.vector_load %arg17[%swap3A_605, %swap3A_606, %swap3A_607] {strides = array<i32>} : memref<16x4x128xf32, #tpu.memory_space<vmem>>, vector<16xf32>,
          tpu.vector_store %arg17[%swap3A_605, %swap3A_606, %swap3A_607], %mul3A_603 {strides = array<i32>} : memref<16x4x128xf32, #tpu.memory_space<vmem>>, vector<16xf32>,
          %mul3A_609 = arith.mulf %sub3A_557, %mul3A_593 : vector<16xf32>
          %swap3A_610 = arith.constant 2 : i32
          %swap3A_611 = arith.index_cast %scan3A_148 : i32 to index
          %swap3A_612 = arith.index_cast %swap3A_610 : i32 to index
          %swap3A_613 = arith.constant 80 : index
          %swap3A_614 = tpu.vector_load %arg17[%swap3A_611, %swap3A_612, %swap3A_613] {strides = array<i32>} : memref<16x4x128xf32, #tpu.memory_space<vmem>>, vector<16xf32>,
          tpu.vector_store %arg17[%swap3A_611, %swap3A_612, %swap3A_613], %mul3A_609 {strides = array<i32>} : memref<16x4x128xf32, #tpu.memory_space<vmem>>, vector<16xf32>,
          %mul3A_615 = arith.constant 128 : i32
          %mul3A_616 = arith.muli %scan3A_148, %mul3A_615 : i32
          %add3A_617 = arith.constant 96 : i32
          %add3A_618 = arith.addi %mul3A_616, %add3A_617 : i32
          %iota3A_619 = tpu.iota {dimensions = array<i32: 0>} : vector<16xi32>
          %add3A_620 = vector.broadcast %add3A_618 : i32 to vector<16xi32>
          %add3A_621 = arith.addi %add3A_620, %iota3A_619 : vector<16xi32>
          %broadcast_in_dim3A_622 = arith.constant 0 : i32
          %broadcast_in_dim3A_623 = vector.broadcast %broadcast_in_dim3A_622 : i32 to vector<16xi32>
          %broadcast_in_dim3A_624 = arith.constant 1 : i32
          %broadcast_in_dim3A_625 = vector.broadcast %broadcast_in_dim3A_624 : i32 to vector<16xi32>
          %broadcast_in_dim3A_626 = arith.constant 2 : i32
          %broadcast_in_dim3A_627 = vector.broadcast %broadcast_in_dim3A_626 : i32 to vector<16xi32>
          %gather3A_628 = tpu.vector_load_idx %arg11[%add3A_621, %broadcast_in_dim3A_623] : memref<2048x8xf32, #tpu.memory_space<vmem>>[vector<16xi32>, vector<16xi32>], vector<16xf32>,
          %gather3A_629 = tpu.vector_load_idx %arg11[%add3A_621, %broadcast_in_dim3A_625] : memref<2048x8xf32, #tpu.memory_space<vmem>>[vector<16xi32>, vector<16xi32>], vector<16xf32>,
          %gather3A_630 = tpu.vector_load_idx %arg11[%add3A_621, %broadcast_in_dim3A_627] : memref<2048x8xf32, #tpu.memory_space<vmem>>[vector<16xi32>, vector<16xi32>], vector<16xf32>,
          %gather3A_631 = tpu.vector_load_idx %arg13[%add3A_621, %broadcast_in_dim3A_623] : memref<2048x8xf32, #tpu.memory_space<vmem>>[vector<16xi32>, vector<16xi32>], vector<16xf32>,
          %gather3A_632 = tpu.vector_load_idx %arg13[%add3A_621, %broadcast_in_dim3A_625] : memref<2048x8xf32, #tpu.memory_space<vmem>>[vector<16xi32>, vector<16xi32>], vector<16xf32>,
          %gather3A_633 = tpu.vector_load_idx %arg13[%add3A_621, %broadcast_in_dim3A_627] : memref<2048x8xf32, #tpu.memory_space<vmem>>[vector<16xi32>, vector<16xi32>], vector<16xf32>,
          %sub3A_634 = arith.subf %gather3A_628, %gather3A_631 : vector<16xf32>
          %sub3A_635 = arith.subf %gather3A_629, %gather3A_632 : vector<16xf32>
          %sub3A_636 = arith.subf %gather3A_630, %gather3A_633 : vector<16xf32>
          %mul3A_637 = arith.mulf %sub3A_634, %sub3A_634 : vector<16xf32>
          %mul3A_638 = arith.mulf %sub3A_635, %sub3A_635 : vector<16xf32>
          %add3A_639 = arith.addf %mul3A_637, %mul3A_638 : vector<16xf32>
          %mul3A_640 = arith.mulf %sub3A_636, %sub3A_636 : vector<16xf32>
          %add3A_641 = arith.addf %add3A_639, %mul3A_640 : vector<16xf32>
          %get3A_642 = arith.index_cast %add3A_618 : i32 to index
          %get3A_643 = tpu.vector_load %arg7[%get3A_642] {strides = array<i32>} : memref<2048xi32, #tpu.memory_space<vmem>>, vector<16xi32>,
          %get3A_644 = arith.index_cast %add3A_618 : i32 to index
          %get3A_645 = tpu.vector_load %arg9[%get3A_644] {strides = array<i32>} : memref<2048xi32, #tpu.memory_space<vmem>>, vector<16xi32>,
          %ne3A_646 = arith.cmpi ne, %get3A_643, %get3A_645 : vector<16xi32>
          %jit3A_647 = arith.constant 1.000000e+00 : f32
          %broadcast_in_dim3A_648 = vector.broadcast %jit3A_647 : f32 to vector<16xf32>
          %select_n3A_649 = arith.select %ne3A_646, %add3A_641, %broadcast_in_dim3A_648 : vector<16xi1>, vector<16xf32>
          %bitcast3A_650 = vector.bitcast %select_n3A_649 : vector<16xf32> to vector<16xi32>
          %shift_right_logical3A_651 = arith.constant 1 : i32
          %shift_right_logical3A_652 = vector.broadcast %shift_right_logical3A_651 : i32 to vector<16xi32>
          %shift_right_logical3A_653 = arith.shrui %bitcast3A_650, %shift_right_logical3A_652 : vector<16xi32>
          %sub3A_654 = arith.constant 1597463007 : i32
          %sub3A_655 = vector.broadcast %sub3A_654 : i32 to vector<16xi32>
          %sub3A_656 = arith.subi %sub3A_655, %shift_right_logical3A_653 : vector<16xi32>
          %bitcast3A_657 = vector.bitcast %sub3A_656 : vector<16xi32> to vector<16xf32>
          %mul3A_658 = arith.constant -5.000000e-01 : f32
          %mul3A_659 = vector.broadcast %mul3A_658 : f32 to vector<16xf32>
          %mul3A_660 = arith.mulf %select_n3A_649, %mul3A_659 : vector<16xf32>
          %mul3A_661 = arith.mulf %mul3A_660, %bitcast3A_657 : vector<16xf32>
          %mul3A_662 = arith.mulf %mul3A_661, %bitcast3A_657 : vector<16xf32>
          %add3A_663 = arith.constant 1.500000e+00 : f32
          %add3A_664 = vector.broadcast %add3A_663 : f32 to vector<16xf32>
          %add3A_665 = arith.addf %add3A_664, %mul3A_662 : vector<16xf32>
          %mul3A_666 = arith.mulf %bitcast3A_657, %add3A_665 : vector<16xf32>
          %mul3A_667 = arith.mulf %mul3A_660, %mul3A_666 : vector<16xf32>
          %mul3A_668 = arith.mulf %mul3A_667, %mul3A_666 : vector<16xf32>
          %add3A_669 = arith.constant 1.500000e+00 : f32
          %add3A_670 = vector.broadcast %add3A_669 : f32 to vector<16xf32>
          %add3A_671 = arith.addf %add3A_670, %mul3A_668 : vector<16xf32>
          %mul3A_672 = arith.mulf %mul3A_666, %add3A_671 : vector<16xf32>
          %mul3A_673 = arith.mulf %add3A_641, %mul3A_672 : vector<16xf32>
          %swap3A_674 = arith.index_cast %add3A_618 : i32 to index
          %swap3A_675 = tpu.vector_load %arg15[%swap3A_674] {strides = array<i32>} : memref<2048xf32, #tpu.memory_space<vmem>>, vector<16xf32>,
          tpu.vector_store %arg15[%swap3A_674], %mul3A_673 {strides = array<i32>} : memref<2048xf32, #tpu.memory_space<vmem>>, vector<16xf32>,
          %mul3A_676 = arith.mulf %sub3A_634, %mul3A_672 : vector<16xf32>
          %swap3A_677 = arith.constant 0 : i32
          %swap3A_678 = arith.index_cast %scan3A_148 : i32 to index
          %swap3A_679 = arith.index_cast %swap3A_677 : i32 to index
          %swap3A_680 = arith.constant 96 : index
          %swap3A_681 = tpu.vector_load %arg17[%swap3A_678, %swap3A_679, %swap3A_680] {strides = array<i32>} : memref<16x4x128xf32, #tpu.memory_space<vmem>>, vector<16xf32>,
          tpu.vector_store %arg17[%swap3A_678, %swap3A_679, %swap3A_680], %mul3A_676 {strides = array<i32>} : memref<16x4x128xf32, #tpu.memory_space<vmem>>, vector<16xf32>,
          %mul3A_682 = arith.mulf %sub3A_635, %mul3A_672 : vector<16xf32>
          %swap3A_683 = arith.constant 1 : i32
          %swap3A_684 = arith.index_cast %scan3A_148 : i32 to index
          %swap3A_685 = arith.index_cast %swap3A_683 : i32 to index
          %swap3A_686 = arith.constant 96 : index
          %swap3A_687 = tpu.vector_load %arg17[%swap3A_684, %swap3A_685, %swap3A_686] {strides = array<i32>} : memref<16x4x128xf32, #tpu.memory_space<vmem>>, vector<16xf32>,
          tpu.vector_store %arg17[%swap3A_684, %swap3A_685, %swap3A_686], %mul3A_682 {strides = array<i32>} : memref<16x4x128xf32, #tpu.memory_space<vmem>>, vector<16xf32>,
          %mul3A_688 = arith.mulf %sub3A_636, %mul3A_672 : vector<16xf32>
          %swap3A_689 = arith.constant 2 : i32
          %swap3A_690 = arith.index_cast %scan3A_148 : i32 to index
          %swap3A_691 = arith.index_cast %swap3A_689 : i32 to index
          %swap3A_692 = arith.constant 96 : index
          %swap3A_693 = tpu.vector_load %arg17[%swap3A_690, %swap3A_691, %swap3A_692] {strides = array<i32>} : memref<16x4x128xf32, #tpu.memory_space<vmem>>, vector<16xf32>,
          tpu.vector_store %arg17[%swap3A_690, %swap3A_691, %swap3A_692], %mul3A_688 {strides = array<i32>} : memref<16x4x128xf32, #tpu.memory_space<vmem>>, vector<16xf32>,
          %mul3A_694 = arith.constant 128 : i32
          %mul3A_695 = arith.muli %scan3A_148, %mul3A_694 : i32
          %add3A_696 = arith.constant 112 : i32
          %add3A_697 = arith.addi %mul3A_695, %add3A_696 : i32
          %iota3A_698 = tpu.iota {dimensions = array<i32: 0>} : vector<16xi32>
          %add3A_699 = vector.broadcast %add3A_697 : i32 to vector<16xi32>
          %add3A_700 = arith.addi %add3A_699, %iota3A_698 : vector<16xi32>
          %broadcast_in_dim3A_701 = arith.constant 0 : i32
          %broadcast_in_dim3A_702 = vector.broadcast %broadcast_in_dim3A_701 : i32 to vector<16xi32>
          %broadcast_in_dim3A_703 = arith.constant 1 : i32
          %broadcast_in_dim3A_704 = vector.broadcast %broadcast_in_dim3A_703 : i32 to vector<16xi32>
          %broadcast_in_dim3A_705 = arith.constant 2 : i32
          %broadcast_in_dim3A_706 = vector.broadcast %broadcast_in_dim3A_705 : i32 to vector<16xi32>
          %gather3A_707 = tpu.vector_load_idx %arg11[%add3A_700, %broadcast_in_dim3A_702] : memref<2048x8xf32, #tpu.memory_space<vmem>>[vector<16xi32>, vector<16xi32>], vector<16xf32>,
          %gather3A_708 = tpu.vector_load_idx %arg11[%add3A_700, %broadcast_in_dim3A_704] : memref<2048x8xf32, #tpu.memory_space<vmem>>[vector<16xi32>, vector<16xi32>], vector<16xf32>,
          %gather3A_709 = tpu.vector_load_idx %arg11[%add3A_700, %broadcast_in_dim3A_706] : memref<2048x8xf32, #tpu.memory_space<vmem>>[vector<16xi32>, vector<16xi32>], vector<16xf32>,
          %gather3A_710 = tpu.vector_load_idx %arg13[%add3A_700, %broadcast_in_dim3A_702] : memref<2048x8xf32, #tpu.memory_space<vmem>>[vector<16xi32>, vector<16xi32>], vector<16xf32>,
          %gather3A_711 = tpu.vector_load_idx %arg13[%add3A_700, %broadcast_in_dim3A_704] : memref<2048x8xf32, #tpu.memory_space<vmem>>[vector<16xi32>, vector<16xi32>], vector<16xf32>,
          %gather3A_712 = tpu.vector_load_idx %arg13[%add3A_700, %broadcast_in_dim3A_706] : memref<2048x8xf32, #tpu.memory_space<vmem>>[vector<16xi32>, vector<16xi32>], vector<16xf32>,
          %sub3A_713 = arith.subf %gather3A_707, %gather3A_710 : vector<16xf32>
          %sub3A_714 = arith.subf %gather3A_708, %gather3A_711 : vector<16xf32>
          %sub3A_715 = arith.subf %gather3A_709, %gather3A_712 : vector<16xf32>
          %mul3A_716 = arith.mulf %sub3A_713, %sub3A_713 : vector<16xf32>
          %mul3A_717 = arith.mulf %sub3A_714, %sub3A_714 : vector<16xf32>
          %add3A_718 = arith.addf %mul3A_716, %mul3A_717 : vector<16xf32>
          %mul3A_719 = arith.mulf %sub3A_715, %sub3A_715 : vector<16xf32>
          %add3A_720 = arith.addf %add3A_718, %mul3A_719 : vector<16xf32>
          %get3A_721 = arith.index_cast %add3A_697 : i32 to index
          %get3A_722 = tpu.vector_load %arg7[%get3A_721] {strides = array<i32>} : memref<2048xi32, #tpu.memory_space<vmem>>, vector<16xi32>,
          %get3A_723 = arith.index_cast %add3A_697 : i32 to index
          %get3A_724 = tpu.vector_load %arg9[%get3A_723] {strides = array<i32>} : memref<2048xi32, #tpu.memory_space<vmem>>, vector<16xi32>,
          %ne3A_725 = arith.cmpi ne, %get3A_722, %get3A_724 : vector<16xi32>
          %jit3A_726 = arith.constant 1.000000e+00 : f32
          %broadcast_in_dim3A_727 = vector.broadcast %jit3A_726 : f32 to vector<16xf32>
          %select_n3A_728 = arith.select %ne3A_725, %add3A_720, %broadcast_in_dim3A_727 : vector<16xi1>, vector<16xf32>
          %bitcast3A_729 = vector.bitcast %select_n3A_728 : vector<16xf32> to vector<16xi32>
          %shift_right_logical3A_730 = arith.constant 1 : i32
          %shift_right_logical3A_731 = vector.broadcast %shift_right_logical3A_730 : i32 to vector<16xi32>
          %shift_right_logical3A_732 = arith.shrui %bitcast3A_729, %shift_right_logical3A_731 : vector<16xi32>
          %sub3A_733 = arith.constant 1597463007 : i32
          %sub3A_734 = vector.broadcast %sub3A_733 : i32 to vector<16xi32>
          %sub3A_735 = arith.subi %sub3A_734, %shift_right_logical3A_732 : vector<16xi32>
          %bitcast3A_736 = vector.bitcast %sub3A_735 : vector<16xi32> to vector<16xf32>
          %mul3A_737 = arith.constant -5.000000e-01 : f32
          %mul3A_738 = vector.broadcast %mul3A_737 : f32 to vector<16xf32>
          %mul3A_739 = arith.mulf %select_n3A_728, %mul3A_738 : vector<16xf32>
          %mul3A_740 = arith.mulf %mul3A_739, %bitcast3A_736 : vector<16xf32>
          %mul3A_741 = arith.mulf %mul3A_740, %bitcast3A_736 : vector<16xf32>
          %add3A_742 = arith.constant 1.500000e+00 : f32
          %add3A_743 = vector.broadcast %add3A_742 : f32 to vector<16xf32>
          %add3A_744 = arith.addf %add3A_743, %mul3A_741 : vector<16xf32>
          %mul3A_745 = arith.mulf %bitcast3A_736, %add3A_744 : vector<16xf32>
          %mul3A_746 = arith.mulf %mul3A_739, %mul3A_745 : vector<16xf32>
          %mul3A_747 = arith.mulf %mul3A_746, %mul3A_745 : vector<16xf32>
          %add3A_748 = arith.constant 1.500000e+00 : f32
          %add3A_749 = vector.broadcast %add3A_748 : f32 to vector<16xf32>
          %add3A_750 = arith.addf %add3A_749, %mul3A_747 : vector<16xf32>
          %mul3A_751 = arith.mulf %mul3A_745, %add3A_750 : vector<16xf32>
          %mul3A_752 = arith.mulf %add3A_720, %mul3A_751 : vector<16xf32>
          %swap3A_753 = arith.index_cast %add3A_697 : i32 to index
          %swap3A_754 = tpu.vector_load %arg15[%swap3A_753] {strides = array<i32>} : memref<2048xf32, #tpu.memory_space<vmem>>, vector<16xf32>,
          tpu.vector_store %arg15[%swap3A_753], %mul3A_752 {strides = array<i32>} : memref<2048xf32, #tpu.memory_space<vmem>>, vector<16xf32>,
          %mul3A_755 = arith.mulf %sub3A_713, %mul3A_751 : vector<16xf32>
          %swap3A_756 = arith.constant 0 : i32
          %swap3A_757 = arith.index_cast %scan3A_148 : i32 to index
          %swap3A_758 = arith.index_cast %swap3A_756 : i32 to index
          %swap3A_759 = arith.constant 112 : index
          %swap3A_760 = tpu.vector_load %arg17[%swap3A_757, %swap3A_758, %swap3A_759] {strides = array<i32>} : memref<16x4x128xf32, #tpu.memory_space<vmem>>, vector<16xf32>,
          tpu.vector_store %arg17[%swap3A_757, %swap3A_758, %swap3A_759], %mul3A_755 {strides = array<i32>} : memref<16x4x128xf32, #tpu.memory_space<vmem>>, vector<16xf32>,
          %mul3A_761 = arith.mulf %sub3A_714, %mul3A_751 : vector<16xf32>
          %swap3A_762 = arith.constant 1 : i32
          %swap3A_763 = arith.index_cast %scan3A_148 : i32 to index
          %swap3A_764 = arith.index_cast %swap3A_762 : i32 to index
          %swap3A_765 = arith.constant 112 : index
          %swap3A_766 = tpu.vector_load %arg17[%swap3A_763, %swap3A_764, %swap3A_765] {strides = array<i32>} : memref<16x4x128xf32, #tpu.memory_space<vmem>>, vector<16xf32>,
          tpu.vector_store %arg17[%swap3A_763, %swap3A_764, %swap3A_765], %mul3A_761 {strides = array<i32>} : memref<16x4x128xf32, #tpu.memory_space<vmem>>, vector<16xf32>,
          %mul3A_767 = arith.mulf %sub3A_715, %mul3A_751 : vector<16xf32>
          %swap3A_768 = arith.constant 2 : i32
          %swap3A_769 = arith.index_cast %scan3A_148 : i32 to index
          %swap3A_770 = arith.index_cast %swap3A_768 : i32 to index
          %swap3A_771 = arith.constant 112 : index
          %swap3A_772 = tpu.vector_load %arg17[%swap3A_769, %swap3A_770, %swap3A_771] {strides = array<i32>} : memref<16x4x128xf32, #tpu.memory_space<vmem>>, vector<16xf32>,
          tpu.vector_store %arg17[%swap3A_769, %swap3A_770, %swap3A_771], %mul3A_767 {strides = array<i32>} : memref<16x4x128xf32, #tpu.memory_space<vmem>>, vector<16xf32>,
        }
        %scan3A_126 = arith.constant 16 : i32
        %mul3A_127 = arith.constant 16 : i32
        %mul3A_128 = arith.muli %add3A_98, %mul3A_127 : i32
        %add3A_129 = arith.addi %add3A_4, %mul3A_128 : i32
        %min3A_130 = arith.minsi %add3A_129, %sub3A_10 : i32
        %mul3A_131 = arith.constant 128 : i32
        %mul3A_132 = arith.muli %min3A_130, %mul3A_131 : i32
        %dma_start3A_133 = tpu.memref_slice %arg4[%mul3A_132] : memref<1600000xf32, #tpu.memory_space<hbm>> -> memref<2048xf32, #tpu.memory_space<hbm>>
        %dma_start3A_134 = tpu.memref_slice %arg4[%mul3A_132] : memref<1600000xf32, #tpu.memory_space<hbm>> -> memref<2048xf32, #tpu.memory_space<hbm>>
        tpu.enqueue_dma source(%arg15 : memref<2048xf32, #tpu.memory_space<vmem>>) target(%dma_start3A_134 : memref<2048xf32, #tpu.memory_space<hbm>>) target_semaphore(%arg23 : memref<!tpu.dma_semaphore, #tpu.memory_space<semaphore_mem>>)
        %dma_start3A_135 = arith.constant 0 : i32
        %dma_start3A_136 = arith.constant 0 : i32
        %dma_start3A_137 = tpu.memref_slice %arg5[%min3A_130, %dma_start3A_135, %dma_start3A_136] : memref<12500x4x128xf32, #tpu.memory_space<hbm>> -> memref<16x4x128xf32, #tpu.memory_space<hbm>>
        %dma_start3A_138 = arith.constant 0 : i32
        %dma_start3A_139 = arith.constant 0 : i32
        %dma_start3A_140 = tpu.memref_slice %arg5[%min3A_130, %dma_start3A_138, %dma_start3A_139] : memref<12500x4x128xf32, #tpu.memory_space<hbm>> -> memref<16x4x128xf32, #tpu.memory_space<hbm>>
        tpu.enqueue_dma source(%arg17 : memref<16x4x128xf32, #tpu.memory_space<vmem>>) target(%dma_start3A_140 : memref<16x4x128xf32, #tpu.memory_space<hbm>>) target_semaphore(%arg23 : memref<!tpu.dma_semaphore, #tpu.memory_space<semaphore_mem>>)
        %add3A_141 = arith.constant 2 : i32
        %add3A_142 = arith.addi %add3A_98, %add3A_141 : i32
        %lt3A_143 = arith.constant 25 : i32
        %lt3A_144 = arith.cmpi slt, %add3A_142, %lt3A_143 : i32
        %convert_element_type3A_145 = arith.extui %lt3A_144 : i1 to i32
        %cond3A_146 = arith.constant 0 : i32
        %cond3A_147 = arith.cmpi ne, %convert_element_type3A_145, %cond3A_146 : i32
        scf.if %cond3A_147 {
          %add3A_148 = arith.constant 2 : i32
          %add3A_149 = arith.addi %add3A_98, %add3A_148 : i32
          %mul3A_150 = arith.constant 16 : i32
          %mul3A_151 = arith.muli %add3A_149, %mul3A_150 : i32
          %add3A_152 = arith.addi %add3A_4, %mul3A_151 : i32
          %min3A_153 = arith.minsi %add3A_152, %sub3A_10 : i32
          %mul3A_154 = arith.constant 128 : i32
          %mul3A_155 = arith.muli %min3A_153, %mul3A_154 : i32
          %dma_start3A_156 = arith.constant 0 : i32
          %dma_start3A_157 = tpu.memref_slice %arg3[%dma_start3A_156, %mul3A_155] : memref<2x1600000xi32, #tpu.memory_space<hbm>> -> memref<1x2048xi32, #tpu.memory_space<hbm>>
          %dma_start3A_158 = tpu.memref_squeeze %dma_start3A_157 : memref<1x2048xi32, #tpu.memory_space<hbm>> -> memref<2048xi32, #tpu.memory_space<hbm>>
          %dma_start3A_159 = tpu.memref_slice %arg3[%dma_start3A_156, %mul3A_155] : memref<2x1600000xi32, #tpu.memory_space<hbm>> -> memref<1x2048xi32, #tpu.memory_space<hbm>>
          %dma_start3A_160 = tpu.memref_squeeze %dma_start3A_159 : memref<1x2048xi32, #tpu.memory_space<hbm>> -> memref<2048xi32, #tpu.memory_space<hbm>>
          tpu.enqueue_dma source(%dma_start3A_160 : memref<2048xi32, #tpu.memory_space<hbm>>) target(%arg7 : memref<2048xi32, #tpu.memory_space<vmem>>) target_semaphore(%arg19 : memref<!tpu.dma_semaphore, #tpu.memory_space<semaphore_mem>>)
          %dma_start3A_161 = arith.constant 1 : i32
          %dma_start3A_162 = tpu.memref_slice %arg3[%dma_start3A_161, %mul3A_155] : memref<2x1600000xi32, #tpu.memory_space<hbm>> -> memref<1x2048xi32, #tpu.memory_space<hbm>>
          %dma_start3A_163 = tpu.memref_squeeze %dma_start3A_162 : memref<1x2048xi32, #tpu.memory_space<hbm>> -> memref<2048xi32, #tpu.memory_space<hbm>>
          %dma_start3A_164 = tpu.memref_slice %arg3[%dma_start3A_161, %mul3A_155] : memref<2x1600000xi32, #tpu.memory_space<hbm>> -> memref<1x2048xi32, #tpu.memory_space<hbm>>
          %dma_start3A_165 = tpu.memref_squeeze %dma_start3A_164 : memref<1x2048xi32, #tpu.memory_space<hbm>> -> memref<2048xi32, #tpu.memory_space<hbm>>
          tpu.enqueue_dma source(%dma_start3A_165 : memref<2048xi32, #tpu.memory_space<hbm>>) target(%arg9 : memref<2048xi32, #tpu.memory_space<vmem>>) target_semaphore(%arg19 : memref<!tpu.dma_semaphore, #tpu.memory_space<semaphore_mem>>)
        } else {
        }
      } else {
      }
    }
    %scan3A_62 = arith.constant 13 : i32
    %dma_wait3A_63 = arith.constant 0 : i32
    %dma_wait3A_64 = tpu.memref_slice %arg4[%dma_wait3A_63] : memref<1600000xf32, #tpu.memory_space<hbm>> -> memref<2048xf32, #tpu.memory_space<hbm>>
    %dma_wait3A_65 = arith.constant 0 : i32
    %dma_wait3A_66 = tpu.memref_slice %arg4[%dma_wait3A_65] : memref<1600000xf32, #tpu.memory_space<hbm>> -> memref<2048xf32, #tpu.memory_space<hbm>>
    tpu.wait_dma2 semaphore(%arg23 : memref<!tpu.dma_semaphore, #tpu.memory_space<semaphore_mem>>) src(%arg15 : memref<2048xf32, #tpu.memory_space<vmem>>) dst(%dma_wait3A_66 : memref<2048xf32, #tpu.memory_space<hbm>>)
    %dma_wait3A_67 = arith.constant 0 : i32
    %dma_wait3A_68 = arith.constant 0 : i32
    %dma_wait3A_69 = arith.constant 0 : i32
    %dma_wait3A_70 = tpu.memref_slice %arg5[%dma_wait3A_67, %dma_wait3A_68, %dma_wait3A_69] : memref<12500x4x128xf32, #tpu.memory_space<hbm>> -> memref<16x4x128xf32, #tpu.memory_space<hbm>>
    %dma_wait3A_71 = arith.constant 0 : i32
    %dma_wait3A_72 = arith.constant 0 : i32
    %dma_wait3A_73 = arith.constant 0 : i32
    %dma_wait3A_74 = tpu.memref_slice %arg5[%dma_wait3A_71, %dma_wait3A_72, %dma_wait3A_73] : memref<12500x4x128xf32, #tpu.memory_space<hbm>> -> memref<16x4x128xf32, #tpu.memory_space<hbm>>
    tpu.wait_dma2 semaphore(%arg23 : memref<!tpu.dma_semaphore, #tpu.memory_space<semaphore_mem>>) src(%arg17 : memref<16x4x128xf32, #tpu.memory_space<vmem>>) dst(%dma_wait3A_74 : memref<16x4x128xf32, #tpu.memory_space<hbm>>)
    %dma_wait3A_75 = arith.constant 0 : i32
    %dma_wait3A_76 = tpu.memref_slice %arg4[%dma_wait3A_75] : memref<1600000xf32, #tpu.memory_space<hbm>> -> memref<2048xf32, #tpu.memory_space<hbm>>
    %dma_wait3A_77 = arith.constant 0 : i32
    %dma_wait3A_78 = tpu.memref_slice %arg4[%dma_wait3A_77] : memref<1600000xf32, #tpu.memory_space<hbm>> -> memref<2048xf32, #tpu.memory_space<hbm>>
    tpu.wait_dma2 semaphore(%arg22 : memref<!tpu.dma_semaphore, #tpu.memory_space<semaphore_mem>>) src(%arg14 : memref<2048xf32, #tpu.memory_space<vmem>>) dst(%dma_wait3A_78 : memref<2048xf32, #tpu.memory_space<hbm>>)
    %dma_wait3A_79 = arith.constant 0 : i32
    %dma_wait3A_80 = arith.constant 0 : i32
    %dma_wait3A_81 = arith.constant 0 : i32
    %dma_wait3A_82 = tpu.memref_slice %arg5[%dma_wait3A_79, %dma_wait3A_80, %dma_wait3A_81] : memref<12500x4x128xf32, #tpu.memory_space<hbm>> -> memref<16x4x128xf32, #tpu.memory_space<hbm>>
    %dma_wait3A_83 = arith.constant 0 : i32
    %dma_wait3A_84 = arith.constant 0 : i32
    %dma_wait3A_85 = arith.constant 0 : i32
    %dma_wait3A_86 = tpu.memref_slice %arg5[%dma_wait3A_83, %dma_wait3A_84, %dma_wait3A_85] : memref<12500x4x128xf32, #tpu.memory_space<hbm>> -> memref<16x4x128xf32, #tpu.memory_space<hbm>>
    tpu.wait_dma2 semaphore(%arg22 : memref<!tpu.dma_semaphore, #tpu.memory_space<semaphore_mem>>) src(%arg16 : memref<16x4x128xf32, #tpu.memory_space<vmem>>) dst(%dma_wait3A_86 : memref<16x4x128xf32, #tpu.memory_space<hbm>>)
    return
  }
}

</mosaic_0001>

<sc_bundles>
// kernel: kernel.3.cloned.1.call-start
scs
__scs_entry_jumppad:
0x0: {  	(pc) =	sbr.rel $0x88, $3  }
0x1: {  	(tag) =	ssettag $0x0;
	lr =	simm.s32 $0x1  }
0x2: {  	[smem:$0x3F9F] =	sst lr;
	_ =	strace $0xD0000000  }
0x3: {  	_ = 	snop  }
0x4: {  	_ = 	snop  }
0x5: {  	_ = 	snop  }
0x6: {  	_ = 	snop  }
0x7: {  	_ = 	snop  }
__scs_overlays_trampoline_lowered:
0x8: {  	[smem:$0x3FAE] =	sst s0  }
0x9: {  	[smem:$0x3FAF] =	sst s1  }
0xa: {  	[smem:$0x3FB0] =	sst s2  }
0xb: {  	[smem:$0x3FB1] =	sst s3  }
0xc: {  	[smem:$0x3FB2] =	sst s4  }
0xd: {  	[smem:$0x3FB3] =	sst s5  }
0xe: {  	[smem:$0x3FB4] =	sst s6  }
0xf: {  	[smem:$0x3FB5] =	sst s7  }
0x10: {  	[smem:$0x3FB6] =	sst s8  }
0x11: {  	[smem:$0x3FB7] =	sst s9;
	s0 =	simm.s32 @!p0 $0x0  }
0x12: {  	s1 =	sld [smem:$0x3F9D];
	s0 =	simm.s32 @p0 $0x1  }
0x13: {  	[smem:$0x3FB8] =	sst s0;
	s0 =	simm.s32 @!p1 $0x0  }
0x14: {  	s2 =	sld [smem:$0x3F9C];
	s0 =	simm.s32 @p1 $0x1  }
0x15: {  	[smem:$0x3FB9] =	sst s0;
	s0 =	simm.s32 @!p2 $0x0  }
0x16: {  	s3 =	sld [smem:$0x3FDB];
	s0 =	simm.s32 @p2 $0x1  }
0x17: {  	s4 =	simm.s32 $0x1BF5;
	[smem:$0x3FBB] =	sst s0  }
0x18: {  	s0 =	sld [smem:$0x3F9E];
	_ =	swait.ge [sflag:s4], $0x0  }
0x19: {  	s7 =	sld [smem:$0x3F9F]  }
0x1a: {  	s8 =	sadd.s32 $0xFFFFE003, lr  }
0x1b: {  	s9 =	sadd.s32 $0xFFFFFEF7, lr;
	s5 =	simm.s32 $0xFFFFFFFF;
	p2 =	slt.u32 s8, $0xFFFFF086  }
0x1c: {  	p1 =	slt.u32 s9, $0xF7A;
	s5 =	simm.s32 @!p2 $0x0  }
0x1d: {  	s5 =	simm.s32 @p1 $0x1;
	p0 =	seq.s32 s7, s2  }
0x1e: {  	s7 =	smul.u32 @!p0 $0xF7A, s2;
	p2 =	seq.s32 @!p0 s5, $0x0  }
0x1f: {  	s9 =	smul.u32 $0xF7A, s1;
	s8 =	simm.s32 @!p0 $0x1BF5;
	p2 =	por !p2, p0  }
0x20: {  	[sflag:s8] =	ssyncset.s32 @!p0 $0xFFFFF086;
	s6 =	sadd.s32 @!p0 s3, s7;
	s7 =	simm.s32 @!p0 $0x108  }
0x21: {  	s3 =	sadd.s32 s3, s9;
	s6 =	sadd.s32 @!p0 $0x88, s6;
	s7 =	simm.s32 @p2 $0x1082  }
0x22: {  	[simem:s7], [sflag:s8] =	dma.local @!p0 [hbm:s6], $0xF7A  }
0x23: {  	s9 =	sor.u32 $0xD0000000, s2;
	s6 =	simm.s32 $0x108;
	_ =	swait.ge @!p0 [sflag:s8], $0x0  }
0x24: {  	s3 =	sadd.s32 $0x88, s3;
	s6 =	simm.s32 @!p1 $0x1082;
	[sflag:s4] =	ssyncset.s32 $0xFFFFF086  }
0x25: {  	[simem:s6], [sflag:s4] =	dma.local [hbm:s3], $0xF7A  }
0x26: {  	[smem:$0x3F9F] =	sst s1;
	(tag) =	ssettag s2;
	_ =	strace s9  }
0x27: {  	s1 =	sld [smem:$0x3FAF]  }
0x28: {  	s2 =	sld [smem:$0x3FB0]  }
0x29: {  	s4 =	sld [smem:$0x3FB2]  }
0x2a: {  	p0 =	seq.s32 s5, $0x0;
	s5 =	sld [smem:$0x3FB3]  }
0x2b: {  	s6 =	sld [smem:$0x3FB4]  }
0x2c: {  	s7 =	sld [smem:$0x3FB5]  }
0x2d: {  	s3 =	simm.s32 $0x108;
	s8 =	sld [smem:$0x3FB6]  }
0x2e: {  	s3 =	simm.s32 @!p0 $0x1082;
	s9 =	sld [smem:$0x3FB7]  }
0x2f: {  	lr =	sadd.s32 s0, s3;
	s0 =	sld [smem:$0x3FAE]  }
0x30: {  	s3 =	sld [smem:$0x3FB1]  }
0x31: {  	[smem:$0x3FBA] =	sst s10  }
0x32: {  	s10 =	sld [smem:$0x3FB8];
	_ =	sdelay $0x3  }
0x33: {  	p0 =	seq.s32 s10, $0x1;
	s10 =	sld [smem:$0x3FBA];
	_ =	sdelay $0x3  }
0x34: {  	[smem:$0x3FBA] =	sst s10  }
0x35: {  	s10 =	sld [smem:$0x3FB9];
	_ =	sdelay $0x3  }
0x36: {  	p1 =	seq.s32 s10, $0x1;
	s10 =	sld [smem:$0x3FBA];
	_ =	sdelay $0x3  }
0x37: {  	[smem:$0x3FBA] =	sst s10  }
0x38: {  	s10 =	sld [smem:$0x3FBB]  }
0x39: {  	_ = 	snop;
	(pc) =	sbr.ind lr, $3  }
0x3a: {  	_ = 	snop  }
0x3b: {  	_ = 	snop  }
0x3c: {  	p2 =	seq.s32 s10, $0x1;
	s10 =	sld [smem:$0x3FBA]  }
0x3d: {  	_ =	shalt  }
0x3e: {  	_ =	shalt  }
0x3f: {  	_ =	shalt  }
0x40: {  	_ =	shalt  }
0x41: {  	_ =	shalt  }
0x42: {  	_ =	shalt  }
0x43: {  	_ =	shalt  }
0x44: {  	_ =	shalt  }
0x45: {  	_ =	shalt  }
0x46: {  	_ =	shalt  }
0x47: {  	_ =	shalt  }
0x48: {  	_ =	shalt  }
0x49: {  	_ =	shalt  }
0x4a: {  	_ =	shalt  }
0x4b: {  	_ =	shalt  }
0x4c: {  	_ =	shalt  }
0x4d: {  	_ =	shalt  }
0x4e: {  	_ =	shalt  }
0x4f: {  	_ =	shalt  }
0x50: {  	_ =	shalt  }
0x51: {  	_ =	shalt  }
0x52: {  	_ =	shalt  }
0x53: {  	_ =	shalt  }
0x54: {  	_ =	shalt  }
0x55: {  	_ =	shalt  }
0x56: {  	_ =	shalt  }
0x57: {  	_ =	shalt  }
0x58: {  	_ =	shalt  }
0x59: {  	_ =	shalt  }
0x5a: {  	_ =	shalt  }
0x5b: {  	_ =	shalt  }
0x5c: {  	_ =	shalt  }
0x5d: {  	_ =	shalt  }
0x5e: {  	_ =	shalt  }
0x5f: {  	_ =	shalt  }
0x60: {  	_ =	shalt  }
0x61: {  	_ =	shalt  }
0x62: {  	_ =	shalt  }
0x63: {  	_ =	shalt  }
0x64: {  	_ =	shalt  }
0x65: {  	_ =	shalt  }
0x66: {  	_ =	shalt  }
0x67: {  	_ =	shalt  }
0x68: {  	_ =	shalt  }
0x69: {  	_ =	shalt  }
0x6a: {  	_ =	shalt  }
0x6b: {  	_ =	shalt  }
0x6c: {  	_ =	shalt  }
0x6d: {  	_ =	shalt  }
0x6e: {  	_ =	shalt  }
0x6f: {  	_ =	shalt  }
0x70: {  	_ =	shalt  }
0x71: {  	_ =	shalt  }
0x72: {  	_ =	shalt  }
0x73: {  	_ =	shalt  }
0x74: {  	_ =	shalt  }
0x75: {  	_ =	shalt  }
0x76: {  	_ =	shalt  }
0x77: {  	_ =	shalt  }
0x78: {  	_ =	shalt  }
0x79: {  	_ =	shalt  }
0x7a: {  	_ =	shalt  }
0x7b: {  	_ =	shalt  }
0x7c: {  	_ =	shalt  }
0x7d: {  	_ =	shalt  }
0x7e: {  	_ =	shalt  }
0x7f: {  	_ =	shalt  }
0x80: {  	_ =	shalt  }
0x81: {  	_ =	shalt  }
0x82: {  	_ =	shalt  }
0x83: {  	_ =	shalt  }
0x84: {  	_ =	shalt  }
0x85: {  	_ =	shalt  }
0x86: {  	_ =	shalt  }
0x87: {  	_ =	shalt  }
.Lfunc_end0:
.L_simem_size_0:
called_computation_lowered:
.L_overlay_start_0:
0x88: {  	s2 =	sld [smem:$0x3FD9]  }
0x89: {  	s3 =	sld [smem:$0x3FFE];
	_ =	sdelay $0x1  }
0x8a: {  	s1 =	srdreg.scid  }
0x8b: {  	s0 =	sand.u32 $0x1, s1  }
0x8c: {  	s14 =	sshll.u32 s0, $0xA;
	s2 =	sadd.s32 s3, s2  }
0x8d: {  	s2 =	sadd.s32 s2, s14  }
0x8e: {  	[smem:$0x3FC6] =	sst s2  }
0x8f: {  	_ = 	snop  }
0x90: {  	s2 =	sld [smem:$0x3FD0];
	_ =	sdelay $0x2  }
0x91: {  	s15 =	simm.s32 $0xA;
	s4 =	simm.s32 $0x10  }
0x92: {  	[smem:s4], [sflag:s15] =	dma.local [hbm:s2], $0x1  }
0x93: {  	_ =	swait.eq [sflag:s15], $0x1  }
0x94: {  	[sflag:s15] =	ssyncset.done $0x0  }
0x95: {  	s16 =	sld [smem:$0x10];
	[sflag:s15] =	ssyncadd.s32 $0xFFFFFFFF  }
0x96: {  	s17 =	sld [smem:$0x11];
	(tm) =	ssettm $0x1  }
0x97: {  	s18 =	sld [smem:$0x3FFB];
	_ =	sdelay $0x3  }
0x98: {  	_ =	strace s18  }
0x99: {  	s4 =	sld [smem:$0x3FFC];
	_ =	sdelay $0x3  }
0x9a: {  	_ =	strace s4  }
0x9b: {  	s4 =	sld [smem:$0x3FFD];
	_ =	sdelay $0x3  }
0x9c: {  	_ =	strace s4  }
0x9d: {  	_ =	strace $0x8FFFFFFF  }
0x9e: {  	s19 =	sld [smem:$0x3FDB];
	_ =	sdelay $0x1  }
0x9f: {  	s5 =	simm.s32 $_scs_section_size  }
0xa0: {  	s6 =	simm.s32 $_size__tile_overlayer_lowered;
	s7 =	simm.s32 $_tile_overlayer_lowered  }
0xa1: {  	s22 =	simm.s32 $0x1BFF;
	s21 =	sshll.u32 s7, $0x1;
	s4 =	sadd.s32 s5, s19  }
0xa2: {  	s8 =	simm.s32 $0x0;
	s20 =	sshll.u32 s6, $0x1;
	s6 =	sadd.s32 s21, s4  }
0xa3: {  	[timem:s8], [sflag:s22] =	dma.local [hbm:s6], s20  }
0xa4: {  	_ =	swait.ge [sflag:s22], s20  }
0xa5: {  	s5 =	ssub.s32 $0x0, s20;
	[sflag:s22] =	ssyncset.done $0x0  }
0xa6: {  	[sflag:s22] =	ssyncadd.s32 s5;
	_ =	sdelay $0x1  }
0xa7: {  	s23 =	simm.s32 $0x1B8B  }
0xa8: {  	_ =	swait.ge [sflag:s23], $0x1  }
0xa9: {  	[sflag:s23] =	ssyncset.done $0x0  }
0xaa: {  	s25 =	simm.s32 $0x1B8E;
	s24 =	sld [smem:$0x3FFE];
	[sflag:s23] =	ssyncadd.s32 $0xFFFFFFFF  }
0xab: {  	s26 =	simm.s32 $execute0_lowered;
	[smem:$0x3FD2] =	sst s25  }
0xac: {  	s6 =	sshll.u32 s26, $0x1;
	_ =	strace $0x80000046;
	[dreg:$0x1] =	wrdreg $0xFFFFFFFF  }
0xad: {  	s28 =	simm.s32 $_size_execute0_lowered;
	s4 =	sadd.s32 s4, s6;
	[dreg:$0x0] =	wrdreg $0x0  }
0xae: {  	s6 =	sshll.u32 s28, $0x1;
	[dreg:$0x2] =	wrdreg s4  }
0xaf: {  	[dreg:$0x3] =	wrdreg s6  }
0xb0: {  	[dreg:$0x4] =	wrdreg $0xC0  }
0xb1: {  	_ =	task [dreg:s8], $0x5FFFF  }
0xb2: {  	[dreg:$0x1] =	wrdreg $0xFFFFFFFF  }
0xb3: {  	[dreg:$0x0] =	wrdreg $0x60  }
0xb4: {  	[dreg:$0x2] =	wrdreg s24  }
0xb5: {  	[dreg:$0x3] =	wrdreg s16  }
0xb6: {  	[dreg:$0x4] =	wrdreg s17  }
0xb7: {  	[dreg:$0x5] =	wrdreg $0x9  }
0xb8: {  	_ =	task.clear_ibuf [dreg:s8], $0x6FFFF;
	_ =	strace $0x90000046  }
0xb9: {  	s29 =	simm.s32 $0x9;
	_ =	strace $0x80000048  }
0xba: {  	_ =	swait.ge [sflag:s29], $0x1  }
0xbb: {  	[sflag:s29] =	ssyncadd.s32 $0xFFFFFFFF  }
0xbc: {  	_ =	strace $0x90000048  }
0xbd: {  	_ =	sfence  }
0xbe: {  	s30 =	sld [smem:$0x0];
	_ =	sdelay $0x2  }
0xbf: {  	s31 =	sshll.u32 s1, $0xD;
	s1 =	sshrl.u32 s1, $0x2  }
0xc0: {  	s3 =	sand.u32 $0x4000, s31;
	s1 =	sadd.s32 s1, s30  }
0xc1: {  	s0 =	sor.u32 s3, s0;
	s1 =	sshll.u32 s1, $0x11  }
0xc2: {  	s0 =	sor.u32 s1, s0  }
0xc3: {  	s0 =	sadd.s32 $0x8F2B, s0  }
0xc4: {  	[sflag:s0] =	ssyncadd.remote.s32 $0x1  }
0xc5: {  	_ =	sfence.sel $0xFFFF  }
0xc6: {  	[dreg:$0x0] =	wrdreg $0xFFFFFFFF;
	(pc) =	sbr.abs _section_cstart, $3  }
0xc7: {  	[dreg:$0x1] =	wrdreg $0xFFFFFFFF  }
0xc8: {  	_ =	task.clear_ibuf [dreg:s8], $0x2FFFF;
	_ =	strace $0x9FFFFFFF  }
0xc9: {  	(tm) =	ssettm $0x7FFFFFFF  }
tec
execute0_lowered:
.L_overlay_start_1:
0x0: {  	(tag) =	ssettag $0x1  }
0x1: {  	s0 =	rddreg [dreg:$0x0]  }
0x2: {  	s2 =	rddreg [dreg:$0x1]  }
0x3: {  	s3 =	rddreg [dreg:$0x2]  }
0x4: {  	s1 =	srdreg.scid;
	s9 =	stileid.u32  }
0x5: {  	s4 =	simm.s32 $0x0;
	s16 =	simm.s32 $0x1000;
	s17 =	simm.s32 $0x1  }
0x6: {  	s18 =	simm.s32 $0x800;
	s19 =	simm.s32 $0x2000;
	s20 =	simm.s32 $0xA000  }
0x7: {  	s22 =	simm.s32 $0x3;
	s28 =	simm.s32 $0x4;
	s29 =	simm.s32 $0x6000  }
0x8: {  	s30 =	simm.s32 $0xE000;
	s1 =	sand.u32 $0x1, s1;
	s5 =	sshll.u32 s9, $0x1  }
0x9: {  	[smem:$0x7FF] =	sst s4;
	p0 =	slt.u32 s9, $0xA;
	s6 =	sor.u32 s1, s5  }
0xa: {  	_ =	strace $0x80000047;
	s5 =	sadd.s32 $0x1800, s0;
	s1 =	ssub.s32 $0x2, s1  }
0xb: {  	s7 =	smul.u32 $0x186, s6;
	s8 =	smin.u32 s6, $0x14;
	s23 =	sshrl.u32 s1, $0x1  }
0xc: {  	s6 =	sadd.s32 $0xDC00, s0;
	s0 =	ssub.s32 s1, s23;
	s23 =	simm.s32 $0x12000  }
0xd: {  	s7 =	sadd.s32 s8, s7;
	s8 =	simm.s32 $0x177;
	s0 =	smax.u32 s0, $0x1  }
0xe: {  	s24 =	sshll.u32 s7, $0x4;
	s8 =	simm.s32 @!p0 $0x176;
	s13 =	sadd.s32 $0x20, s7  }
.Ltmp0:
0xf: {  	[dreg:$0x8] =	wrdreg s0;
	s25 =	sadd.s32 s2, s24;
	(pc) =	sbr.rel .LBB2_1-.Ltmp0, $4  }
0x10: {  	s14 =	sadd.s32 $0x30, s7;
	s26 =	sadd.s32 $0x30D40, s25;
	[dreg:$0x4] =	wrdreg s25  }
0x11: {  	s0 =	simm.s32 $0x15000;
	s31 =	sadd.s32 $0x100, s25;
	[dreg:$0x5] =	wrdreg s26  }
0x12: {  	v0 =	vlaneseq.u32;
	s9 =	sadd.s32 s7, s8;
	s1 =	sadd.s32 $0x30E40, s25;
	[dreg:$0x6] =	wrdreg s31  }
0x13: {  	v0 =	vmul.u32 $0x8, v0;
	s24 =	simm.s32 $0x13000;
	[dreg:$0x7] =	wrdreg s1;
	s1 =	simm.s32 $0x0  }
.LBB2_10:
0x14: {  	s8 =	simm.s32 $0x6  }
0x15: {  	_ =	swait.ge [sflag:s8], $0x800  }
0x16: {  	[sflag:s8] =	ssyncset.done $0x0  }
0x17: {  	[sflag:s8] =	ssyncadd.s32 $0xFFFFF800  }
0x18: {  	_ =	swait.ge [sflag:s8], $0x2000  }
0x19: {  	[sflag:s8] =	ssyncset.done $0x0  }
0x1a: {  	s10 =	simm.s32 $0x5;
	[sflag:s8] =	ssyncadd.s32 $0xFFFFE000  }
0x1b: {  	_ =	swait.ge [sflag:s10], $0x800  }
0x1c: {  	[sflag:s10] =	ssyncset.done $0x0  }
0x1d: {  	[sflag:s10] =	ssyncadd.s32 $0xFFFFF800  }
0x1e: {  	_ =	swait.ge [sflag:s10], $0x2000  }
0x1f: {  	s1 =	sadd.s32 $0x1, s1;
	s31 =	rddreg [dreg:$0x8]  }
0x20: {  	p0 =	sne.s32 s1, s31  }
.Ltmp1:
0x21: {  	_ = 	snop;
	(pc) =	sbr.rel @!p0 .LBB2_11-.Ltmp1, $3  }
0x22: {  	_ =	sdelay $0x1  }
0x23: {  	[sflag:s10] =	ssyncset.done $0x0  }
0x24: {  	[sflag:s10] =	ssyncadd.s32 $0xFFFFE000  }
.LBB2_1:
0x25: {  	s8 =	rddreg [dreg:$0x4]  }
0x26: {  	[tilespmem:s4], [sflag:$0x1] =	stream.linear.gather [hbm4b:s8+s4], $0x800, $0x38;
	[tilespmem:$0x17000] =	vst v63  }
0x27: {  	s25 =	rddreg [dreg:$0x5]  }
0x28: {  	[tilespmem:s16], [sflag:$0x1] =	stream.linear.gather [hbm4b:s25+s4], $0x800, $0x38;
	[tilespmem:$0x17000] =	vst v63  }
0x29: {  	_ =	swait.ge [sflag:s17], $0x800  }
0x2a: {  	[sflag:s17] =	ssyncset.done $0x0  }
0x2b: {  	[sflag:s17] =	ssyncadd.s32 $0xFFFFF800  }
0x2c: {  	_ =	swait.ge [sflag:s17], $0x800  }
0x2d: {  	[sflag:s17] =	ssyncset.done $0x0  }
0x2e: {  	[sflag:s17] =	ssyncadd.s32 $0xFFFFF800  }
0x2f: {  	[tilespmem:s19], [sflag:$0x3] =	stream.indirect.gather [hbm4b:s5+s18], $0x8, s4, s18, $0xb8;
	[tilespmem:$0x17000] =	vst v63  }
0x30: {  	_ = 	snop  }
0x31: {  	[tilespmem:s20], [sflag:$0x3] =	stream.indirect.gather [hbm4b:s5+s18], $0x8, s16, s18, $0xb8;
	[tilespmem:$0x17000] =	vst v63  }
.Ltmp2:
0x32: {  	_ = 	snop;
	(pc) =	sbr.rel .LBB2_2-.Ltmp2, $4  }
0x33: {  	s26 =	rddreg [dreg:$0x6]  }
0x34: {  	[tilespmem:s18], [sflag:$0x2] =	stream.linear.gather [hbm4b:s26+s4], $0x800, $0x38;
	[tilespmem:$0x17000] =	vst v63  }
0x35: {  	s10 =	simm.s32 $0x1800;
	s21 =	simm.s32 $0x0;
	s31 =	rddreg [dreg:$0x7]  }
0x36: {  	[tilespmem:s10], [sflag:$0x2] =	stream.linear.gather [hbm4b:s31+s4], $0x800, $0x38;
	[tilespmem:$0x17000] =	vst v63  }
.LBB2_9:
0x37: {  	s21 =	sadd.s32 $0x1, s21  }
0x38: {  	p0 =	sne.s32 s21, $0xD  }
.Ltmp3:
0x39: {  	_ = 	snop;
	(pc) =	sbr.rel @!p0 .LBB2_10-.Ltmp3, $1  }
0x3a: {  	_ =	sdelay $0x3  }
.LBB2_2:
0x3b: {  	s10 =	sshllo.u32 s21, $0x1  }
0x3c: {  	p1 =	sgt.u32 s10, $0x18  }
0x3d: {  	s8 =	simm.s32 @!p1 $0x2  }
0x3e: {  	_ =	swait.ge @!p1 [sflag:s8], $0x800  }
0x3f: {  	[sflag:s8] =	ssyncset.done @!p1 $0x0  }
0x40: {  	[sflag:s8] =	ssyncadd.s32 @!p1 $0xFFFFF800  }
0x41: {  	_ =	swait.ge @!p1 [sflag:s8], $0x800  }
0x42: {  	[sflag:s8] =	ssyncset.done @!p1 $0x0  }
0x43: {  	s11 =	simm.s32 @!p1 $0x6000;
	[sflag:s8] =	ssyncadd.s32 @!p1 $0xFFFFF800;
	s8 =	simm.s32 @!p1 $0x800  }
0x44: {  	[tilespmem:s11], [sflag:$0x4] =	stream.indirect.gather @!p1 [hbm4b:s5+s8], $0x8, s8, s8, $0xb8;
	[tilespmem:$0x17000] =	vst v63  }
0x45: {  	s12 =	simm.s32 @!p1 $0xE000;
	s11 =	simm.s32 @!p1 $0x1800  }
0x46: {  	[tilespmem:s12], [sflag:$0x4] =	stream.indirect.gather @!p1 [hbm4b:s5+s8], $0x8, s11, s8, $0xb8;
	[tilespmem:$0x17000] =	vst v63  }
0x47: {  	_ =	swait.ge [sflag:s22], $0x4000  }
0x48: {  	[sflag:s22] =	ssyncset.done $0x0  }
0x49: {  	[sflag:s22] =	ssyncadd.s32 $0xFFFFC000  }
0x4a: {  	_ =	swait.ge [sflag:s22], $0x4000  }
0x4b: {  	p0 =	seq.s32 s21, $0x0;
	[sflag:s22] =	ssyncset.done $0x0  }
0x4c: {  	s8 =	simm.s32 @!p0 $0x5;
	[sflag:s22] =	ssyncadd.s32 $0xFFFFC000  }
0x4d: {  	_ =	swait.ge @!p0 [sflag:s8], $0x800  }
0x4e: {  	[sflag:s8] =	ssyncset.done @!p0 $0x0  }
0x4f: {  	[sflag:s8] =	ssyncadd.s32 @!p0 $0xFFFFF800  }
0x50: {  	s15 =	simm.s32 $0x12040;
	_ =	swait.ge @!p0 [sflag:s8], $0x2000  }
0x51: {  	s25 =	simm.s32 $0x40;
	s11 =	simm.s32 $0x70;
	[sflag:s8] =	ssyncset.done @!p0 $0x0  }
0x52: {  	s12 =	simm.s32 $0x130C0;
	[sflag:s8] =	ssyncadd.s32 @!p0 $0xFFFFE000;
	s8 =	simm.s32 $0x1040  }
.LBB2_3:
0x53: {  	s26 =	sadd.s32 $0xFFFFFF90, s11  }
0x54: {  	v1 =	vmov s26  }
0x55: {  	v1 =	vshll.u32 v1, $0x3  }
0x56: {  	v1 =	vor.u32 v0, v1;
	_ =	sdelay $0x1  }
0x57: {  	v2 =	vor.u32 $0x1, v1;
	_ =	sdelay $0x1  }
0x58: {  	v3 =	vor.u32 $0x2, v1  }
0x59: {  	v4 =	vld.idx.msk [tilespmem:v1+s19+$0x0], $0xffff  }
0x5a: {  	v1 =	vld.idx.msk [tilespmem:v1+s20+$0x0], $0xffff  }
0x5b: {  	v5 =	vld.idx.msk [tilespmem:v2+s19+$0x0], $0xffff  }
0x5c: {  	v2 =	vld.idx.msk [tilespmem:v2+s20+$0x0], $0xffff  }
0x5d: {  	v6 =	vld.idx.msk [tilespmem:v3+s19+$0x0], $0xffff  }
0x5e: {  	v3 =	vld.idx.msk [tilespmem:v3+s20+$0x0], $0xffff;
	_ =	sdelay $0x2  }
0x5f: {  	v1 =	vsub.f32 v4, v1;
	v2 =	vsub.f32 v5, v2  }
0x60: {  	v36 =	vld [tilespmem:s25+$0xFFFFFFC0]  }
0x61: {  	v7 =	vld [tilespmem:s8+$0xFFFFFFC0];
	v3 =	vsub.f32 v6, v3;
	v37 =	vmul.f32 v1, v1;
	v38 =	vmul.f32 v2, v2;
	_ =	sdelay $0x1  }
0x62: {  	v39 =	vmul.f32 v3, v3;
	v5 =	vadd.f32 v38, v37;
	_ =	sdelay $0x1  }
0x63: {  	v5 =	vadd.f32 v39, v5  }
0x64: {  	vm0 =	veq.s32 v36, v7  }
0x65: {  	v4 =	vsel vm0, $0x3F800000, v5  }
0x66: {  	v40 =	vshrl.u32 v4, $0x1;
	v4 =	vmul.f32 $-5.000000000e-01, v4  }
0x67: {  	v6 =	vsub.s32 $0x5F3759DF, v40  }
0x68: {  	v41 =	vmul.f32 v6, v4;
	_ =	sdelay $0x1  }
0x69: {  	v7 =	vmul.f32 v6, v41;
	_ =	sdelay $0x1  }
0x6a: {  	v7 =	vadd.f32 $1.500000000e+00, v7;
	_ =	sdelay $0x1  }
0x6b: {  	v6 =	vmul.f32 v6, v7;
	_ =	sdelay $0x1  }
0x6c: {  	v4 =	vmul.f32 v6, v4;
	_ =	sdelay $0x1  }
0x6d: {  	v4 =	vmul.f32 v4, v6;
	_ =	sdelay $0x1  }
0x6e: {  	v4 =	vadd.f32 $1.500000000e+00, v4;
	_ =	sdelay $0x1  }
0x6f: {  	s31 =	sadd.s32 $0xFFFFFFA0, s11;
	v4 =	vmul.f32 v4, v6  }
0x70: {  	v42 =	vmov s31  }
0x71: {  	v6 =	vshll.u32 v42, $0x3;
	v5 =	vmul.f32 v4, v5  }
0x72: {  	v6 =	vor.u32 v0, v6;
	v1 =	vmul.f32 v4, v1  }
0x73: {  	v2 =	vmul.f32 v4, v2;
	v43 =	vor.u32 $0x1, v6;
	[tilespmem:s15+$0xFFFFFFC0] =	vst v5  }
0x74: {  	[tilespmem:s12+$0xFFFFFF40] =	vst v1;
	v1 =	vmul.f32 v4, v3  }
0x75: {  	[tilespmem:s12+$0xFFFFFFC0] =	vst v2  }
0x76: {  	[tilespmem:s12+$0x40] =	vst v1;
	v1 =	vor.u32 $0x2, v6  }
0x77: {  	v2 =	vld.idx.msk [tilespmem:v6+s19+$0x0], $0xffff  }
0x78: {  	v3 =	vld.idx.msk [tilespmem:v43+s19+$0x0], $0xffff  }
0x79: {  	v44 =	vld.idx.msk [tilespmem:v6+s20+$0x0], $0xffff  }
0x7a: {  	v5 =	vld.idx.msk [tilespmem:v43+s20+$0x0], $0xffff  }
0x7b: {  	v45 =	vld.idx.msk [tilespmem:v1+s19+$0x0], $0xffff  }
0x7c: {  	v1 =	vld.idx.msk [tilespmem:v1+s20+$0x0], $0xffff;
	_ =	sdelay $0x2  }
0x7d: {  	v2 =	vsub.f32 v2, v44;
	v3 =	vsub.f32 v3, v5  }
0x7e: {  	v46 =	vld [tilespmem:s25+$0xFFFFFFD0]  }
0x7f: {  	v49 =	vld [tilespmem:s8+$0xFFFFFFD0];
	v47 =	vmul.f32 v2, v2;
	v48 =	vmul.f32 v3, v3;
	v1 =	vsub.f32 v45, v1;
	_ =	sdelay $0x1  }
0x80: {  	v5 =	vadd.f32 v48, v47;
	v50 =	vmul.f32 v1, v1;
	_ =	sdelay $0x1  }
0x81: {  	v5 =	vadd.f32 v50, v5  }
0x82: {  	vm9 =	veq.s32 v46, v49  }
0x83: {  	v4 =	vsel vm9, $0x3F800000, v5  }
0x84: {  	v51 =	vshrl.u32 v4, $0x1;
	v4 =	vmul.f32 $-5.000000000e-01, v4  }
0x85: {  	v6 =	vsub.s32 $0x5F3759DF, v51  }
0x86: {  	v52 =	vmul.f32 v6, v4;
	_ =	sdelay $0x1  }
0x87: {  	v7 =	vmul.f32 v6, v52;
	_ =	sdelay $0x1  }
0x88: {  	v7 =	vadd.f32 $1.500000000e+00, v7;
	_ =	sdelay $0x1  }
0x89: {  	v6 =	vmul.f32 v6, v7;
	_ =	sdelay $0x1  }
0x8a: {  	v4 =	vmul.f32 v6, v4;
	_ =	sdelay $0x1  }
0x8b: {  	v4 =	vmul.f32 v4, v6;
	_ =	sdelay $0x1  }
0x8c: {  	v4 =	vadd.f32 $1.500000000e+00, v4;
	_ =	sdelay $0x1  }
0x8d: {  	s31 =	sadd.s32 $0xFFFFFFB0, s11;
	v4 =	vmul.f32 v4, v6  }
0x8e: {  	v53 =	vmov s31  }
0x8f: {  	v6 =	vshll.u32 v53, $0x3;
	v5 =	vmul.f32 v4, v5  }
0x90: {  	v6 =	vor.u32 v0, v6;
	v2 =	vmul.f32 v4, v2  }
0x91: {  	v3 =	vmul.f32 v4, v3;
	[tilespmem:s15+$0xFFFFFFD0] =	vst v5  }
0x92: {  	v54 =	vor.u32 $0x1, v6;
	v1 =	vmul.f32 v4, v1;
	[tilespmem:s12+$0xFFFFFF50] =	vst v2  }
0x93: {  	[tilespmem:s12+$0xFFFFFFD0] =	vst v3  }
0x94: {  	[tilespmem:s12+$0x50] =	vst v1;
	v1 =	vor.u32 $0x2, v6  }
0x95: {  	v2 =	vld.idx.msk [tilespmem:v6+s19+$0x0], $0xffff  }
0x96: {  	v55 =	vld.idx.msk [tilespmem:v6+s20+$0x0], $0xffff  }
0x97: {  	v3 =	vld.idx.msk [tilespmem:v54+s19+$0x0], $0xffff  }
0x98: {  	v5 =	vld.idx.msk [tilespmem:v54+s20+$0x0], $0xffff  }
0x99: {  	v56 =	vld.idx.msk [tilespmem:v1+s19+$0x0], $0xffff  }
0x9a: {  	v1 =	vld.idx.msk [tilespmem:v1+s20+$0x0], $0xffff;
	_ =	sdelay $0x2  }
0x9b: {  	v2 =	vsub.f32 v2, v55;
	v3 =	vsub.f32 v3, v5  }
0x9c: {  	v57 =	vld [tilespmem:s25+$0xFFFFFFE0]  }
0x9d: {  	v60 =	vld [tilespmem:s8+$0xFFFFFFE0];
	v58 =	vmul.f32 v2, v2;
	v59 =	vmul.f32 v3, v3;
	v1 =	vsub.f32 v56, v1;
	_ =	sdelay $0x1  }
0x9e: {  	v5 =	vadd.f32 v59, v58;
	v61 =	vmul.f32 v1, v1;
	_ =	sdelay $0x1  }
0x9f: {  	v5 =	vadd.f32 v61, v5  }
0xa0: {  	vm10 =	veq.s32 v57, v60  }
0xa1: {  	v4 =	vsel vm10, $0x3F800000, v5  }
0xa2: {  	v62 =	vshrl.u32 v4, $0x1;
	v4 =	vmul.f32 $-5.000000000e-01, v4  }
0xa3: {  	v6 =	vsub.s32 $0x5F3759DF, v62  }
0xa4: {  	v63 =	vmul.f32 v6, v4;
	_ =	sdelay $0x1  }
0xa5: {  	v7 =	vmul.f32 v6, v63;
	_ =	sdelay $0x1  }
0xa6: {  	v7 =	vadd.f32 $1.500000000e+00, v7;
	_ =	sdelay $0x1  }
0xa7: {  	v6 =	vmul.f32 v6, v7;
	_ =	sdelay $0x1  }
0xa8: {  	v4 =	vmul.f32 v6, v4;
	_ =	sdelay $0x1  }
0xa9: {  	v4 =	vmul.f32 v4, v6;
	_ =	sdelay $0x1  }
0xaa: {  	v4 =	vadd.f32 $1.500000000e+00, v4;
	_ =	sdelay $0x1  }
0xab: {  	s31 =	sadd.s32 $0xFFFFFFC0, s11;
	v4 =	vmul.f32 v4, v6  }
0xac: {  	v9 =	vmov s31  }
0xad: {  	v6 =	vshll.u32 v9, $0x3;
	v5 =	vmul.f32 v4, v5  }
0xae: {  	v6 =	vor.u32 v0, v6;
	v2 =	vmul.f32 v4, v2  }
0xaf: {  	v3 =	vmul.f32 v4, v3;
	[tilespmem:s15+$0xFFFFFFE0] =	vst v5  }
0xb0: {  	v10 =	vor.u32 $0x1, v6;
	v1 =	vmul.f32 v4, v1;
	[tilespmem:s12+$0xFFFFFF60] =	vst v2  }
0xb1: {  	[tilespmem:s12+$0xFFFFFFE0] =	vst v3  }
0xb2: {  	[tilespmem:s12+$0x60] =	vst v1;
	v1 =	vor.u32 $0x2, v6  }
0xb3: {  	v2 =	vld.idx.msk [tilespmem:v6+s19+$0x0], $0xffff  }
0xb4: {  	v11 =	vld.idx.msk [tilespmem:v6+s20+$0x0], $0xffff  }
0xb5: {  	v3 =	vld.idx.msk [tilespmem:v10+s19+$0x0], $0xffff  }
0xb6: {  	v5 =	vld.idx.msk [tilespmem:v10+s20+$0x0], $0xffff  }
0xb7: {  	v12 =	vld.idx.msk [tilespmem:v1+s19+$0x0], $0xffff  }
0xb8: {  	v1 =	vld.idx.msk [tilespmem:v1+s20+$0x0], $0xffff;
	_ =	sdelay $0x2  }
0xb9: {  	v2 =	vsub.f32 v2, v11;
	v3 =	vsub.f32 v3, v5  }
0xba: {  	v13 =	vld [tilespmem:s25+$0xFFFFFFF0]  }
0xbb: {  	v16 =	vld [tilespmem:s8+$0xFFFFFFF0];
	v14 =	vmul.f32 v2, v2;
	v15 =	vmul.f32 v3, v3;
	v1 =	vsub.f32 v12, v1;
	_ =	sdelay $0x1  }
0xbc: {  	v5 =	vadd.f32 v15, v14;
	v17 =	vmul.f32 v1, v1;
	_ =	sdelay $0x1  }
0xbd: {  	v5 =	vadd.f32 v17, v5  }
0xbe: {  	vm11 =	veq.s32 v13, v16  }
0xbf: {  	v4 =	vsel vm11, $0x3F800000, v5  }
0xc0: {  	v18 =	vshrl.u32 v4, $0x1;
	v4 =	vmul.f32 $-5.000000000e-01, v4  }
0xc1: {  	v6 =	vsub.s32 $0x5F3759DF, v18  }
0xc2: {  	v19 =	vmul.f32 v6, v4;
	_ =	sdelay $0x1  }
0xc3: {  	v7 =	vmul.f32 v6, v19;
	_ =	sdelay $0x1  }
0xc4: {  	v7 =	vadd.f32 $1.500000000e+00, v7;
	_ =	sdelay $0x1  }
0xc5: {  	v6 =	vmul.f32 v6, v7;
	_ =	sdelay $0x1  }
0xc6: {  	v4 =	vmul.f32 v6, v4;
	_ =	sdelay $0x1  }
0xc7: {  	v4 =	vmul.f32 v4, v6;
	_ =	sdelay $0x1  }
0xc8: {  	v4 =	vadd.f32 $1.500000000e+00, v4;
	_ =	sdelay $0x1  }
0xc9: {  	s31 =	sadd.s32 $0xFFFFFFD0, s11;
	v4 =	vmul.f32 v4, v6  }
0xca: {  	v20 =	vmov s31  }
0xcb: {  	v6 =	vshll.u32 v20, $0x3;
	v5 =	vmul.f32 v4, v5  }
0xcc: {  	v6 =	vor.u32 v0, v6;
	v2 =	vmul.f32 v4, v2  }
0xcd: {  	v3 =	vmul.f32 v4, v3;
	[tilespmem:s15+$0xFFFFFFF0] =	vst v5  }
0xce: {  	v21 =	vor.u32 $0x1, v6;
	v1 =	vmul.f32 v4, v1;
	[tilespmem:s12+$0xFFFFFF70] =	vst v2  }
0xcf: {  	[tilespmem:s12+$0xFFFFFFF0] =	vst v3  }
0xd0: {  	[tilespmem:s12+$0x70] =	vst v1;
	v1 =	vor.u32 $0x2, v6  }
0xd1: {  	v2 =	vld.idx.msk [tilespmem:v6+s19+$0x0], $0xffff  }
0xd2: {  	v22 =	vld.idx.msk [tilespmem:v6+s20+$0x0], $0xffff  }
0xd3: {  	v3 =	vld.idx.msk [tilespmem:v21+s19+$0x0], $0xffff  }
0xd4: {  	v5 =	vld.idx.msk [tilespmem:v21+s20+$0x0], $0xffff  }
0xd5: {  	v23 =	vld.idx.msk [tilespmem:v1+s19+$0x0], $0xffff  }
0xd6: {  	v1 =	vld.idx.msk [tilespmem:v1+s20+$0x0], $0xffff;
	_ =	sdelay $0x2  }
0xd7: {  	v2 =	vsub.f32 v2, v22;
	v3 =	vsub.f32 v3, v5  }
0xd8: {  	v24 =	vld [tilespmem:s25+$0x0]  }
0xd9: {  	v27 =	vld [tilespmem:s8+$0x0];
	v25 =	vmul.f32 v2, v2;
	v26 =	vmul.f32 v3, v3;
	v1 =	vsub.f32 v23, v1;
	_ =	sdelay $0x1  }
0xda: {  	v5 =	vadd.f32 v26, v25;
	v28 =	vmul.f32 v1, v1;
	_ =	sdelay $0x1  }
0xdb: {  	v5 =	vadd.f32 v28, v5  }
0xdc: {  	vm12 =	veq.s32 v24, v27  }
0xdd: {  	v4 =	vsel vm12, $0x3F800000, v5  }
0xde: {  	v29 =	vshrl.u32 v4, $0x1;
	v4 =	vmul.f32 $-5.000000000e-01, v4  }
0xdf: {  	v6 =	vsub.s32 $0x5F3759DF, v29  }
0xe0: {  	v30 =	vmul.f32 v6, v4;
	_ =	sdelay $0x1  }
0xe1: {  	v7 =	vmul.f32 v6, v30;
	_ =	sdelay $0x1  }
0xe2: {  	v7 =	vadd.f32 $1.500000000e+00, v7;
	_ =	sdelay $0x1  }
0xe3: {  	v6 =	vmul.f32 v6, v7;
	_ =	sdelay $0x1  }
0xe4: {  	v4 =	vmul.f32 v6, v4;
	_ =	sdelay $0x1  }
0xe5: {  	v4 =	vmul.f32 v4, v6;
	_ =	sdelay $0x1  }
0xe6: {  	v4 =	vadd.f32 $1.500000000e+00, v4;
	_ =	sdelay $0x1  }
0xe7: {  	s31 =	sadd.s32 $0xFFFFFFE0, s11;
	v4 =	vmul.f32 v4, v6  }
0xe8: {  	v31 =	vmov s31  }
0xe9: {  	v6 =	vshll.u32 v31, $0x3;
	v5 =	vmul.f32 v4, v5  }
0xea: {  	v6 =	vor.u32 v0, v6;
	v2 =	vmul.f32 v4, v2  }
0xeb: {  	v3 =	vmul.f32 v4, v3;
	[tilespmem:s15+$0x0] =	vst v5  }
0xec: {  	v32 =	vor.u32 $0x1, v6;
	v1 =	vmul.f32 v4, v1;
	[tilespmem:s12+$0xFFFFFF80] =	vst v2  }
0xed: {  	[tilespmem:s12+$0x0] =	vst v3  }
0xee: {  	[tilespmem:s12+$0x80] =	vst v1;
	v1 =	vor.u32 $0x2, v6  }
0xef: {  	v2 =	vld.idx.msk [tilespmem:v6+s19+$0x0], $0xffff  }
0xf0: {  	v33 =	vld.idx.msk [tilespmem:v6+s20+$0x0], $0xffff  }
0xf1: {  	v3 =	vld.idx.msk [tilespmem:v32+s19+$0x0], $0xffff  }
0xf2: {  	v5 =	vld.idx.msk [tilespmem:v32+s20+$0x0], $0xffff  }
0xf3: {  	v34 =	vld.idx.msk [tilespmem:v1+s19+$0x0], $0xffff  }
0xf4: {  	v1 =	vld.idx.msk [tilespmem:v1+s20+$0x0], $0xffff;
	_ =	sdelay $0x2  }
0xf5: {  	v2 =	vsub.f32 v2, v33;
	v3 =	vsub.f32 v3, v5  }
0xf6: {  	v35 =	vld [tilespmem:s25+$0x10]  }
0xf7: {  	v38 =	vld [tilespmem:s8+$0x10];
	v36 =	vmul.f32 v2, v2;
	v37 =	vmul.f32 v3, v3;
	v1 =	vsub.f32 v34, v1;
	_ =	sdelay $0x1  }
0xf8: {  	v5 =	vadd.f32 v37, v36;
	v39 =	vmul.f32 v1, v1;
	_ =	sdelay $0x1  }
0xf9: {  	v5 =	vadd.f32 v39, v5  }
0xfa: {  	vm13 =	veq.s32 v35, v38  }
0xfb: {  	v4 =	vsel vm13, $0x3F800000, v5  }
0xfc: {  	v40 =	vshrl.u32 v4, $0x1;
	v4 =	vmul.f32 $-5.000000000e-01, v4  }
0xfd: {  	v6 =	vsub.s32 $0x5F3759DF, v40  }
0xfe: {  	v41 =	vmul.f32 v6, v4;
	_ =	sdelay $0x1  }
0xff: {  	v7 =	vmul.f32 v6, v41;
	_ =	sdelay $0x1  }
0x100: {  	v7 =	vadd.f32 $1.500000000e+00, v7;
	_ =	sdelay $0x1  }
0x101: {  	v6 =	vmul.f32 v6, v7;
	_ =	sdelay $0x1  }
0x102: {  	v4 =	vmul.f32 v6, v4;
	_ =	sdelay $0x1  }
0x103: {  	v4 =	vmul.f32 v4, v6;
	_ =	sdelay $0x1  }
0x104: {  	v4 =	vadd.f32 $1.500000000e+00, v4;
	_ =	sdelay $0x1  }
0x105: {  	s31 =	sadd.s32 $0xFFFFFFF0, s11;
	v4 =	vmul.f32 v4, v6  }
0x106: {  	v42 =	vmov s31  }
0x107: {  	v6 =	vshll.u32 v42, $0x3;
	v5 =	vmul.f32 v4, v5  }
0x108: {  	v6 =	vor.u32 v0, v6;
	v2 =	vmul.f32 v4, v2  }
0x109: {  	v3 =	vmul.f32 v4, v3;
	[tilespmem:s15+$0x10] =	vst v5  }
0x10a: {  	v43 =	vor.u32 $0x1, v6;
	v1 =	vmul.f32 v4, v1;
	[tilespmem:s12+$0xFFFFFF90] =	vst v2  }
0x10b: {  	[tilespmem:s12+$0x10] =	vst v3  }
0x10c: {  	[tilespmem:s12+$0x90] =	vst v1;
	v1 =	vor.u32 $0x2, v6  }
0x10d: {  	v2 =	vld.idx.msk [tilespmem:v6+s19+$0x0], $0xffff  }
0x10e: {  	v44 =	vld.idx.msk [tilespmem:v6+s20+$0x0], $0xffff  }
0x10f: {  	v3 =	vld.idx.msk [tilespmem:v43+s19+$0x0], $0xffff  }
0x110: {  	v5 =	vld.idx.msk [tilespmem:v43+s20+$0x0], $0xffff  }
0x111: {  	v45 =	vld.idx.msk [tilespmem:v1+s19+$0x0], $0xffff  }
0x112: {  	v1 =	vld.idx.msk [tilespmem:v1+s20+$0x0], $0xffff;
	_ =	sdelay $0x2  }
0x113: {  	v2 =	vsub.f32 v2, v44;
	v3 =	vsub.f32 v3, v5  }
0x114: {  	v46 =	vld [tilespmem:s25+$0x20]  }
0x115: {  	v49 =	vld [tilespmem:s8+$0x20];
	v47 =	vmul.f32 v2, v2;
	v48 =	vmul.f32 v3, v3;
	v1 =	vsub.f32 v45, v1;
	_ =	sdelay $0x1  }
0x116: {  	v5 =	vadd.f32 v48, v47;
	v50 =	vmul.f32 v1, v1;
	_ =	sdelay $0x1  }
0x117: {  	v5 =	vadd.f32 v50, v5  }
0x118: {  	vm14 =	veq.s32 v46, v49  }
0x119: {  	v4 =	vsel vm14, $0x3F800000, v5  }
0x11a: {  	v51 =	vshrl.u32 v4, $0x1;
	v4 =	vmul.f32 $-5.000000000e-01, v4  }
0x11b: {  	v6 =	vsub.s32 $0x5F3759DF, v51  }
0x11c: {  	v52 =	vmul.f32 v6, v4;
	_ =	sdelay $0x1  }
0x11d: {  	v7 =	vmul.f32 v6, v52;
	_ =	sdelay $0x1  }
0x11e: {  	v7 =	vadd.f32 $1.500000000e+00, v7;
	_ =	sdelay $0x1  }
0x11f: {  	v6 =	vmul.f32 v6, v7;
	_ =	sdelay $0x1  }
0x120: {  	v4 =	vmul.f32 v6, v4;
	_ =	sdelay $0x1  }
0x121: {  	v4 =	vmul.f32 v4, v6;
	_ =	sdelay $0x1  }
0x122: {  	v4 =	vadd.f32 $1.500000000e+00, v4;
	_ =	sdelay $0x1  }
0x123: {  	v4 =	vmul.f32 v4, v6  }
0x124: {  	v53 =	vmov s11  }
0x125: {  	v6 =	vshll.u32 v53, $0x3;
	v5 =	vmul.f32 v4, v5  }
0x126: {  	v6 =	vor.u32 v0, v6;
	v2 =	vmul.f32 v4, v2  }
0x127: {  	v3 =	vmul.f32 v4, v3;
	[tilespmem:s15+$0x20] =	vst v5  }
0x128: {  	v54 =	vor.u32 $0x1, v6;
	v1 =	vmul.f32 v4, v1;
	[tilespmem:s12+$0xFFFFFFA0] =	vst v2  }
0x129: {  	[tilespmem:s12+$0x20] =	vst v3  }
0x12a: {  	[tilespmem:s12+$0xA0] =	vst v1;
	v1 =	vor.u32 $0x2, v6  }
0x12b: {  	v2 =	vld.idx.msk [tilespmem:v6+s19+$0x0], $0xffff  }
0x12c: {  	v55 =	vld.idx.msk [tilespmem:v6+s20+$0x0], $0xffff  }
0x12d: {  	v3 =	vld.idx.msk [tilespmem:v54+s19+$0x0], $0xffff  }
0x12e: {  	v5 =	vld.idx.msk [tilespmem:v54+s20+$0x0], $0xffff  }
0x12f: {  	v56 =	vld.idx.msk [tilespmem:v1+s19+$0x0], $0xffff  }
0x130: {  	v1 =	vld.idx.msk [tilespmem:v1+s20+$0x0], $0xffff;
	_ =	sdelay $0x2  }
0x131: {  	v2 =	vsub.f32 v2, v55;
	v3 =	vsub.f32 v3, v5  }
0x132: {  	v57 =	vld [tilespmem:s25+$0x30]  }
0x133: {  	v60 =	vld [tilespmem:s8+$0x30];
	v58 =	vmul.f32 v2, v2;
	v59 =	vmul.f32 v3, v3;
	v1 =	vsub.f32 v56, v1;
	_ =	sdelay $0x1  }
0x134: {  	v5 =	vadd.f32 v59, v58;
	v61 =	vmul.f32 v1, v1;
	_ =	sdelay $0x1  }
0x135: {  	v5 =	vadd.f32 v61, v5  }
0x136: {  	vm15 =	veq.s32 v57, v60  }
0x137: {  	v4 =	vsel vm15, $0x3F800000, v5  }
0x138: {  	v62 =	vshrl.u32 v4, $0x1;
	v4 =	vmul.f32 $-5.000000000e-01, v4  }
0x139: {  	v6 =	vsub.s32 $0x5F3759DF, v62  }
0x13a: {  	v63 =	vmul.f32 v6, v4;
	_ =	sdelay $0x1  }
0x13b: {  	v7 =	vmul.f32 v6, v63;
	_ =	sdelay $0x1  }
0x13c: {  	v7 =	vadd.f32 $1.500000000e+00, v7;
	_ =	sdelay $0x1  }
0x13d: {  	v6 =	vmul.f32 v6, v7;
	_ =	sdelay $0x1  }
0x13e: {  	v4 =	vmul.f32 v6, v4;
	_ =	sdelay $0x1  }
0x13f: {  	v4 =	vmul.f32 v4, v6;
	_ =	sdelay $0x1  }
0x140: {  	v4 =	vadd.f32 $1.500000000e+00, v4;
	_ =	sdelay $0x1  }
0x141: {  	v4 =	vmul.f32 v4, v6;
	_ =	sdelay $0x1  }
0x142: {  	p2 =	sne.s32 s11, $0x7F0;
	v5 =	vmul.f32 v4, v5  }
.Ltmp4:
0x143: {  	v2 =	vmul.f32 v4, v2;
	(pc) =	sbr.rel @p2 .LBB2_3-.Ltmp4, $4  }
0x144: {  	v3 =	vmul.f32 v4, v3;
	[tilespmem:s15+$0x30] =	vst v5  }
0x145: {  	v1 =	vmul.f32 v4, v1;
	[tilespmem:s12+$0xFFFFFFB0] =	vst v2  }
0x146: {  	s11 =	sadd.s32 $0x80, s11;
	s8 =	sadd.s32 $0x80, s8;
	[tilespmem:s12+$0x30] =	vst v3  }
0x147: {  	s25 =	sadd.s32 $0x80, s25;
	s15 =	sadd.s32 $0x80, s15;
	[tilespmem:s12+$0xB0] =	vst v1;
	s12 =	sadd.s32 $0x200, s12  }
0x148: {  	s11 =	sshll.u32 s21, $0x5  }
0x149: {  	s8 =	sadd.s32 s7, s11  }
0x14a: {  	p2 =	seq.s32 s21, $0xC;
	s8 =	smin.u32 s8, s9  }
.Ltmp5:
0x14b: {  	s12 =	sshll.u32 s8, $0x4;
	(pc) =	sbr.rel @p2 .LBB2_10-.Ltmp5, $4  }
0x14c: {  	s8 =	sshll.u32 s8, $0x6;
	s12 =	sadd.s32 s3, s12  }
0x14d: {  	[hbm4b:s12+s4] =	stream.linear.scatter [tilespmem:s23], [sflag:$0x5], $0x800, $0x38;
	[tilespmem:$0x17000] =	vst v63  }
0x14e: {  	s8 =	sadd.s32 s6, s8  }
0x14f: {  	[hbm4b:s8+s4] =	stream.linear.scatter [tilespmem:s24], [sflag:$0x5], $0x2000, $0x38;
	[tilespmem:$0x17000] =	vst v63  }
0x150: {  	s8 =	sadd.s32 s11, s13  }
0x151: {  	s8 =	smin.u32 s8, s9  }
0x152: {  	s8 =	sshll.u32 s8, $0x7  }
.Ltmp6:
0x153: {  	s12 =	sshrl.u32 s8, $0x3;
	s8 =	sadd.s32 $0x186A00, s8;
	(pc) =	sbr.rel @p1 .LBB2_9-.Ltmp6, $4  }
0x154: {  	s12 =	sadd.s32 s2, s12;
	s8 =	sshrl.u32 s8, $0x3  }
0x155: {  	[tilespmem:s4], [sflag:$0x1] =	stream.linear.gather [hbm4b:s12+s4], $0x800, $0x38;
	[tilespmem:$0x17000] =	vst v63  }
0x156: {  	s8 =	sadd.s32 s2, s8  }
0x157: {  	[tilespmem:s16], [sflag:$0x1] =	stream.linear.gather [hbm4b:s8+s4], $0x800, $0x38;
	[tilespmem:$0x17000] =	vst v63  }
0x158: {  	_ =	swait.ge [sflag:s17], $0x800  }
0x159: {  	[sflag:s17] =	ssyncset.done $0x0  }
0x15a: {  	[sflag:s17] =	ssyncadd.s32 $0xFFFFF800  }
0x15b: {  	_ =	swait.ge [sflag:s17], $0x800  }
0x15c: {  	[sflag:s17] =	ssyncset.done $0x0  }
0x15d: {  	[sflag:s17] =	ssyncadd.s32 $0xFFFFF800  }
0x15e: {  	[tilespmem:s19], [sflag:$0x3] =	stream.indirect.gather [hbm4b:s5+s18], $0x8, s4, s18, $0xb8;
	[tilespmem:$0x17000] =	vst v63  }
0x15f: {  	_ = 	snop  }
0x160: {  	[tilespmem:s20], [sflag:$0x3] =	stream.indirect.gather [hbm4b:s5+s18], $0x8, s16, s18, $0xb8;
	[tilespmem:$0x17000] =	vst v63  }
0x161: {  	_ =	swait.ge [sflag:s28], $0x4000  }
0x162: {  	[sflag:s28] =	ssyncset.done $0x0  }
0x163: {  	[sflag:s28] =	ssyncadd.s32 $0xFFFFC000  }
0x164: {  	_ =	swait.ge [sflag:s28], $0x4000  }
0x165: {  	[sflag:s28] =	ssyncset.done $0x0  }
0x166: {  	s8 =	simm.s32 @!p0 $0x6;
	[sflag:s28] =	ssyncadd.s32 $0xFFFFC000  }
0x167: {  	_ =	swait.ge @!p0 [sflag:s8], $0x800  }
0x168: {  	[sflag:s8] =	ssyncset.done @!p0 $0x0  }
0x169: {  	[sflag:s8] =	ssyncadd.s32 @!p0 $0xFFFFF800  }
0x16a: {  	s12 =	simm.s32 $0x70;
	_ =	swait.ge @!p0 [sflag:s8], $0x2000  }
0x16b: {  	s15 =	simm.s32 $0x150C0;
	s25 =	simm.s32 $0x1840;
	[sflag:s8] =	ssyncset.done @!p0 $0x0  }
0x16c: {  	s26 =	simm.s32 $0x840;
	[sflag:s8] =	ssyncadd.s32 @!p0 $0xFFFFE000;
	s8 =	simm.s32 $0x12840  }
.LBB2_7:
0x16d: {  	s31 =	sadd.s32 $0xFFFFFF90, s12  }
0x16e: {  	v1 =	vmov s31  }
0x16f: {  	v1 =	vshll.u32 v1, $0x3  }
0x170: {  	v1 =	vor.u32 v0, v1;
	_ =	sdelay $0x1  }
0x171: {  	v2 =	vor.u32 $0x1, v1;
	_ =	sdelay $0x1  }
0x172: {  	v3 =	vor.u32 $0x2, v1  }
0x173: {  	v4 =	vld.idx.msk [tilespmem:v1+s29+$0x0], $0xffff  }
0x174: {  	v1 =	vld.idx.msk [tilespmem:v1+s30+$0x0], $0xffff  }
0x175: {  	v5 =	vld.idx.msk [tilespmem:v2+s29+$0x0], $0xffff  }
0x176: {  	v2 =	vld.idx.msk [tilespmem:v2+s30+$0x0], $0xffff  }
0x177: {  	v6 =	vld.idx.msk [tilespmem:v3+s29+$0x0], $0xffff  }
0x178: {  	v3 =	vld.idx.msk [tilespmem:v3+s30+$0x0], $0xffff;
	_ =	sdelay $0x2  }
0x179: {  	v1 =	vsub.f32 v4, v1;
	v2 =	vsub.f32 v5, v2  }
0x17a: {  	v36 =	vld [tilespmem:s26+$0xFFFFFFC0]  }
0x17b: {  	v7 =	vld [tilespmem:s25+$0xFFFFFFC0];
	v3 =	vsub.f32 v6, v3;
	v37 =	vmul.f32 v1, v1;
	v38 =	vmul.f32 v2, v2;
	_ =	sdelay $0x1  }
0x17c: {  	v39 =	vmul.f32 v3, v3;
	v5 =	vadd.f32 v38, v37;
	_ =	sdelay $0x1  }
0x17d: {  	v5 =	vadd.f32 v39, v5  }
0x17e: {  	vm0 =	veq.s32 v36, v7  }
0x17f: {  	v4 =	vsel vm0, $0x3F800000, v5  }
0x180: {  	v40 =	vshrl.u32 v4, $0x1;
	v4 =	vmul.f32 $-5.000000000e-01, v4  }
0x181: {  	v6 =	vsub.s32 $0x5F3759DF, v40  }
0x182: {  	v41 =	vmul.f32 v6, v4;
	_ =	sdelay $0x1  }
0x183: {  	v7 =	vmul.f32 v6, v41;
	_ =	sdelay $0x1  }
0x184: {  	v7 =	vadd.f32 $1.500000000e+00, v7;
	_ =	sdelay $0x1  }
0x185: {  	v6 =	vmul.f32 v6, v7;
	_ =	sdelay $0x1  }
0x186: {  	v4 =	vmul.f32 v6, v4;
	_ =	sdelay $0x1  }
0x187: {  	v4 =	vmul.f32 v4, v6;
	_ =	sdelay $0x1  }
0x188: {  	v4 =	vadd.f32 $1.500000000e+00, v4;
	_ =	sdelay $0x1  }
0x189: {  	s31 =	sadd.s32 $0xFFFFFFA0, s12;
	v4 =	vmul.f32 v4, v6  }
0x18a: {  	v42 =	vmov s31  }
0x18b: {  	v6 =	vshll.u32 v42, $0x3;
	v5 =	vmul.f32 v4, v5  }
0x18c: {  	v6 =	vor.u32 v0, v6;
	v1 =	vmul.f32 v4, v1  }
0x18d: {  	v2 =	vmul.f32 v4, v2;
	v43 =	vor.u32 $0x1, v6;
	[tilespmem:s8+$0xFFFFFFC0] =	vst v5  }
0x18e: {  	[tilespmem:s15+$0xFFFFFF40] =	vst v1;
	v1 =	vmul.f32 v4, v3  }
0x18f: {  	[tilespmem:s15+$0xFFFFFFC0] =	vst v2  }
0x190: {  	[tilespmem:s15+$0x40] =	vst v1;
	v1 =	vor.u32 $0x2, v6  }
0x191: {  	v2 =	vld.idx.msk [tilespmem:v6+s29+$0x0], $0xffff  }
0x192: {  	v3 =	vld.idx.msk [tilespmem:v43+s29+$0x0], $0xffff  }
0x193: {  	v44 =	vld.idx.msk [tilespmem:v6+s30+$0x0], $0xffff  }
0x194: {  	v5 =	vld.idx.msk [tilespmem:v43+s30+$0x0], $0xffff  }
0x195: {  	v45 =	vld.idx.msk [tilespmem:v1+s29+$0x0], $0xffff  }
0x196: {  	v1 =	vld.idx.msk [tilespmem:v1+s30+$0x0], $0xffff;
	_ =	sdelay $0x2  }
0x197: {  	v2 =	vsub.f32 v2, v44;
	v3 =	vsub.f32 v3, v5  }
0x198: {  	v46 =	vld [tilespmem:s26+$0xFFFFFFD0]  }
0x199: {  	v49 =	vld [tilespmem:s25+$0xFFFFFFD0];
	v47 =	vmul.f32 v2, v2;
	v48 =	vmul.f32 v3, v3;
	v1 =	vsub.f32 v45, v1;
	_ =	sdelay $0x1  }
0x19a: {  	v5 =	vadd.f32 v48, v47;
	v50 =	vmul.f32 v1, v1;
	_ =	sdelay $0x1  }
0x19b: {  	v5 =	vadd.f32 v50, v5  }
0x19c: {  	vm9 =	veq.s32 v46, v49  }
0x19d: {  	v4 =	vsel vm9, $0x3F800000, v5  }
0x19e: {  	v51 =	vshrl.u32 v4, $0x1;
	v4 =	vmul.f32 $-5.000000000e-01, v4  }
0x19f: {  	v6 =	vsub.s32 $0x5F3759DF, v51  }
0x1a0: {  	v52 =	vmul.f32 v6, v4;
	_ =	sdelay $0x1  }
0x1a1: {  	v7 =	vmul.f32 v6, v52;
	_ =	sdelay $0x1  }
0x1a2: {  	v7 =	vadd.f32 $1.500000000e+00, v7;
	_ =	sdelay $0x1  }
0x1a3: {  	v6 =	vmul.f32 v6, v7;
	_ =	sdelay $0x1  }
0x1a4: {  	v4 =	vmul.f32 v6, v4;
	_ =	sdelay $0x1  }
0x1a5: {  	v4 =	vmul.f32 v4, v6;
	_ =	sdelay $0x1  }
0x1a6: {  	v4 =	vadd.f32 $1.500000000e+00, v4;
	_ =	sdelay $0x1  }
0x1a7: {  	s31 =	sadd.s32 $0xFFFFFFB0, s12;
	v4 =	vmul.f32 v4, v6  }
0x1a8: {  	v53 =	vmov s31  }
0x1a9: {  	v6 =	vshll.u32 v53, $0x3;
	v5 =	vmul.f32 v4, v5  }
0x1aa: {  	v6 =	vor.u32 v0, v6;
	v2 =	vmul.f32 v4, v2  }
0x1ab: {  	v3 =	vmul.f32 v4, v3;
	[tilespmem:s8+$0xFFFFFFD0] =	vst v5  }
0x1ac: {  	v54 =	vor.u32 $0x1, v6;
	v1 =	vmul.f32 v4, v1;
	[tilespmem:s15+$0xFFFFFF50] =	vst v2  }
0x1ad: {  	[tilespmem:s15+$0xFFFFFFD0] =	vst v3  }
0x1ae: {  	[tilespmem:s15+$0x50] =	vst v1;
	v1 =	vor.u32 $0x2, v6  }
0x1af: {  	v2 =	vld.idx.msk [tilespmem:v6+s29+$0x0], $0xffff  }
0x1b0: {  	v55 =	vld.idx.msk [tilespmem:v6+s30+$0x0], $0xffff  }
0x1b1: {  	v3 =	vld.idx.msk [tilespmem:v54+s29+$0x0], $0xffff  }
0x1b2: {  	v5 =	vld.idx.msk [tilespmem:v54+s30+$0x0], $0xffff  }
0x1b3: {  	v56 =	vld.idx.msk [tilespmem:v1+s29+$0x0], $0xffff  }
0x1b4: {  	v1 =	vld.idx.msk [tilespmem:v1+s30+$0x0], $0xffff;
	_ =	sdelay $0x2  }
0x1b5: {  	v2 =	vsub.f32 v2, v55;
	v3 =	vsub.f32 v3, v5  }
0x1b6: {  	v57 =	vld [tilespmem:s26+$0xFFFFFFE0]  }
0x1b7: {  	v60 =	vld [tilespmem:s25+$0xFFFFFFE0];
	v58 =	vmul.f32 v2, v2;
	v59 =	vmul.f32 v3, v3;
	v1 =	vsub.f32 v56, v1;
	_ =	sdelay $0x1  }
0x1b8: {  	v5 =	vadd.f32 v59, v58;
	v61 =	vmul.f32 v1, v1;
	_ =	sdelay $0x1  }
0x1b9: {  	v5 =	vadd.f32 v61, v5  }
0x1ba: {  	vm10 =	veq.s32 v57, v60  }
0x1bb: {  	v4 =	vsel vm10, $0x3F800000, v5  }
0x1bc: {  	v62 =	vshrl.u32 v4, $0x1;
	v4 =	vmul.f32 $-5.000000000e-01, v4  }
0x1bd: {  	v6 =	vsub.s32 $0x5F3759DF, v62  }
0x1be: {  	v63 =	vmul.f32 v6, v4;
	_ =	sdelay $0x1  }
0x1bf: {  	v7 =	vmul.f32 v6, v63;
	_ =	sdelay $0x1  }
0x1c0: {  	v7 =	vadd.f32 $1.500000000e+00, v7;
	_ =	sdelay $0x1  }
0x1c1: {  	v6 =	vmul.f32 v6, v7;
	_ =	sdelay $0x1  }
0x1c2: {  	v4 =	vmul.f32 v6, v4;
	_ =	sdelay $0x1  }
0x1c3: {  	v4 =	vmul.f32 v4, v6;
	_ =	sdelay $0x1  }
0x1c4: {  	v4 =	vadd.f32 $1.500000000e+00, v4;
	_ =	sdelay $0x1  }
0x1c5: {  	s31 =	sadd.s32 $0xFFFFFFC0, s12;
	v4 =	vmul.f32 v4, v6  }
0x1c6: {  	v9 =	vmov s31  }
0x1c7: {  	v6 =	vshll.u32 v9, $0x3;
	v5 =	vmul.f32 v4, v5  }
0x1c8: {  	v6 =	vor.u32 v0, v6;
	v2 =	vmul.f32 v4, v2  }
0x1c9: {  	v3 =	vmul.f32 v4, v3;
	[tilespmem:s8+$0xFFFFFFE0] =	vst v5  }
0x1ca: {  	v10 =	vor.u32 $0x1, v6;
	v1 =	vmul.f32 v4, v1;
	[tilespmem:s15+$0xFFFFFF60] =	vst v2  }
0x1cb: {  	[tilespmem:s15+$0xFFFFFFE0] =	vst v3  }
0x1cc: {  	[tilespmem:s15+$0x60] =	vst v1;
	v1 =	vor.u32 $0x2, v6  }
0x1cd: {  	v2 =	vld.idx.msk [tilespmem:v6+s29+$0x0], $0xffff  }
0x1ce: {  	v11 =	vld.idx.msk [tilespmem:v6+s30+$0x0], $0xffff  }
0x1cf: {  	v3 =	vld.idx.msk [tilespmem:v10+s29+$0x0], $0xffff  }
0x1d0: {  	v5 =	vld.idx.msk [tilespmem:v10+s30+$0x0], $0xffff  }
0x1d1: {  	v12 =	vld.idx.msk [tilespmem:v1+s29+$0x0], $0xffff  }
0x1d2: {  	v1 =	vld.idx.msk [tilespmem:v1+s30+$0x0], $0xffff;
	_ =	sdelay $0x2  }
0x1d3: {  	v2 =	vsub.f32 v2, v11;
	v3 =	vsub.f32 v3, v5  }
0x1d4: {  	v13 =	vld [tilespmem:s26+$0xFFFFFFF0]  }
0x1d5: {  	v16 =	vld [tilespmem:s25+$0xFFFFFFF0];
	v14 =	vmul.f32 v2, v2;
	v15 =	vmul.f32 v3, v3;
	v1 =	vsub.f32 v12, v1;
	_ =	sdelay $0x1  }
0x1d6: {  	v5 =	vadd.f32 v15, v14;
	v17 =	vmul.f32 v1, v1;
	_ =	sdelay $0x1  }
0x1d7: {  	v5 =	vadd.f32 v17, v5  }
0x1d8: {  	vm11 =	veq.s32 v13, v16  }
0x1d9: {  	v4 =	vsel vm11, $0x3F800000, v5  }
0x1da: {  	v18 =	vshrl.u32 v4, $0x1;
	v4 =	vmul.f32 $-5.000000000e-01, v4  }
0x1db: {  	v6 =	vsub.s32 $0x5F3759DF, v18  }
0x1dc: {  	v19 =	vmul.f32 v6, v4;
	_ =	sdelay $0x1  }
0x1dd: {  	v7 =	vmul.f32 v6, v19;
	_ =	sdelay $0x1  }
0x1de: {  	v7 =	vadd.f32 $1.500000000e+00, v7;
	_ =	sdelay $0x1  }
0x1df: {  	v6 =	vmul.f32 v6, v7;
	_ =	sdelay $0x1  }
0x1e0: {  	v4 =	vmul.f32 v6, v4;
	_ =	sdelay $0x1  }
0x1e1: {  	v4 =	vmul.f32 v4, v6;
	_ =	sdelay $0x1  }
0x1e2: {  	v4 =	vadd.f32 $1.500000000e+00, v4;
	_ =	sdelay $0x1  }
0x1e3: {  	s31 =	sadd.s32 $0xFFFFFFD0, s12;
	v4 =	vmul.f32 v4, v6  }
0x1e4: {  	v20 =	vmov s31  }
0x1e5: {  	v6 =	vshll.u32 v20, $0x3;
	v5 =	vmul.f32 v4, v5  }
0x1e6: {  	v6 =	vor.u32 v0, v6;
	v2 =	vmul.f32 v4, v2  }
0x1e7: {  	v3 =	vmul.f32 v4, v3;
	[tilespmem:s8+$0xFFFFFFF0] =	vst v5  }
0x1e8: {  	v21 =	vor.u32 $0x1, v6;
	v1 =	vmul.f32 v4, v1;
	[tilespmem:s15+$0xFFFFFF70] =	vst v2  }
0x1e9: {  	[tilespmem:s15+$0xFFFFFFF0] =	vst v3  }
0x1ea: {  	[tilespmem:s15+$0x70] =	vst v1;
	v1 =	vor.u32 $0x2, v6  }
0x1eb: {  	v2 =	vld.idx.msk [tilespmem:v6+s29+$0x0], $0xffff  }
0x1ec: {  	v22 =	vld.idx.msk [tilespmem:v6+s30+$0x0], $0xffff  }
0x1ed: {  	v3 =	vld.idx.msk [tilespmem:v21+s29+$0x0], $0xffff  }
0x1ee: {  	v5 =	vld.idx.msk [tilespmem:v21+s30+$0x0], $0xffff  }
0x1ef: {  	v23 =	vld.idx.msk [tilespmem:v1+s29+$0x0], $0xffff  }
0x1f0: {  	v1 =	vld.idx.msk [tilespmem:v1+s30+$0x0], $0xffff;
	_ =	sdelay $0x2  }
0x1f1: {  	v2 =	vsub.f32 v2, v22;
	v3 =	vsub.f32 v3, v5  }
0x1f2: {  	v24 =	vld [tilespmem:s26+$0x0]  }
0x1f3: {  	v27 =	vld [tilespmem:s25+$0x0];
	v25 =	vmul.f32 v2, v2;
	v26 =	vmul.f32 v3, v3;
	v1 =	vsub.f32 v23, v1;
	_ =	sdelay $0x1  }
0x1f4: {  	v5 =	vadd.f32 v26, v25;
	v28 =	vmul.f32 v1, v1;
	_ =	sdelay $0x1  }
0x1f5: {  	v5 =	vadd.f32 v28, v5  }
0x1f6: {  	vm12 =	veq.s32 v24, v27  }
0x1f7: {  	v4 =	vsel vm12, $0x3F800000, v5  }
0x1f8: {  	v29 =	vshrl.u32 v4, $0x1;
	v4 =	vmul.f32 $-5.000000000e-01, v4  }
0x1f9: {  	v6 =	vsub.s32 $0x5F3759DF, v29  }
0x1fa: {  	v30 =	vmul.f32 v6, v4;
	_ =	sdelay $0x1  }
0x1fb: {  	v7 =	vmul.f32 v6, v30;
	_ =	sdelay $0x1  }
0x1fc: {  	v7 =	vadd.f32 $1.500000000e+00, v7;
	_ =	sdelay $0x1  }
0x1fd: {  	v6 =	vmul.f32 v6, v7;
	_ =	sdelay $0x1  }
0x1fe: {  	v4 =	vmul.f32 v6, v4;
	_ =	sdelay $0x1  }
0x1ff: {  	v4 =	vmul.f32 v4, v6;
	_ =	sdelay $0x1  }
0x200: {  	v4 =	vadd.f32 $1.500000000e+00, v4;
	_ =	sdelay $0x1  }
0x201: {  	s31 =	sadd.s32 $0xFFFFFFE0, s12;
	v4 =	vmul.f32 v4, v6  }
0x202: {  	v31 =	vmov s31  }
0x203: {  	v6 =	vshll.u32 v31, $0x3;
	v5 =	vmul.f32 v4, v5  }
0x204: {  	v6 =	vor.u32 v0, v6;
	v2 =	vmul.f32 v4, v2  }
0x205: {  	v3 =	vmul.f32 v4, v3;
	[tilespmem:s8+$0x0] =	vst v5  }
0x206: {  	v32 =	vor.u32 $0x1, v6;
	v1 =	vmul.f32 v4, v1;
	[tilespmem:s15+$0xFFFFFF80] =	vst v2  }
0x207: {  	[tilespmem:s15+$0x0] =	vst v3  }
0x208: {  	[tilespmem:s15+$0x80] =	vst v1;
	v1 =	vor.u32 $0x2, v6  }
0x209: {  	v2 =	vld.idx.msk [tilespmem:v6+s29+$0x0], $0xffff  }
0x20a: {  	v33 =	vld.idx.msk [tilespmem:v6+s30+$0x0], $0xffff  }
0x20b: {  	v3 =	vld.idx.msk [tilespmem:v32+s29+$0x0], $0xffff  }
0x20c: {  	v5 =	vld.idx.msk [tilespmem:v32+s30+$0x0], $0xffff  }
0x20d: {  	v34 =	vld.idx.msk [tilespmem:v1+s29+$0x0], $0xffff  }
0x20e: {  	v1 =	vld.idx.msk [tilespmem:v1+s30+$0x0], $0xffff;
	_ =	sdelay $0x2  }
0x20f: {  	v2 =	vsub.f32 v2, v33;
	v3 =	vsub.f32 v3, v5  }
0x210: {  	v35 =	vld [tilespmem:s26+$0x10]  }
0x211: {  	v38 =	vld [tilespmem:s25+$0x10];
	v36 =	vmul.f32 v2, v2;
	v37 =	vmul.f32 v3, v3;
	v1 =	vsub.f32 v34, v1;
	_ =	sdelay $0x1  }
0x212: {  	v5 =	vadd.f32 v37, v36;
	v39 =	vmul.f32 v1, v1;
	_ =	sdelay $0x1  }
0x213: {  	v5 =	vadd.f32 v39, v5  }
0x214: {  	vm13 =	veq.s32 v35, v38  }
0x215: {  	v4 =	vsel vm13, $0x3F800000, v5  }
0x216: {  	v40 =	vshrl.u32 v4, $0x1;
	v4 =	vmul.f32 $-5.000000000e-01, v4  }
0x217: {  	v6 =	vsub.s32 $0x5F3759DF, v40  }
0x218: {  	v41 =	vmul.f32 v6, v4;
	_ =	sdelay $0x1  }
0x219: {  	v7 =	vmul.f32 v6, v41;
	_ =	sdelay $0x1  }
0x21a: {  	v7 =	vadd.f32 $1.500000000e+00, v7;
	_ =	sdelay $0x1  }
0x21b: {  	v6 =	vmul.f32 v6, v7;
	_ =	sdelay $0x1  }
0x21c: {  	v4 =	vmul.f32 v6, v4;
	_ =	sdelay $0x1  }
0x21d: {  	v4 =	vmul.f32 v4, v6;
	_ =	sdelay $0x1  }
0x21e: {  	v4 =	vadd.f32 $1.500000000e+00, v4;
	_ =	sdelay $0x1  }
0x21f: {  	s31 =	sadd.s32 $0xFFFFFFF0, s12;
	v4 =	vmul.f32 v4, v6  }
0x220: {  	v42 =	vmov s31  }
0x221: {  	v6 =	vshll.u32 v42, $0x3;
	v5 =	vmul.f32 v4, v5  }
0x222: {  	v6 =	vor.u32 v0, v6;
	v2 =	vmul.f32 v4, v2  }
0x223: {  	v3 =	vmul.f32 v4, v3;
	[tilespmem:s8+$0x10] =	vst v5  }
0x224: {  	v43 =	vor.u32 $0x1, v6;
	v1 =	vmul.f32 v4, v1;
	[tilespmem:s15+$0xFFFFFF90] =	vst v2  }
0x225: {  	[tilespmem:s15+$0x10] =	vst v3  }
0x226: {  	[tilespmem:s15+$0x90] =	vst v1;
	v1 =	vor.u32 $0x2, v6  }
0x227: {  	v2 =	vld.idx.msk [tilespmem:v6+s29+$0x0], $0xffff  }
0x228: {  	v44 =	vld.idx.msk [tilespmem:v6+s30+$0x0], $0xffff  }
0x229: {  	v3 =	vld.idx.msk [tilespmem:v43+s29+$0x0], $0xffff  }
0x22a: {  	v5 =	vld.idx.msk [tilespmem:v43+s30+$0x0], $0xffff  }
0x22b: {  	v45 =	vld.idx.msk [tilespmem:v1+s29+$0x0], $0xffff  }
0x22c: {  	v1 =	vld.idx.msk [tilespmem:v1+s30+$0x0], $0xffff;
	_ =	sdelay $0x2  }
0x22d: {  	v2 =	vsub.f32 v2, v44;
	v3 =	vsub.f32 v3, v5  }
0x22e: {  	v46 =	vld [tilespmem:s26+$0x20]  }
0x22f: {  	v49 =	vld [tilespmem:s25+$0x20];
	v47 =	vmul.f32 v2, v2;
	v48 =	vmul.f32 v3, v3;
	v1 =	vsub.f32 v45, v1;
	_ =	sdelay $0x1  }
0x230: {  	v5 =	vadd.f32 v48, v47;
	v50 =	vmul.f32 v1, v1;
	_ =	sdelay $0x1  }
0x231: {  	v5 =	vadd.f32 v50, v5  }
0x232: {  	vm14 =	veq.s32 v46, v49  }
0x233: {  	v4 =	vsel vm14, $0x3F800000, v5  }
0x234: {  	v51 =	vshrl.u32 v4, $0x1;
	v4 =	vmul.f32 $-5.000000000e-01, v4  }
0x235: {  	v6 =	vsub.s32 $0x5F3759DF, v51  }
0x236: {  	v52 =	vmul.f32 v6, v4;
	_ =	sdelay $0x1  }
0x237: {  	v7 =	vmul.f32 v6, v52;
	_ =	sdelay $0x1  }
0x238: {  	v7 =	vadd.f32 $1.500000000e+00, v7;
	_ =	sdelay $0x1  }
0x239: {  	v6 =	vmul.f32 v6, v7;
	_ =	sdelay $0x1  }
0x23a: {  	v4 =	vmul.f32 v6, v4;
	_ =	sdelay $0x1  }
0x23b: {  	v4 =	vmul.f32 v4, v6;
	_ =	sdelay $0x1  }
0x23c: {  	v4 =	vadd.f32 $1.500000000e+00, v4;
	_ =	sdelay $0x1  }
0x23d: {  	v4 =	vmul.f32 v4, v6  }
0x23e: {  	v53 =	vmov s12  }
0x23f: {  	v6 =	vshll.u32 v53, $0x3;
	v5 =	vmul.f32 v4, v5  }
0x240: {  	v6 =	vor.u32 v0, v6;
	v2 =	vmul.f32 v4, v2  }
0x241: {  	v3 =	vmul.f32 v4, v3;
	[tilespmem:s8+$0x20] =	vst v5  }
0x242: {  	v54 =	vor.u32 $0x1, v6;
	v1 =	vmul.f32 v4, v1;
	[tilespmem:s15+$0xFFFFFFA0] =	vst v2  }
0x243: {  	[tilespmem:s15+$0x20] =	vst v3  }
0x244: {  	[tilespmem:s15+$0xA0] =	vst v1;
	v1 =	vor.u32 $0x2, v6  }
0x245: {  	v2 =	vld.idx.msk [tilespmem:v6+s29+$0x0], $0xffff  }
0x246: {  	v55 =	vld.idx.msk [tilespmem:v6+s30+$0x0], $0xffff  }
0x247: {  	v3 =	vld.idx.msk [tilespmem:v54+s29+$0x0], $0xffff  }
0x248: {  	v5 =	vld.idx.msk [tilespmem:v54+s30+$0x0], $0xffff  }
0x249: {  	v56 =	vld.idx.msk [tilespmem:v1+s29+$0x0], $0xffff  }
0x24a: {  	v1 =	vld.idx.msk [tilespmem:v1+s30+$0x0], $0xffff;
	_ =	sdelay $0x2  }
0x24b: {  	v2 =	vsub.f32 v2, v55;
	v3 =	vsub.f32 v3, v5  }
0x24c: {  	v57 =	vld [tilespmem:s26+$0x30]  }
0x24d: {  	v60 =	vld [tilespmem:s25+$0x30];
	v58 =	vmul.f32 v2, v2;
	v59 =	vmul.f32 v3, v3;
	v1 =	vsub.f32 v56, v1;
	_ =	sdelay $0x1  }
0x24e: {  	v5 =	vadd.f32 v59, v58;
	v61 =	vmul.f32 v1, v1;
	_ =	sdelay $0x1  }
0x24f: {  	v5 =	vadd.f32 v61, v5  }
0x250: {  	vm15 =	veq.s32 v57, v60  }
0x251: {  	v4 =	vsel vm15, $0x3F800000, v5  }
0x252: {  	v62 =	vshrl.u32 v4, $0x1;
	v4 =	vmul.f32 $-5.000000000e-01, v4  }
0x253: {  	v6 =	vsub.s32 $0x5F3759DF, v62  }
0x254: {  	v63 =	vmul.f32 v6, v4;
	_ =	sdelay $0x1  }
0x255: {  	v7 =	vmul.f32 v6, v63;
	_ =	sdelay $0x1  }
0x256: {  	v7 =	vadd.f32 $1.500000000e+00, v7;
	_ =	sdelay $0x1  }
0x257: {  	v6 =	vmul.f32 v6, v7;
	_ =	sdelay $0x1  }
0x258: {  	v4 =	vmul.f32 v6, v4;
	_ =	sdelay $0x1  }
0x259: {  	v4 =	vmul.f32 v4, v6;
	_ =	sdelay $0x1  }
0x25a: {  	v4 =	vadd.f32 $1.500000000e+00, v4;
	_ =	sdelay $0x1  }
0x25b: {  	v4 =	vmul.f32 v4, v6;
	_ =	sdelay $0x1  }
0x25c: {  	p0 =	sne.s32 s12, $0x7F0;
	v5 =	vmul.f32 v4, v5  }
.Ltmp7:
0x25d: {  	v2 =	vmul.f32 v4, v2;
	(pc) =	sbr.rel @p0 .LBB2_7-.Ltmp7, $4  }
0x25e: {  	v3 =	vmul.f32 v4, v3;
	[tilespmem:s8+$0x30] =	vst v5  }
0x25f: {  	v1 =	vmul.f32 v4, v1;
	[tilespmem:s15+$0xFFFFFFB0] =	vst v2  }
0x260: {  	s12 =	sadd.s32 $0x80, s12;
	s25 =	sadd.s32 $0x80, s25;
	[tilespmem:s15+$0x30] =	vst v3  }
0x261: {  	s26 =	sadd.s32 $0x80, s26;
	s8 =	sadd.s32 $0x80, s8;
	[tilespmem:s15+$0xB0] =	vst v1;
	s15 =	sadd.s32 $0x200, s15  }
0x262: {  	s8 =	sshll.u32 s10, $0x4  }
0x263: {  	s8 =	sadd.s32 s7, s8  }
0x264: {  	s8 =	smin.u32 s8, s9  }
0x265: {  	s31 =	sshll.u32 s8, $0x4  }
0x266: {  	s12 =	simm.s32 $0x12800;
	s8 =	sshll.u32 s8, $0x6;
	s10 =	sadd.s32 s3, s31  }
0x267: {  	[hbm4b:s10+s4] =	stream.linear.scatter [tilespmem:s12], [sflag:$0x6], $0x800, $0x38;
	[tilespmem:$0x17000] =	vst v63  }
0x268: {  	p0 =	sgt.u32 s21, $0xA;
	s8 =	sadd.s32 s6, s8  }
0x269: {  	[hbm4b:s8+s4] =	stream.linear.scatter [tilespmem:s0], [sflag:$0x6], $0x2000, $0x38;
	[tilespmem:$0x17000] =	vst v63  }
0x26a: {  	s8 =	sadd.s32 @!p0 s11, s14  }
0x26b: {  	s8 =	smin.u32 @!p0 s8, s9  }
0x26c: {  	s12 =	simm.s32 @!p0 $0x800;
	s8 =	sshll.u32 @!p0 s8, $0x7  }
.Ltmp8:
0x26d: {  	s10 =	sshrl.u32 @!p0 s8, $0x3;
	s8 =	sadd.s32 @!p0 $0x186A00, s8;
	(pc) =	sbr.rel .LBB2_9-.Ltmp8, $4  }
0x26e: {  	s11 =	simm.s32 @!p0 $0x0;
	s10 =	sadd.s32 @!p0 s2, s10;
	s8 =	sshrl.u32 @!p0 s8, $0x3  }
0x26f: {  	[tilespmem:s12], [sflag:$0x2] =	stream.linear.gather @!p0 [hbm4b:s10+s11], $0x800, $0x38;
	[tilespmem:$0x17000] =	vst v63  }
0x270: {  	s8 =	sadd.s32 @!p0 s2, s8;
	s10 =	simm.s32 @!p0 $0x1800  }
0x271: {  	[tilespmem:s10], [sflag:$0x2] =	stream.linear.gather @!p0 [hbm4b:s8+s11], $0x800, $0x38;
	[tilespmem:$0x17000] =	vst v63  }
.LBB2_11:
0x272: {  	_ =	sfence.sel $0x180000  }
0x273: {  	[bflag:$0x0] =	sbarrier.arrive $0xFFFF  }
0x274: {  	_ =	strace $0x90000047  }
0x275: {  	s0 =	stileid.u32;
	[bflag:$0x2] =	sbarrier.arrive $0xFFFF  }
0x276: {  	p0 =	sne.s32 s0, $0x0;
	s0 =	rddreg [dreg:$0x3]  }
0x277: {  	s0 =	sadd.s32 @!p0 $0x100000, s0  }
0x278: {  	[sflag:s0] =	ssyncadd.tile.s32 @!p0 $0x1;
	_ =	shalt  }
.Lfunc_end2:
_tile_overlayer_lowered:
.L_overlay_start_2:
0x279: {  	(tag) =	ssettag $0x2  }
0x27a: {  	s0 =	rddreg [dreg:$0x0];
	s2 =	stileid.u32  }
0x27b: {  	s1 =	rddreg [dreg:$0x1];
	p0 =	sne.s32 s2, $0x0  }
0x27c: {  	s3 =	rddreg [dreg:$0x2];
	[bflag:$0x3] =	sbarrier.arrive $0xFFFF;
	s2 =	simm.s32 @!p0 $0x1C07  }
0x27d: {  	[timem:s3], [sflag:s2] =	dma.local @!p0 [hbm:s0], s1  }
0x27e: {  	s0 =	simm.s32 @!p0 $0x7  }
0x27f: {  	_ =	swait.ge @!p0 [sflag:s0], s1  }
0x280: {  	s1 =	ssub.s32 @!p0 $0x0, s1;
	[sflag:s0] =	ssyncset.done @!p0 $0x0  }
0x281: {  	[sflag:s0] =	ssyncadd.s32 @!p0 s1  }
0x282: {  	[bflag:$0x3] =	sbarrier.arrive $0xFFFF  }
0x283: {  	_ =	shalt  }

</sc_bundles>
